<compile_context>
chip_gen: v7x
topology: tpu7x:2x2x1
jax: 0.10.2.dev20260603
libtpu: 0.0.44.dev20260713+nightly
codegen_flags: <defaults>
</compile_context>

<pallas_src>
import functools

import jax
import jax.numpy as jnp
from jax import lax
from jax.experimental import pallas as pl
from jax.experimental.pallas import tpu as pltpu
from jax.experimental.pallas import tpu_sc as plsc

N = 10000
E = 320000
D = 128

NC, NS = 2, 16
NW = NC * NS
CH = 64
NCH = 162
NB = 3
E_PAD = NW * NCH * CH
JROWS = 128
NROWS = N + JROWS
RPT = 632
LAST = N - (NS - 1) * RPT

_sc_mesh = plsc.VectorSubcoreMesh(core_axis_name="c", subcore_axis_name="s")


def _zero_owned(zsrc_hbm, acc, s):
    off = pl.multiple_of(s * RPT, 8)

    @pl.when(s < NS - 1)
    def _full():
        pltpu.sync_copy(zsrc_hbm, acc.at[pl.ds(off, RPT)])

    @pl.when(s == NS - 1)
    def _tail():
        pltpu.sync_copy(zsrc_hbm.at[pl.ds(0, LAST)], acc.at[pl.ds(off, LAST)])


def _writeback_owned(acc, out_hbm, c, s):
    off = pl.multiple_of(s * RPT, 8)

    @pl.when(s < NS - 1)
    def _full():
        pltpu.sync_copy(acc.at[pl.ds(off, RPT)], out_hbm.at[c, pl.ds(off, RPT)])

    @pl.when(s == NS - 1)
    def _tail():
        pltpu.sync_copy(acc.at[pl.ds(off, LAST)], out_hbm.at[c, pl.ds(off, LAST)])


@functools.partial(
    pl.kernel,
    out_type=jax.ShapeDtypeStruct((NC, N, D), jnp.float32),
    mesh=_sc_mesh,
    scratch_types=[
        pltpu.VMEM_SHARED((NROWS, D), jnp.float32),
        pltpu.VMEM((CH, D), jnp.float32),
        pltpu.VMEM((NCH, CH), jnp.int32),
        pltpu.SemaphoreType.DMA,
    ],
)
def _deg_kernel(dst3_hbm, ones_hbm, zrow_hbm, out_hbm, acc, ones_v, didx_v, ssem):
    c = lax.axis_index("c")
    s = lax.axis_index("s")
    wid = c * NS + s
    _zero_owned(zrow_hbm, acc, s)
    pltpu.sync_copy(ones_hbm, ones_v)
    pltpu.sync_copy(dst3_hbm.at[wid], didx_v)
    plsc.subcore_barrier()

    def fire(k, carry):
        pltpu.async_copy(ones_v, acc.at[didx_v.at[k]], ssem, add=True)
        return carry

    lax.fori_loop(0, NCH, fire, 0)

    def drain(k, carry):
        pltpu.make_async_copy(ones_v, acc.at[didx_v.at[0]], ssem).wait()
        return carry

    lax.fori_loop(0, NCH, drain, 0)
    plsc.subcore_barrier()
    _writeback_owned(acc, out_hbm, c, s)


MASK = (1 << 14) - 1


def _unpack_row(pk_v, k, out_small, shift):
    for m in range(CH // 16):
        v = pk_v[k, pl.ds(m * 16, 16)]
        out_small[0, pl.ds(m * 16, 16)] = (v >> shift) & MASK


@functools.partial(
    pl.kernel,
    out_type=jax.ShapeDtypeStruct((NC, N, D), jnp.float32),
    mesh=_sc_mesh,
    scratch_types=[
        pltpu.VMEM_SHARED((NROWS, D), jnp.float32),
        pltpu.VMEM((NCH, CH), jnp.int32),
    ]
    + [pltpu.VMEM((CH, D), jnp.float32)] * NB
    + [pltpu.VMEM((1, CH), jnp.int32)] * NB
    + [pltpu.VMEM((1, CH), jnp.int32)] * NB
    + [pltpu.SemaphoreType.DMA] * (2 * NB),
)
def _agg_kernel(h_hbm, pk3_hbm, zrow_hbm, out_hbm, acc, pk_v, *bufs):
    rows = bufs[:NB]
    sidx = bufs[NB:2 * NB]
    didx = bufs[2 * NB:3 * NB]
    gsem = bufs[3 * NB:4 * NB]
    ssem = bufs[4 * NB:]
    c = lax.axis_index("c")
    s = lax.axis_index("s")
    wid = c * NS + s
    _zero_owned(zrow_hbm, acc, s)
    pltpu.sync_copy(pk3_hbm.at[wid], pk_v)
    plsc.subcore_barrier()

    for b in range(NB - 1):
        _unpack_row(pk_v, b, sidx[b], 0)
        pltpu.async_copy(h_hbm.at[sidx[b].at[0]], rows[b], gsem[b])

    def group(g, carry):
        for b in range(NB):
            k = g * NB + b
            bj = (b + NB - 1) % NB
            pltpu.make_async_copy(h_hbm.at[sidx[b].at[0]], rows[b], gsem[b]).wait()
            _unpack_row(pk_v, k, didx[b], 14)
            pltpu.async_copy(rows[b], acc.at[didx[b].at[0]], ssem[b], add=True)

            @pl.when(k >= 1)
            def _drain_prev():
                pltpu.make_async_copy(rows[bj], acc.at[didx[bj].at[0]],
                                      ssem[bj]).wait()

            @pl.when(k + NB - 1 < NCH)
            def _prefetch():
                _unpack_row(pk_v, k + NB - 1, sidx[bj], 0)
                pltpu.async_copy(h_hbm.at[sidx[bj].at[0]], rows[bj], gsem[bj])

        return carry

    lax.fori_loop(0, NCH // NB, group, 0)
    bl = (NCH - 1) % NB
    pltpu.make_async_copy(rows[bl], acc.at[didx[bl].at[0]], ssem[bl]).wait()
    plsc.subcore_barrier()
    _writeback_owned(acc, out_hbm, c, s)


BN = 1000
G = N // BN


def _dinv_block(p_ref):
    deg = p_ref[0][:, 0:1] + p_ref[1][:, 0:1] + 1.0
    return lax.rsqrt(deg)


def _tc0_body(x_ref, w_ref, o_ref):
    o_ref[...] = jnp.dot(x_ref[...], w_ref[...], preferred_element_type=jnp.float32)


def _tc1_body(h_ref, p_ref, o_ref):
    o_ref[...] = h_ref[...] * _dinv_block(p_ref)


def _tc2_body(q_ref, hp_ref, p_ref, b_ref, w_ref, o_ref):
    dinv = _dinv_block(p_ref)
    agg = q_ref[0] + q_ref[1] + hp_ref[...]
    z = jnp.maximum(agg * dinv + b_ref[...], 0.0)
    o_ref[...] = jnp.dot(z, w_ref[...], preferred_element_type=jnp.float32) * dinv


def _tc3_body(q_ref, hp_ref, p_ref, b_ref, o_ref):
    dinv = _dinv_block(p_ref)
    agg = q_ref[0] + q_ref[1] + hp_ref[...]
    o_ref[...] = agg * dinv + b_ref[...]


_row_spec = pl.BlockSpec((BN, D), lambda i: (i, 0))
_p_spec = pl.BlockSpec((NC, BN, D), lambda i: (0, i, 0))
_q_spec = pl.BlockSpec((NC, BN, D), lambda i: (0, i, 0))
_w_spec = pl.BlockSpec((D, D), lambda i: (0, 0))
_b_spec = pl.BlockSpec((1, D), lambda i: (0, 0))
_out_sds = jax.ShapeDtypeStruct((N, D), jnp.float32)

_tc0 = pl.pallas_call(
    _tc0_body, grid=(G,),
    in_specs=[_row_spec, _w_spec],
    out_specs=_row_spec, out_shape=_out_sds,
)
_tc1 = pl.pallas_call(
    _tc1_body, grid=(G,),
    in_specs=[_row_spec, _p_spec],
    out_specs=_row_spec, out_shape=_out_sds,
)
_tc2 = pl.pallas_call(
    _tc2_body, grid=(G,),
    in_specs=[_q_spec, _row_spec, _p_spec, _b_spec, _w_spec],
    out_specs=_row_spec, out_shape=_out_sds,
)
_tc3 = pl.pallas_call(
    _tc3_body, grid=(G,),
    in_specs=[_q_spec, _row_spec, _p_spec, _b_spec],
    out_specs=_row_spec, out_shape=_out_sds,
)


def kernel(x, edge_idx, W1, b1, W2, b2):
    src = edge_idx[0]
    dst = edge_idx[1]
    npad = E_PAD - E
    pad_src = (jnp.arange(npad, dtype=jnp.int32) * 131) % N
    pad_dst = N + jnp.arange(npad, dtype=jnp.int32) % JROWS
    dst3 = jnp.concatenate([dst, pad_dst]).reshape(NW, NCH, CH)
    srcp = jnp.concatenate([src, pad_src])
    pk3 = (srcp | (jnp.concatenate([dst, pad_dst]) << 14)).reshape(NW, NCH, CH)
    ones_c = jnp.ones((CH, D), jnp.float32)
    zrow = jnp.zeros((RPT, D), jnp.float32)
    b1r = b1.reshape(1, D)
    b2r = b2.reshape(1, D)

    h1 = _tc0(x, W1)
    p = _deg_kernel(dst3, ones_c, zrow)
    h1p = _tc1(h1, p)
    q1 = _agg_kernel(h1p, pk3, zrow)
    h2p = _tc2(q1, h1p, p, b1r, W2)
    q2 = _agg_kernel(h2p, pk3, zrow)
    out = _tc3(q2, h2p, p, b2r)
    return out

# --- scband reference (transcript-rebuilt; emitter-appended) ---
"""Pipeline reference for scband-gcn-16518444220872 (READ-ONLY COPY).

The authoritative reference and input builder live on the scoring server;
editing this copy changes nothing except your own understanding.
"""

import jax, jax.numpy as jnp
import numpy as np

N = 10000
E = 320000
D_IN = 128
D_H = 128
D_OUT = 128


def setup_inputs(seed: int = 0) -> dict:
    key = jax.random.key(seed)
    k1, k2, k3, k4 = jax.random.split(key, 4)
    x = jax.random.normal(k1, (N, D_IN), dtype=jnp.float32)
    edge_idx = jax.random.randint(k2, (2, E), 0, N, dtype=jnp.int32)
    W1 = jax.random.normal(k3, (D_IN, D_H), dtype=jnp.float32) * (1.0 / np.sqrt(D_IN))
    b1 = jnp.zeros((D_H,), dtype=jnp.float32)
    W2 = jax.random.normal(k4, (D_H, D_OUT), dtype=jnp.float32) * (1.0 / np.sqrt(D_H))
    b2 = jnp.zeros((D_OUT,), dtype=jnp.float32)
    return {"x": x, "edge_idx": edge_idx, "W1": W1, "b1": b1, "W2": W2, "b2": b2}


def _gcn_conv(x, src, dst, W, b):
    # PyG GCNConv with gcn_norm: add self-loops, symmetric D^-1/2 (A+I) D^-1/2
    n = x.shape[0]
    h = x @ W
    loop = jnp.arange(n, dtype=src.dtype)
    src2 = jnp.concatenate([src, loop])
    dst2 = jnp.concatenate([dst, loop])
    ew = jnp.ones(src2.shape[0], dtype=h.dtype)
    deg = jax.ops.segment_sum(ew, dst2, num_segments=n)
    dinv = jnp.where(deg > 0, 1.0 / jnp.sqrt(deg), 0.0)
    norm = dinv[src2] * dinv[dst2]
    msg = h[src2] * norm[:, None]
    out = jax.ops.segment_sum(msg, dst2, num_segments=n)
    return out + b


def reference(x, edge_idx, W1, b1, W2, b2):
    src = edge_idx[0]
    dst = edge_idx[1]
    h = _gcn_conv(x, src, dst, W1, b1)
    h = jax.nn.relu(h)
    out = _gcn_conv(h, src, dst, W2, b2)
    return out

if __name__ == "__main__":
    import jax
    _d = setup_inputs()
    print(jax.jit(kernel)(*tuple(_d.values())))

</pallas_src>

<mosaic_0001>
#map = affine_map<(d0, d1) -> (0, 0)>
#map1 = affine_map<(d0, d1) -> (0, 0, 0)>
module attributes {stable_mosaic.version = 14 : i64} {
  func.func @_agg_kernel(%arg0: i32, %arg1: i32, %arg2: memref<10000x128xf32, #tpu.memory_space<hbm>>, %arg3: memref<32x162x64xi32, #tpu.memory_space<hbm>>, %arg4: memref<632x128xf32, #tpu.memory_space<hbm>>, %arg5: memref<2x10000x128xf32, #tpu.memory_space<hbm>>, %arg6: memref<10128x128xf32, #tpu.memory_space<vmem_shared>>, %arg7: memref<162x64xi32, #tpu.memory_space<vmem>>, %arg8: memref<64x128xf32, #tpu.memory_space<vmem>>, %arg9: memref<64x128xf32, #tpu.memory_space<vmem>>, %arg10: memref<64x128xf32, #tpu.memory_space<vmem>>, %arg11: memref<1x64xi32, #tpu.memory_space<vmem>>, %arg12: memref<1x64xi32, #tpu.memory_space<vmem>>, %arg13: memref<1x64xi32, #tpu.memory_space<vmem>>, %arg14: memref<1x64xi32, #tpu.memory_space<vmem>>, %arg15: memref<1x64xi32, #tpu.memory_space<vmem>>, %arg16: memref<1x64xi32, #tpu.memory_space<vmem>>, %arg17: memref<!tpu.dma_semaphore, #tpu.memory_space<semaphore_mem>>, %arg18: memref<!tpu.dma_semaphore, #tpu.memory_space<semaphore_mem>>, %arg19: memref<!tpu.dma_semaphore, #tpu.memory_space<semaphore_mem>>, %arg20: memref<!tpu.dma_semaphore, #tpu.memory_space<semaphore_mem>>, %arg21: memref<!tpu.dma_semaphore, #tpu.memory_space<semaphore_mem>>, %arg22: memref<!tpu.dma_semaphore, #tpu.memory_space<semaphore_mem>>) attributes {dimension_semantics = [#tpu.dimension_semantics<core_parallel>, #tpu.dimension_semantics<subcore_parallel>], iteration_bounds = array<i64: 2, 16>, scalar_prefetch = 0 : i64, scratch_operands = 17 : i64, tpu.core_type = #tpu.core_type<sc_vector_subcore>, window_params = [{transform_indices = #map}, {transform_indices = #map1}, {transform_indices = #map}, {transform_indices = #map1}]} {
    %mul3A = arith.constant 16 : i32
    %mul3A_0 = arith.muli %arg0, %mul3A : i32
    %add3A = arith.addi %mul3A_0, %arg1 : i32
    %mul3A_1 = arith.constant 632 : i32
    %mul3A_2 = arith.muli %arg1, %mul3A_1 : i32
    %multiple_of3A = tpu.assume_multiple %mul3A_2, 8 : i32
    %lt3A = arith.constant 15 : i32
    %lt3A_3 = arith.cmpi slt, %arg1, %lt3A : i32
    %convert_element_type3A = arith.extui %lt3A_3 : i1 to i32
    %cond3A = arith.constant 0 : i32
    %cond3A_4 = arith.cmpi ne, %convert_element_type3A, %cond3A : i32
    scf.if %cond3A_4 {
      "tpu.region"() ({
        %run_scoped3A = tpu.sem_alloc : memref<!tpu.dma_semaphore, #tpu.memory_space<semaphore_mem>>
        %dma_start3A_179 = arith.constant 0 : i32
        %dma_start3A_180 = tpu.memref_slice %arg6[%multiple_of3A, %dma_start3A_179] : memref<10128x128xf32, #tpu.memory_space<vmem_shared>> -> memref<632x128xf32, #tpu.memory_space<vmem_shared>>
        tpu.enqueue_dma source(%arg4 : memref<632x128xf32, #tpu.memory_space<hbm>>) target(%dma_start3A_180 : memref<632x128xf32, #tpu.memory_space<vmem_shared>>) target_semaphore(%run_scoped3A : memref<!tpu.dma_semaphore, #tpu.memory_space<semaphore_mem>>)
        %dma_wait3A_181 = arith.constant 0 : i32
        %dma_wait3A_182 = tpu.memref_slice %arg6[%multiple_of3A, %dma_wait3A_181] : memref<10128x128xf32, #tpu.memory_space<vmem_shared>> -> memref<632x128xf32, #tpu.memory_space<vmem_shared>>
        tpu.wait_dma2 semaphore(%run_scoped3A : memref<!tpu.dma_semaphore, #tpu.memory_space<semaphore_mem>>) src(%arg4 : memref<632x128xf32, #tpu.memory_space<hbm>>) dst(%dma_wait3A_182 : memref<632x128xf32, #tpu.memory_space<vmem_shared>>)
        tpu.yield
      }) : () -> ()
    } else {
    }
    %eq3A = arith.constant 15 : i32
    %eq3A_5 = arith.cmpi eq, %arg1, %eq3A : i32
    %convert_element_type3A_6 = arith.extui %eq3A_5 : i1 to i32
    %cond3A_7 = arith.constant 0 : i32
    %cond3A_8 = arith.cmpi ne, %convert_element_type3A_6, %cond3A_7 : i32
    scf.if %cond3A_8 {
      "tpu.region"() ({
        %run_scoped3A = tpu.sem_alloc : memref<!tpu.dma_semaphore, #tpu.memory_space<semaphore_mem>>
        %dma_start3A_179 = arith.constant 0 : i32
        %dma_start3A_180 = tpu.memref_slice %arg6[%multiple_of3A, %dma_start3A_179] : memref<10128x128xf32, #tpu.memory_space<vmem_shared>> -> memref<520x128xf32, #tpu.memory_space<vmem_shared>>
        %dma_start3A_181 = arith.constant 0 : i32
        %dma_start3A_182 = arith.constant 0 : i32
        %dma_start3A_183 = tpu.memref_slice %arg4[%dma_start3A_181, %dma_start3A_182] : memref<632x128xf32, #tpu.memory_space<hbm>> -> memref<520x128xf32, #tpu.memory_space<hbm>>
        tpu.enqueue_dma source(%dma_start3A_183 : memref<520x128xf32, #tpu.memory_space<hbm>>) target(%dma_start3A_180 : memref<520x128xf32, #tpu.memory_space<vmem_shared>>) target_semaphore(%run_scoped3A : memref<!tpu.dma_semaphore, #tpu.memory_space<semaphore_mem>>)
        %dma_wait3A_184 = arith.constant 0 : i32
        %dma_wait3A_185 = tpu.memref_slice %arg6[%multiple_of3A, %dma_wait3A_184] : memref<10128x128xf32, #tpu.memory_space<vmem_shared>> -> memref<520x128xf32, #tpu.memory_space<vmem_shared>>
        %dma_wait3A_186 = arith.constant 0 : i32
        %dma_wait3A_187 = arith.constant 0 : i32
        %dma_wait3A_188 = tpu.memref_slice %arg4[%dma_wait3A_186, %dma_wait3A_187] : memref<632x128xf32, #tpu.memory_space<hbm>> -> memref<520x128xf32, #tpu.memory_space<hbm>>
        tpu.wait_dma2 semaphore(%run_scoped3A : memref<!tpu.dma_semaphore, #tpu.memory_space<semaphore_mem>>) src(%dma_wait3A_188 : memref<520x128xf32, #tpu.memory_space<hbm>>) dst(%dma_wait3A_185 : memref<520x128xf32, #tpu.memory_space<vmem_shared>>)
        tpu.yield
      }) : () -> ()
    } else {
    }
    "tpu.region"() ({
      %run_scoped3A = tpu.sem_alloc : memref<!tpu.dma_semaphore, #tpu.memory_space<semaphore_mem>>
      %dma_start3A_179 = arith.constant 0 : i32
      %dma_start3A_180 = arith.constant 0 : i32
      %dma_start3A_181 = tpu.memref_slice %arg3[%add3A, %dma_start3A_179, %dma_start3A_180] : memref<32x162x64xi32, #tpu.memory_space<hbm>> -> memref<1x162x64xi32, #tpu.memory_space<hbm>>
      %dma_start3A_182 = tpu.memref_squeeze %dma_start3A_181 : memref<1x162x64xi32, #tpu.memory_space<hbm>> -> memref<162x64xi32, #tpu.memory_space<hbm>>
      %dma_start3A_183 = arith.constant 0 : i32
      %dma_start3A_184 = arith.constant 0 : i32
      %dma_start3A_185 = tpu.memref_slice %arg3[%add3A, %dma_start3A_183, %dma_start3A_184] : memref<32x162x64xi32, #tpu.memory_space<hbm>> -> memref<1x162x64xi32, #tpu.memory_space<hbm>>
      %dma_start3A_186 = tpu.memref_squeeze %dma_start3A_185 : memref<1x162x64xi32, #tpu.memory_space<hbm>> -> memref<162x64xi32, #tpu.memory_space<hbm>>
      tpu.enqueue_dma source(%dma_start3A_186 : memref<162x64xi32, #tpu.memory_space<hbm>>) target(%arg7 : memref<162x64xi32, #tpu.memory_space<vmem>>) target_semaphore(%run_scoped3A : memref<!tpu.dma_semaphore, #tpu.memory_space<semaphore_mem>>)
      %dma_wait3A_187 = arith.constant 0 : i32
      %dma_wait3A_188 = arith.constant 0 : i32
      %dma_wait3A_189 = tpu.memref_slice %arg3[%add3A, %dma_wait3A_187, %dma_wait3A_188] : memref<32x162x64xi32, #tpu.memory_space<hbm>> -> memref<1x162x64xi32, #tpu.memory_space<hbm>>
      %dma_wait3A_190 = tpu.memref_squeeze %dma_wait3A_189 : memref<1x162x64xi32, #tpu.memory_space<hbm>> -> memref<162x64xi32, #tpu.memory_space<hbm>>
      %dma_wait3A_191 = arith.constant 0 : i32
      %dma_wait3A_192 = arith.constant 0 : i32
      %dma_wait3A_193 = tpu.memref_slice %arg3[%add3A, %dma_wait3A_191, %dma_wait3A_192] : memref<32x162x64xi32, #tpu.memory_space<hbm>> -> memref<1x162x64xi32, #tpu.memory_space<hbm>>
      %dma_wait3A_194 = tpu.memref_squeeze %dma_wait3A_193 : memref<1x162x64xi32, #tpu.memory_space<hbm>> -> memref<162x64xi32, #tpu.memory_space<hbm>>
      tpu.wait_dma2 semaphore(%run_scoped3A : memref<!tpu.dma_semaphore, #tpu.memory_space<semaphore_mem>>) src(%dma_wait3A_194 : memref<162x64xi32, #tpu.memory_space<hbm>>) dst(%arg7 : memref<162x64xi32, #tpu.memory_space<vmem>>)
      tpu.yield
    }) : () -> ()
    %barrier3A = arith.constant 0 : index
    tpu.barrier barrier_id(%barrier3A)
    %get3A = arith.constant 0 : i32
    %get3A_9 = arith.index_cast %get3A : i32 to index
    %get3A_10 = arith.constant 0 : index
    %get3A_11 = tpu.vector_load %arg7[%get3A_9, %get3A_10] {strides = array<i32>} : memref<162x64xi32, #tpu.memory_space<vmem>>, vector<1x16xi32>,
    %get3A_12 = vector.shape_cast %get3A_11 : vector<1x16xi32> to vector<16xi32>
    %shift_right_arithmetic3A = arith.constant 0 : i32
    %shift_right_arithmetic3A_13 = vector.broadcast %shift_right_arithmetic3A : i32 to vector<16xi32>
    %shift_right_arithmetic3A_14 = arith.shrsi %get3A_12, %shift_right_arithmetic3A_13 : vector<16xi32>
    %and3A = arith.constant 16383 : i32
    %and3A_15 = vector.broadcast %and3A : i32 to vector<16xi32>
    %and3A_16 = arith.andi %shift_right_arithmetic3A_14, %and3A_15 : vector<16xi32>
    %swap3A = arith.constant 0 : i32
    %swap3A_17 = arith.index_cast %swap3A : i32 to index
    %swap3A_18 = arith.constant 0 : index
    %swap3A_19 = tpu.vector_load %arg11[%swap3A_17, %swap3A_18] {strides = array<i32>} : memref<1x64xi32, #tpu.memory_space<vmem>>, vector<1x16xi32>,
    %swap3A_20 = vector.shape_cast %swap3A_19 : vector<1x16xi32> to vector<16xi32>
    %swap3A_21 = vector.shape_cast %and3A_16 : vector<16xi32> to vector<1x16xi32>
    tpu.vector_store %arg11[%swap3A_17, %swap3A_18], %swap3A_21 {strides = array<i32>} : memref<1x64xi32, #tpu.memory_space<vmem>>, vector<1x16xi32>,
    %get3A_22 = arith.constant 0 : i32
    %get3A_23 = arith.index_cast %get3A_22 : i32 to index
    %get3A_24 = arith.constant 16 : index
    %get3A_25 = tpu.vector_load %arg7[%get3A_23, %get3A_24] {strides = array<i32>} : memref<162x64xi32, #tpu.memory_space<vmem>>, vector<1x16xi32>,
    %get3A_26 = vector.shape_cast %get3A_25 : vector<1x16xi32> to vector<16xi32>
    %shift_right_arithmetic3A_27 = arith.constant 0 : i32
    %shift_right_arithmetic3A_28 = vector.broadcast %shift_right_arithmetic3A_27 : i32 to vector<16xi32>
    %shift_right_arithmetic3A_29 = arith.shrsi %get3A_26, %shift_right_arithmetic3A_28 : vector<16xi32>
    %and3A_30 = arith.constant 16383 : i32
    %and3A_31 = vector.broadcast %and3A_30 : i32 to vector<16xi32>
    %and3A_32 = arith.andi %shift_right_arithmetic3A_29, %and3A_31 : vector<16xi32>
    %swap3A_33 = arith.constant 0 : i32
    %swap3A_34 = arith.index_cast %swap3A_33 : i32 to index
    %swap3A_35 = arith.constant 16 : index
    %swap3A_36 = tpu.vector_load %arg11[%swap3A_34, %swap3A_35] {strides = array<i32>} : memref<1x64xi32, #tpu.memory_space<vmem>>, vector<1x16xi32>,
    %swap3A_37 = vector.shape_cast %swap3A_36 : vector<1x16xi32> to vector<16xi32>
    %swap3A_38 = vector.shape_cast %and3A_32 : vector<16xi32> to vector<1x16xi32>
    tpu.vector_store %arg11[%swap3A_34, %swap3A_35], %swap3A_38 {strides = array<i32>} : memref<1x64xi32, #tpu.memory_space<vmem>>, vector<1x16xi32>,
    %get3A_39 = arith.constant 0 : i32
    %get3A_40 = arith.index_cast %get3A_39 : i32 to index
    %get3A_41 = arith.constant 32 : index
    %get3A_42 = tpu.vector_load %arg7[%get3A_40, %get3A_41] {strides = array<i32>} : memref<162x64xi32, #tpu.memory_space<vmem>>, vector<1x16xi32>,
    %get3A_43 = vector.shape_cast %get3A_42 : vector<1x16xi32> to vector<16xi32>
    %shift_right_arithmetic3A_44 = arith.constant 0 : i32
    %shift_right_arithmetic3A_45 = vector.broadcast %shift_right_arithmetic3A_44 : i32 to vector<16xi32>
    %shift_right_arithmetic3A_46 = arith.shrsi %get3A_43, %shift_right_arithmetic3A_45 : vector<16xi32>
    %and3A_47 = arith.constant 16383 : i32
    %and3A_48 = vector.broadcast %and3A_47 : i32 to vector<16xi32>
    %and3A_49 = arith.andi %shift_right_arithmetic3A_46, %and3A_48 : vector<16xi32>
    %swap3A_50 = arith.constant 0 : i32
    %swap3A_51 = arith.index_cast %swap3A_50 : i32 to index
    %swap3A_52 = arith.constant 32 : index
    %swap3A_53 = tpu.vector_load %arg11[%swap3A_51, %swap3A_52] {strides = array<i32>} : memref<1x64xi32, #tpu.memory_space<vmem>>, vector<1x16xi32>,
    %swap3A_54 = vector.shape_cast %swap3A_53 : vector<1x16xi32> to vector<16xi32>
    %swap3A_55 = vector.shape_cast %and3A_49 : vector<16xi32> to vector<1x16xi32>
    tpu.vector_store %arg11[%swap3A_51, %swap3A_52], %swap3A_55 {strides = array<i32>} : memref<1x64xi32, #tpu.memory_space<vmem>>, vector<1x16xi32>,
    %get3A_56 = arith.constant 0 : i32
    %get3A_57 = arith.index_cast %get3A_56 : i32 to index
    %get3A_58 = arith.constant 48 : index
    %get3A_59 = tpu.vector_load %arg7[%get3A_57, %get3A_58] {strides = array<i32>} : memref<162x64xi32, #tpu.memory_space<vmem>>, vector<1x16xi32>,
    %get3A_60 = vector.shape_cast %get3A_59 : vector<1x16xi32> to vector<16xi32>
    %shift_right_arithmetic3A_61 = arith.constant 0 : i32
    %shift_right_arithmetic3A_62 = vector.broadcast %shift_right_arithmetic3A_61 : i32 to vector<16xi32>
    %shift_right_arithmetic3A_63 = arith.shrsi %get3A_60, %shift_right_arithmetic3A_62 : vector<16xi32>
    %and3A_64 = arith.constant 16383 : i32
    %and3A_65 = vector.broadcast %and3A_64 : i32 to vector<16xi32>
    %and3A_66 = arith.andi %shift_right_arithmetic3A_63, %and3A_65 : vector<16xi32>
    %swap3A_67 = arith.constant 0 : i32
    %swap3A_68 = arith.index_cast %swap3A_67 : i32 to index
    %swap3A_69 = arith.constant 48 : index
    %swap3A_70 = tpu.vector_load %arg11[%swap3A_68, %swap3A_69] {strides = array<i32>} : memref<1x64xi32, #tpu.memory_space<vmem>>, vector<1x16xi32>,
    %swap3A_71 = vector.shape_cast %swap3A_70 : vector<1x16xi32> to vector<16xi32>
    %swap3A_72 = vector.shape_cast %and3A_66 : vector<16xi32> to vector<1x16xi32>
    tpu.vector_store %arg11[%swap3A_68, %swap3A_69], %swap3A_72 {strides = array<i32>} : memref<1x64xi32, #tpu.memory_space<vmem>>, vector<1x16xi32>,
    %dma_start3A = arith.constant 0 : i32
    %dma_start3A_73 = arith.constant 0 : i32
    %dma_start3A_74 = tpu.memref_slice %arg11[%dma_start3A, %dma_start3A_73] : memref<1x64xi32, #tpu.memory_space<vmem>> -> memref<1x64xi32, #tpu.memory_space<vmem>>
    %dma_start3A_75 = tpu.memref_squeeze %dma_start3A_74 : memref<1x64xi32, #tpu.memory_space<vmem>> -> memref<64xi32, #tpu.memory_space<vmem>>
    %dma_start3A_76 = arith.constant 0 : i32
    %dma_start3A_77 = arith.constant 0 : i32
    %dma_start3A_78 = tpu.memref_slice %arg2[%dma_start3A_76, %dma_start3A_77] : memref<10000x128xf32, #tpu.memory_space<hbm>> -> memref<10000x128xf32, #tpu.memory_space<hbm>>
    tpu.enqueue_indirect_dma source(%dma_start3A_78 : memref<10000x128xf32, #tpu.memory_space<hbm>>) target(%arg8 : memref<64x128xf32, #tpu.memory_space<vmem>>) offsets(%dma_start3A_75 : memref<64xi32, #tpu.memory_space<vmem>>) semaphore(%arg17 : memref<!tpu.dma_semaphore, #tpu.memory_space<semaphore_mem>>)
    %get3A_79 = arith.constant 1 : i32
    %get3A_80 = arith.index_cast %get3A_79 : i32 to index
    %get3A_81 = arith.constant 0 : index
    %get3A_82 = tpu.vector_load %arg7[%get3A_80, %get3A_81] {strides = array<i32>} : memref<162x64xi32, #tpu.memory_space<vmem>>, vector<1x16xi32>,
    %get3A_83 = vector.shape_cast %get3A_82 : vector<1x16xi32> to vector<16xi32>
    %shift_right_arithmetic3A_84 = arith.constant 0 : i32
    %shift_right_arithmetic3A_85 = vector.broadcast %shift_right_arithmetic3A_84 : i32 to vector<16xi32>
    %shift_right_arithmetic3A_86 = arith.shrsi %get3A_83, %shift_right_arithmetic3A_85 : vector<16xi32>
    %and3A_87 = arith.constant 16383 : i32
    %and3A_88 = vector.broadcast %and3A_87 : i32 to vector<16xi32>
    %and3A_89 = arith.andi %shift_right_arithmetic3A_86, %and3A_88 : vector<16xi32>
    %swap3A_90 = arith.constant 0 : i32
    %swap3A_91 = arith.index_cast %swap3A_90 : i32 to index
    %swap3A_92 = arith.constant 0 : index
    %swap3A_93 = tpu.vector_load %arg12[%swap3A_91, %swap3A_92] {strides = array<i32>} : memref<1x64xi32, #tpu.memory_space<vmem>>, vector<1x16xi32>,
    %swap3A_94 = vector.shape_cast %swap3A_93 : vector<1x16xi32> to vector<16xi32>
    %swap3A_95 = vector.shape_cast %and3A_89 : vector<16xi32> to vector<1x16xi32>
    tpu.vector_store %arg12[%swap3A_91, %swap3A_92], %swap3A_95 {strides = array<i32>} : memref<1x64xi32, #tpu.memory_space<vmem>>, vector<1x16xi32>,
    %get3A_96 = arith.constant 1 : i32
    %get3A_97 = arith.index_cast %get3A_96 : i32 to index
    %get3A_98 = arith.constant 16 : index
    %get3A_99 = tpu.vector_load %arg7[%get3A_97, %get3A_98] {strides = array<i32>} : memref<162x64xi32, #tpu.memory_space<vmem>>, vector<1x16xi32>,
    %get3A_100 = vector.shape_cast %get3A_99 : vector<1x16xi32> to vector<16xi32>
    %shift_right_arithmetic3A_101 = arith.constant 0 : i32
    %shift_right_arithmetic3A_102 = vector.broadcast %shift_right_arithmetic3A_101 : i32 to vector<16xi32>
    %shift_right_arithmetic3A_103 = arith.shrsi %get3A_100, %shift_right_arithmetic3A_102 : vector<16xi32>
    %and3A_104 = arith.constant 16383 : i32
    %and3A_105 = vector.broadcast %and3A_104 : i32 to vector<16xi32>
    %and3A_106 = arith.andi %shift_right_arithmetic3A_103, %and3A_105 : vector<16xi32>
    %swap3A_107 = arith.constant 0 : i32
    %swap3A_108 = arith.index_cast %swap3A_107 : i32 to index
    %swap3A_109 = arith.constant 16 : index
    %swap3A_110 = tpu.vector_load %arg12[%swap3A_108, %swap3A_109] {strides = array<i32>} : memref<1x64xi32, #tpu.memory_space<vmem>>, vector<1x16xi32>,
    %swap3A_111 = vector.shape_cast %swap3A_110 : vector<1x16xi32> to vector<16xi32>
    %swap3A_112 = vector.shape_cast %and3A_106 : vector<16xi32> to vector<1x16xi32>
    tpu.vector_store %arg12[%swap3A_108, %swap3A_109], %swap3A_112 {strides = array<i32>} : memref<1x64xi32, #tpu.memory_space<vmem>>, vector<1x16xi32>,
    %get3A_113 = arith.constant 1 : i32
    %get3A_114 = arith.index_cast %get3A_113 : i32 to index
    %get3A_115 = arith.constant 32 : index
    %get3A_116 = tpu.vector_load %arg7[%get3A_114, %get3A_115] {strides = array<i32>} : memref<162x64xi32, #tpu.memory_space<vmem>>, vector<1x16xi32>,
    %get3A_117 = vector.shape_cast %get3A_116 : vector<1x16xi32> to vector<16xi32>
    %shift_right_arithmetic3A_118 = arith.constant 0 : i32
    %shift_right_arithmetic3A_119 = vector.broadcast %shift_right_arithmetic3A_118 : i32 to vector<16xi32>
    %shift_right_arithmetic3A_120 = arith.shrsi %get3A_117, %shift_right_arithmetic3A_119 : vector<16xi32>
    %and3A_121 = arith.constant 16383 : i32
    %and3A_122 = vector.broadcast %and3A_121 : i32 to vector<16xi32>
    %and3A_123 = arith.andi %shift_right_arithmetic3A_120, %and3A_122 : vector<16xi32>
    %swap3A_124 = arith.constant 0 : i32
    %swap3A_125 = arith.index_cast %swap3A_124 : i32 to index
    %swap3A_126 = arith.constant 32 : index
    %swap3A_127 = tpu.vector_load %arg12[%swap3A_125, %swap3A_126] {strides = array<i32>} : memref<1x64xi32, #tpu.memory_space<vmem>>, vector<1x16xi32>,
    %swap3A_128 = vector.shape_cast %swap3A_127 : vector<1x16xi32> to vector<16xi32>
    %swap3A_129 = vector.shape_cast %and3A_123 : vector<16xi32> to vector<1x16xi32>
    tpu.vector_store %arg12[%swap3A_125, %swap3A_126], %swap3A_129 {strides = array<i32>} : memref<1x64xi32, #tpu.memory_space<vmem>>, vector<1x16xi32>,
    %get3A_130 = arith.constant 1 : i32
    %get3A_131 = arith.index_cast %get3A_130 : i32 to index
    %get3A_132 = arith.constant 48 : index
    %get3A_133 = tpu.vector_load %arg7[%get3A_131, %get3A_132] {strides = array<i32>} : memref<162x64xi32, #tpu.memory_space<vmem>>, vector<1x16xi32>,
    %get3A_134 = vector.shape_cast %get3A_133 : vector<1x16xi32> to vector<16xi32>
    %shift_right_arithmetic3A_135 = arith.constant 0 : i32
    %shift_right_arithmetic3A_136 = vector.broadcast %shift_right_arithmetic3A_135 : i32 to vector<16xi32>
    %shift_right_arithmetic3A_137 = arith.shrsi %get3A_134, %shift_right_arithmetic3A_136 : vector<16xi32>
    %and3A_138 = arith.constant 16383 : i32
    %and3A_139 = vector.broadcast %and3A_138 : i32 to vector<16xi32>
    %and3A_140 = arith.andi %shift_right_arithmetic3A_137, %and3A_139 : vector<16xi32>
    %swap3A_141 = arith.constant 0 : i32
    %swap3A_142 = arith.index_cast %swap3A_141 : i32 to index
    %swap3A_143 = arith.constant 48 : index
    %swap3A_144 = tpu.vector_load %arg12[%swap3A_142, %swap3A_143] {strides = array<i32>} : memref<1x64xi32, #tpu.memory_space<vmem>>, vector<1x16xi32>,
    %swap3A_145 = vector.shape_cast %swap3A_144 : vector<1x16xi32> to vector<16xi32>
    %swap3A_146 = vector.shape_cast %and3A_140 : vector<16xi32> to vector<1x16xi32>
    tpu.vector_store %arg12[%swap3A_142, %swap3A_143], %swap3A_146 {strides = array<i32>} : memref<1x64xi32, #tpu.memory_space<vmem>>, vector<1x16xi32>,
    %dma_start3A_147 = arith.constant 0 : i32
    %dma_start3A_148 = arith.constant 0 : i32
    %dma_start3A_149 = tpu.memref_slice %arg12[%dma_start3A_147, %dma_start3A_148] : memref<1x64xi32, #tpu.memory_space<vmem>> -> memref<1x64xi32, #tpu.memory_space<vmem>>
    %dma_start3A_150 = tpu.memref_squeeze %dma_start3A_149 : memref<1x64xi32, #tpu.memory_space<vmem>> -> memref<64xi32, #tpu.memory_space<vmem>>
    %dma_start3A_151 = arith.constant 0 : i32
    %dma_start3A_152 = arith.constant 0 : i32
    %dma_start3A_153 = tpu.memref_slice %arg2[%dma_start3A_151, %dma_start3A_152] : memref<10000x128xf32, #tpu.memory_space<hbm>> -> memref<10000x128xf32, #tpu.memory_space<hbm>>
    tpu.enqueue_indirect_dma source(%dma_start3A_153 : memref<10000x128xf32, #tpu.memory_space<hbm>>) target(%arg9 : memref<64x128xf32, #tpu.memory_space<vmem>>) offsets(%dma_start3A_150 : memref<64xi32, #tpu.memory_space<vmem>>) semaphore(%arg18 : memref<!tpu.dma_semaphore, #tpu.memory_space<semaphore_mem>>)
    %scan3A = arith.constant 0 : i32
    %scan3A_154 = arith.constant 0 : i32
    %scan3A_155 = arith.constant 54 : i32
    %scan3A_156 = arith.addi %scan3A_154, %scan3A_155 : i32
    %scan3A_157 = arith.constant 1 : i32
    scf.for %scan3A_179 = %scan3A_154 to %scan3A_156 step %scan3A_157  : i32 {
      %mul3A_180 = arith.constant 3 : i32
      %mul3A_181 = arith.muli %scan3A_179, %mul3A_180 : i32
      %add3A_182 = arith.constant 0 : i32
      %add3A_183 = arith.addi %mul3A_181, %add3A_182 : i32
      %dma_wait3A_184 = arith.constant 0 : i32
      %dma_wait3A_185 = arith.constant 0 : i32
      %dma_wait3A_186 = tpu.memref_slice %arg11[%dma_wait3A_184, %dma_wait3A_185] : memref<1x64xi32, #tpu.memory_space<vmem>> -> memref<1x64xi32, #tpu.memory_space<vmem>>
      %dma_wait3A_187 = tpu.memref_squeeze %dma_wait3A_186 : memref<1x64xi32, #tpu.memory_space<vmem>> -> memref<64xi32, #tpu.memory_space<vmem>>
      %dma_wait3A_188 = arith.constant 0 : i32
      %dma_wait3A_189 = arith.constant 0 : i32
      %dma_wait3A_190 = tpu.memref_slice %arg2[%dma_wait3A_188, %dma_wait3A_189] : memref<10000x128xf32, #tpu.memory_space<hbm>> -> memref<10000x128xf32, #tpu.memory_space<hbm>>
      tpu.wait_indirect_dma semaphore(%arg17 : memref<!tpu.dma_semaphore, #tpu.memory_space<semaphore_mem>>) src(%dma_wait3A_190 : memref<10000x128xf32, #tpu.memory_space<hbm>>) dst(%arg8 : memref<64x128xf32, #tpu.memory_space<vmem>>)
      %get3A_191 = arith.index_cast %add3A_183 : i32 to index
      %get3A_192 = arith.constant 0 : index
      %get3A_193 = tpu.vector_load %arg7[%get3A_191, %get3A_192] {strides = array<i32>} : memref<162x64xi32, #tpu.memory_space<vmem>>, vector<1x16xi32>,
      %get3A_194 = vector.shape_cast %get3A_193 : vector<1x16xi32> to vector<16xi32>
      %shift_right_arithmetic3A_195 = arith.constant 14 : i32
      %shift_right_arithmetic3A_196 = vector.broadcast %shift_right_arithmetic3A_195 : i32 to vector<16xi32>
      %shift_right_arithmetic3A_197 = arith.shrsi %get3A_194, %shift_right_arithmetic3A_196 : vector<16xi32>
      %and3A_198 = arith.constant 16383 : i32
      %and3A_199 = vector.broadcast %and3A_198 : i32 to vector<16xi32>
      %and3A_200 = arith.andi %shift_right_arithmetic3A_197, %and3A_199 : vector<16xi32>
      %swap3A_201 = arith.constant 0 : i32
      %swap3A_202 = arith.index_cast %swap3A_201 : i32 to index
      %swap3A_203 = arith.constant 0 : index
      %swap3A_204 = tpu.vector_load %arg14[%swap3A_202, %swap3A_203] {strides = array<i32>} : memref<1x64xi32, #tpu.memory_space<vmem>>, vector<1x16xi32>,
      %swap3A_205 = vector.shape_cast %swap3A_204 : vector<1x16xi32> to vector<16xi32>
      %swap3A_206 = vector.shape_cast %and3A_200 : vector<16xi32> to vector<1x16xi32>
      tpu.vector_store %arg14[%swap3A_202, %swap3A_203], %swap3A_206 {strides = array<i32>} : memref<1x64xi32, #tpu.memory_space<vmem>>, vector<1x16xi32>,
      %get3A_207 = arith.index_cast %add3A_183 : i32 to index
      %get3A_208 = arith.constant 16 : index
      %get3A_209 = tpu.vector_load %arg7[%get3A_207, %get3A_208] {strides = array<i32>} : memref<162x64xi32, #tpu.memory_space<vmem>>, vector<1x16xi32>,
      %get3A_210 = vector.shape_cast %get3A_209 : vector<1x16xi32> to vector<16xi32>
      %shift_right_arithmetic3A_211 = arith.constant 14 : i32
      %shift_right_arithmetic3A_212 = vector.broadcast %shift_right_arithmetic3A_211 : i32 to vector<16xi32>
      %shift_right_arithmetic3A_213 = arith.shrsi %get3A_210, %shift_right_arithmetic3A_212 : vector<16xi32>
      %and3A_214 = arith.constant 16383 : i32
      %and3A_215 = vector.broadcast %and3A_214 : i32 to vector<16xi32>
      %and3A_216 = arith.andi %shift_right_arithmetic3A_213, %and3A_215 : vector<16xi32>
      %swap3A_217 = arith.constant 0 : i32
      %swap3A_218 = arith.index_cast %swap3A_217 : i32 to index
      %swap3A_219 = arith.constant 16 : index
      %swap3A_220 = tpu.vector_load %arg14[%swap3A_218, %swap3A_219] {strides = array<i32>} : memref<1x64xi32, #tpu.memory_space<vmem>>, vector<1x16xi32>,
      %swap3A_221 = vector.shape_cast %swap3A_220 : vector<1x16xi32> to vector<16xi32>
      %swap3A_222 = vector.shape_cast %and3A_216 : vector<16xi32> to vector<1x16xi32>
      tpu.vector_store %arg14[%swap3A_218, %swap3A_219], %swap3A_222 {strides = array<i32>} : memref<1x64xi32, #tpu.memory_space<vmem>>, vector<1x16xi32>,
      %get3A_223 = arith.index_cast %add3A_183 : i32 to index
      %get3A_224 = arith.constant 32 : index
      %get3A_225 = tpu.vector_load %arg7[%get3A_223, %get3A_224] {strides = array<i32>} : memref<162x64xi32, #tpu.memory_space<vmem>>, vector<1x16xi32>,
      %get3A_226 = vector.shape_cast %get3A_225 : vector<1x16xi32> to vector<16xi32>
      %shift_right_arithmetic3A_227 = arith.constant 14 : i32
      %shift_right_arithmetic3A_228 = vector.broadcast %shift_right_arithmetic3A_227 : i32 to vector<16xi32>
      %shift_right_arithmetic3A_229 = arith.shrsi %get3A_226, %shift_right_arithmetic3A_228 : vector<16xi32>
      %and3A_230 = arith.constant 16383 : i32
      %and3A_231 = vector.broadcast %and3A_230 : i32 to vector<16xi32>
      %and3A_232 = arith.andi %shift_right_arithmetic3A_229, %and3A_231 : vector<16xi32>
      %swap3A_233 = arith.constant 0 : i32
      %swap3A_234 = arith.index_cast %swap3A_233 : i32 to index
      %swap3A_235 = arith.constant 32 : index
      %swap3A_236 = tpu.vector_load %arg14[%swap3A_234, %swap3A_235] {strides = array<i32>} : memref<1x64xi32, #tpu.memory_space<vmem>>, vector<1x16xi32>,
      %swap3A_237 = vector.shape_cast %swap3A_236 : vector<1x16xi32> to vector<16xi32>
      %swap3A_238 = vector.shape_cast %and3A_232 : vector<16xi32> to vector<1x16xi32>
      tpu.vector_store %arg14[%swap3A_234, %swap3A_235], %swap3A_238 {strides = array<i32>} : memref<1x64xi32, #tpu.memory_space<vmem>>, vector<1x16xi32>,
      %get3A_239 = arith.index_cast %add3A_183 : i32 to index
      %get3A_240 = arith.constant 48 : index
      %get3A_241 = tpu.vector_load %arg7[%get3A_239, %get3A_240] {strides = array<i32>} : memref<162x64xi32, #tpu.memory_space<vmem>>, vector<1x16xi32>,
      %get3A_242 = vector.shape_cast %get3A_241 : vector<1x16xi32> to vector<16xi32>
      %shift_right_arithmetic3A_243 = arith.constant 14 : i32
      %shift_right_arithmetic3A_244 = vector.broadcast %shift_right_arithmetic3A_243 : i32 to vector<16xi32>
      %shift_right_arithmetic3A_245 = arith.shrsi %get3A_242, %shift_right_arithmetic3A_244 : vector<16xi32>
      %and3A_246 = arith.constant 16383 : i32
      %and3A_247 = vector.broadcast %and3A_246 : i32 to vector<16xi32>
      %and3A_248 = arith.andi %shift_right_arithmetic3A_245, %and3A_247 : vector<16xi32>
      %swap3A_249 = arith.constant 0 : i32
      %swap3A_250 = arith.index_cast %swap3A_249 : i32 to index
      %swap3A_251 = arith.constant 48 : index
      %swap3A_252 = tpu.vector_load %arg14[%swap3A_250, %swap3A_251] {strides = array<i32>} : memref<1x64xi32, #tpu.memory_space<vmem>>, vector<1x16xi32>,
      %swap3A_253 = vector.shape_cast %swap3A_252 : vector<1x16xi32> to vector<16xi32>
      %swap3A_254 = vector.shape_cast %and3A_248 : vector<16xi32> to vector<1x16xi32>
      tpu.vector_store %arg14[%swap3A_250, %swap3A_251], %swap3A_254 {strides = array<i32>} : memref<1x64xi32, #tpu.memory_space<vmem>>, vector<1x16xi32>,
      %dma_start3A_255 = arith.constant 0 : i32
      %dma_start3A_256 = arith.constant 0 : i32
      %dma_start3A_257 = tpu.memref_slice %arg14[%dma_start3A_255, %dma_start3A_256] : memref<1x64xi32, #tpu.memory_space<vmem>> -> memref<1x64xi32, #tpu.memory_space<vmem>>
      %dma_start3A_258 = tpu.memref_squeeze %dma_start3A_257 : memref<1x64xi32, #tpu.memory_space<vmem>> -> memref<64xi32, #tpu.memory_space<vmem>>
      %dma_start3A_259 = arith.constant 0 : i32
      %dma_start3A_260 = arith.constant 0 : i32
      %dma_start3A_261 = tpu.memref_slice %arg6[%dma_start3A_259, %dma_start3A_260] : memref<10128x128xf32, #tpu.memory_space<vmem_shared>> -> memref<10128x128xf32, #tpu.memory_space<vmem_shared>>
      tpu.enqueue_indirect_dma source(%arg8 : memref<64x128xf32, #tpu.memory_space<vmem>>) target(%dma_start3A_261 : memref<10128x128xf32, #tpu.memory_space<vmem_shared>>) offsets(%dma_start3A_258 : memref<64xi32, #tpu.memory_space<vmem>>) semaphore(%arg20 : memref<!tpu.dma_semaphore, #tpu.memory_space<semaphore_mem>>) {add = true}
      %ge3A = arith.constant 1 : i32
      %ge3A_262 = arith.cmpi sge, %add3A_183, %ge3A : i32
      %convert_element_type3A_263 = arith.extui %ge3A_262 : i1 to i32
      %cond3A_264 = arith.constant 0 : i32
      %cond3A_265 = arith.cmpi ne, %convert_element_type3A_263, %cond3A_264 : i32
      scf.if %cond3A_265 {
        %dma_wait3A_466 = arith.constant 0 : i32
        %dma_wait3A_467 = arith.constant 0 : i32
        %dma_wait3A_468 = tpu.memref_slice %arg16[%dma_wait3A_466, %dma_wait3A_467] : memref<1x64xi32, #tpu.memory_space<vmem>> -> memref<1x64xi32, #tpu.memory_space<vmem>>
        %dma_wait3A_469 = tpu.memref_squeeze %dma_wait3A_468 : memref<1x64xi32, #tpu.memory_space<vmem>> -> memref<64xi32, #tpu.memory_space<vmem>>
        %dma_wait3A_470 = arith.constant 0 : i32
        %dma_wait3A_471 = arith.constant 0 : i32
        %dma_wait3A_472 = tpu.memref_slice %arg6[%dma_wait3A_470, %dma_wait3A_471] : memref<10128x128xf32, #tpu.memory_space<vmem_shared>> -> memref<10128x128xf32, #tpu.memory_space<vmem_shared>>
        tpu.wait_indirect_dma semaphore(%arg22 : memref<!tpu.dma_semaphore, #tpu.memory_space<semaphore_mem>>) src(%arg10 : memref<64x128xf32, #tpu.memory_space<vmem>>) dst(%dma_wait3A_472 : memref<10128x128xf32, #tpu.memory_space<vmem_shared>>)
      } else {
      }
      %add3A_266 = arith.constant 3 : i32
      %add3A_267 = arith.addi %add3A_183, %add3A_266 : i32
      %sub3A = arith.constant 1 : i32
      %sub3A_268 = arith.subi %add3A_267, %sub3A : i32
      %lt3A_269 = arith.constant 162 : i32
      %lt3A_270 = arith.cmpi slt, %sub3A_268, %lt3A_269 : i32
      %convert_element_type3A_271 = arith.extui %lt3A_270 : i1 to i32
      %cond3A_272 = arith.constant 0 : i32
      %cond3A_273 = arith.cmpi ne, %convert_element_type3A_271, %cond3A_272 : i32
      scf.if %cond3A_273 {
        %add3A_466 = arith.constant 3 : i32
        %add3A_467 = arith.addi %add3A_183, %add3A_466 : i32
        %sub3A_468 = arith.constant 1 : i32
        %sub3A_469 = arith.subi %add3A_467, %sub3A_468 : i32
        %get3A_470 = arith.index_cast %sub3A_469 : i32 to index
        %get3A_471 = arith.constant 0 : index
        %get3A_472 = tpu.vector_load %arg7[%get3A_470, %get3A_471] {strides = array<i32>} : memref<162x64xi32, #tpu.memory_space<vmem>>, vector<1x16xi32>,
        %get3A_473 = vector.shape_cast %get3A_472 : vector<1x16xi32> to vector<16xi32>
        %shift_right_arithmetic3A_474 = arith.constant 0 : i32
        %shift_right_arithmetic3A_475 = vector.broadcast %shift_right_arithmetic3A_474 : i32 to vector<16xi32>
        %shift_right_arithmetic3A_476 = arith.shrsi %get3A_473, %shift_right_arithmetic3A_475 : vector<16xi32>
        %and3A_477 = arith.constant 16383 : i32
        %and3A_478 = vector.broadcast %and3A_477 : i32 to vector<16xi32>
        %and3A_479 = arith.andi %shift_right_arithmetic3A_476, %and3A_478 : vector<16xi32>
        %swap3A_480 = arith.constant 0 : i32
        %swap3A_481 = arith.index_cast %swap3A_480 : i32 to index
        %swap3A_482 = arith.constant 0 : index
        %swap3A_483 = tpu.vector_load %arg13[%swap3A_481, %swap3A_482] {strides = array<i32>} : memref<1x64xi32, #tpu.memory_space<vmem>>, vector<1x16xi32>,
        %swap3A_484 = vector.shape_cast %swap3A_483 : vector<1x16xi32> to vector<16xi32>
        %swap3A_485 = vector.shape_cast %and3A_479 : vector<16xi32> to vector<1x16xi32>
        tpu.vector_store %arg13[%swap3A_481, %swap3A_482], %swap3A_485 {strides = array<i32>} : memref<1x64xi32, #tpu.memory_space<vmem>>, vector<1x16xi32>,
        %get3A_486 = arith.index_cast %sub3A_469 : i32 to index
        %get3A_487 = arith.constant 16 : index
        %get3A_488 = tpu.vector_load %arg7[%get3A_486, %get3A_487] {strides = array<i32>} : memref<162x64xi32, #tpu.memory_space<vmem>>, vector<1x16xi32>,
        %get3A_489 = vector.shape_cast %get3A_488 : vector<1x16xi32> to vector<16xi32>
        %shift_right_arithmetic3A_490 = arith.constant 0 : i32
        %shift_right_arithmetic3A_491 = vector.broadcast %shift_right_arithmetic3A_490 : i32 to vector<16xi32>
        %shift_right_arithmetic3A_492 = arith.shrsi %get3A_489, %shift_right_arithmetic3A_491 : vector<16xi32>
        %and3A_493 = arith.constant 16383 : i32
        %and3A_494 = vector.broadcast %and3A_493 : i32 to vector<16xi32>
        %and3A_495 = arith.andi %shift_right_arithmetic3A_492, %and3A_494 : vector<16xi32>
        %swap3A_496 = arith.constant 0 : i32
        %swap3A_497 = arith.index_cast %swap3A_496 : i32 to index
        %swap3A_498 = arith.constant 16 : index
        %swap3A_499 = tpu.vector_load %arg13[%swap3A_497, %swap3A_498] {strides = array<i32>} : memref<1x64xi32, #tpu.memory_space<vmem>>, vector<1x16xi32>,
        %swap3A_500 = vector.shape_cast %swap3A_499 : vector<1x16xi32> to vector<16xi32>
        %swap3A_501 = vector.shape_cast %and3A_495 : vector<16xi32> to vector<1x16xi32>
        tpu.vector_store %arg13[%swap3A_497, %swap3A_498], %swap3A_501 {strides = array<i32>} : memref<1x64xi32, #tpu.memory_space<vmem>>, vector<1x16xi32>,
        %get3A_502 = arith.index_cast %sub3A_469 : i32 to index
        %get3A_503 = arith.constant 32 : index
        %get3A_504 = tpu.vector_load %arg7[%get3A_502, %get3A_503] {strides = array<i32>} : memref<162x64xi32, #tpu.memory_space<vmem>>, vector<1x16xi32>,
        %get3A_505 = vector.shape_cast %get3A_504 : vector<1x16xi32> to vector<16xi32>
        %shift_right_arithmetic3A_506 = arith.constant 0 : i32
        %shift_right_arithmetic3A_507 = vector.broadcast %shift_right_arithmetic3A_506 : i32 to vector<16xi32>
        %shift_right_arithmetic3A_508 = arith.shrsi %get3A_505, %shift_right_arithmetic3A_507 : vector<16xi32>
        %and3A_509 = arith.constant 16383 : i32
        %and3A_510 = vector.broadcast %and3A_509 : i32 to vector<16xi32>
        %and3A_511 = arith.andi %shift_right_arithmetic3A_508, %and3A_510 : vector<16xi32>
        %swap3A_512 = arith.constant 0 : i32
        %swap3A_513 = arith.index_cast %swap3A_512 : i32 to index
        %swap3A_514 = arith.constant 32 : index
        %swap3A_515 = tpu.vector_load %arg13[%swap3A_513, %swap3A_514] {strides = array<i32>} : memref<1x64xi32, #tpu.memory_space<vmem>>, vector<1x16xi32>,
        %swap3A_516 = vector.shape_cast %swap3A_515 : vector<1x16xi32> to vector<16xi32>
        %swap3A_517 = vector.shape_cast %and3A_511 : vector<16xi32> to vector<1x16xi32>
        tpu.vector_store %arg13[%swap3A_513, %swap3A_514], %swap3A_517 {strides = array<i32>} : memref<1x64xi32, #tpu.memory_space<vmem>>, vector<1x16xi32>,
        %get3A_518 = arith.index_cast %sub3A_469 : i32 to index
        %get3A_519 = arith.constant 48 : index
        %get3A_520 = tpu.vector_load %arg7[%get3A_518, %get3A_519] {strides = array<i32>} : memref<162x64xi32, #tpu.memory_space<vmem>>, vector<1x16xi32>,
        %get3A_521 = vector.shape_cast %get3A_520 : vector<1x16xi32> to vector<16xi32>
        %shift_right_arithmetic3A_522 = arith.constant 0 : i32
        %shift_right_arithmetic3A_523 = vector.broadcast %shift_right_arithmetic3A_522 : i32 to vector<16xi32>
        %shift_right_arithmetic3A_524 = arith.shrsi %get3A_521, %shift_right_arithmetic3A_523 : vector<16xi32>
        %and3A_525 = arith.constant 16383 : i32
        %and3A_526 = vector.broadcast %and3A_525 : i32 to vector<16xi32>
        %and3A_527 = arith.andi %shift_right_arithmetic3A_524, %and3A_526 : vector<16xi32>
        %swap3A_528 = arith.constant 0 : i32
        %swap3A_529 = arith.index_cast %swap3A_528 : i32 to index
        %swap3A_530 = arith.constant 48 : index
        %swap3A_531 = tpu.vector_load %arg13[%swap3A_529, %swap3A_530] {strides = array<i32>} : memref<1x64xi32, #tpu.memory_space<vmem>>, vector<1x16xi32>,
        %swap3A_532 = vector.shape_cast %swap3A_531 : vector<1x16xi32> to vector<16xi32>
        %swap3A_533 = vector.shape_cast %and3A_527 : vector<16xi32> to vector<1x16xi32>
        tpu.vector_store %arg13[%swap3A_529, %swap3A_530], %swap3A_533 {strides = array<i32>} : memref<1x64xi32, #tpu.memory_space<vmem>>, vector<1x16xi32>,
        %dma_start3A_534 = arith.constant 0 : i32
        %dma_start3A_535 = arith.constant 0 : i32
        %dma_start3A_536 = tpu.memref_slice %arg13[%dma_start3A_534, %dma_start3A_535] : memref<1x64xi32, #tpu.memory_space<vmem>> -> memref<1x64xi32, #tpu.memory_space<vmem>>
        %dma_start3A_537 = tpu.memref_squeeze %dma_start3A_536 : memref<1x64xi32, #tpu.memory_space<vmem>> -> memref<64xi32, #tpu.memory_space<vmem>>
        %dma_start3A_538 = arith.constant 0 : i32
        %dma_start3A_539 = arith.constant 0 : i32
        %dma_start3A_540 = tpu.memref_slice %arg2[%dma_start3A_538, %dma_start3A_539] : memref<10000x128xf32, #tpu.memory_space<hbm>> -> memref<10000x128xf32, #tpu.memory_space<hbm>>
        tpu.enqueue_indirect_dma source(%dma_start3A_540 : memref<10000x128xf32, #tpu.memory_space<hbm>>) target(%arg10 : memref<64x128xf32, #tpu.memory_space<vmem>>) offsets(%dma_start3A_537 : memref<64xi32, #tpu.memory_space<vmem>>) semaphore(%arg19 : memref<!tpu.dma_semaphore, #tpu.memory_space<semaphore_mem>>)
      } else {
      }
      %mul3A_274 = arith.constant 3 : i32
      %mul3A_275 = arith.muli %scan3A_179, %mul3A_274 : i32
      %add3A_276 = arith.constant 1 : i32
      %add3A_277 = arith.addi %mul3A_275, %add3A_276 : i32
      %dma_wait3A_278 = arith.constant 0 : i32
      %dma_wait3A_279 = arith.constant 0 : i32
      %dma_wait3A_280 = tpu.memref_slice %arg12[%dma_wait3A_278, %dma_wait3A_279] : memref<1x64xi32, #tpu.memory_space<vmem>> -> memref<1x64xi32, #tpu.memory_space<vmem>>
      %dma_wait3A_281 = tpu.memref_squeeze %dma_wait3A_280 : memref<1x64xi32, #tpu.memory_space<vmem>> -> memref<64xi32, #tpu.memory_space<vmem>>
      %dma_wait3A_282 = arith.constant 0 : i32
      %dma_wait3A_283 = arith.constant 0 : i32
      %dma_wait3A_284 = tpu.memref_slice %arg2[%dma_wait3A_282, %dma_wait3A_283] : memref<10000x128xf32, #tpu.memory_space<hbm>> -> memref<10000x128xf32, #tpu.memory_space<hbm>>
      tpu.wait_indirect_dma semaphore(%arg18 : memref<!tpu.dma_semaphore, #tpu.memory_space<semaphore_mem>>) src(%dma_wait3A_284 : memref<10000x128xf32, #tpu.memory_space<hbm>>) dst(%arg9 : memref<64x128xf32, #tpu.memory_space<vmem>>)
      %get3A_285 = arith.index_cast %add3A_277 : i32 to index
      %get3A_286 = arith.constant 0 : index
      %get3A_287 = tpu.vector_load %arg7[%get3A_285, %get3A_286] {strides = array<i32>} : memref<162x64xi32, #tpu.memory_space<vmem>>, vector<1x16xi32>,
      %get3A_288 = vector.shape_cast %get3A_287 : vector<1x16xi32> to vector<16xi32>
      %shift_right_arithmetic3A_289 = arith.constant 14 : i32
      %shift_right_arithmetic3A_290 = vector.broadcast %shift_right_arithmetic3A_289 : i32 to vector<16xi32>
      %shift_right_arithmetic3A_291 = arith.shrsi %get3A_288, %shift_right_arithmetic3A_290 : vector<16xi32>
      %and3A_292 = arith.constant 16383 : i32
      %and3A_293 = vector.broadcast %and3A_292 : i32 to vector<16xi32>
      %and3A_294 = arith.andi %shift_right_arithmetic3A_291, %and3A_293 : vector<16xi32>
      %swap3A_295 = arith.constant 0 : i32
      %swap3A_296 = arith.index_cast %swap3A_295 : i32 to index
      %swap3A_297 = arith.constant 0 : index
      %swap3A_298 = tpu.vector_load %arg15[%swap3A_296, %swap3A_297] {strides = array<i32>} : memref<1x64xi32, #tpu.memory_space<vmem>>, vector<1x16xi32>,
      %swap3A_299 = vector.shape_cast %swap3A_298 : vector<1x16xi32> to vector<16xi32>
      %swap3A_300 = vector.shape_cast %and3A_294 : vector<16xi32> to vector<1x16xi32>
      tpu.vector_store %arg15[%swap3A_296, %swap3A_297], %swap3A_300 {strides = array<i32>} : memref<1x64xi32, #tpu.memory_space<vmem>>, vector<1x16xi32>,
      %get3A_301 = arith.index_cast %add3A_277 : i32 to index
      %get3A_302 = arith.constant 16 : index
      %get3A_303 = tpu.vector_load %arg7[%get3A_301, %get3A_302] {strides = array<i32>} : memref<162x64xi32, #tpu.memory_space<vmem>>, vector<1x16xi32>,
      %get3A_304 = vector.shape_cast %get3A_303 : vector<1x16xi32> to vector<16xi32>
      %shift_right_arithmetic3A_305 = arith.constant 14 : i32
      %shift_right_arithmetic3A_306 = vector.broadcast %shift_right_arithmetic3A_305 : i32 to vector<16xi32>
      %shift_right_arithmetic3A_307 = arith.shrsi %get3A_304, %shift_right_arithmetic3A_306 : vector<16xi32>
      %and3A_308 = arith.constant 16383 : i32
      %and3A_309 = vector.broadcast %and3A_308 : i32 to vector<16xi32>
      %and3A_310 = arith.andi %shift_right_arithmetic3A_307, %and3A_309 : vector<16xi32>
      %swap3A_311 = arith.constant 0 : i32
      %swap3A_312 = arith.index_cast %swap3A_311 : i32 to index
      %swap3A_313 = arith.constant 16 : index
      %swap3A_314 = tpu.vector_load %arg15[%swap3A_312, %swap3A_313] {strides = array<i32>} : memref<1x64xi32, #tpu.memory_space<vmem>>, vector<1x16xi32>,
      %swap3A_315 = vector.shape_cast %swap3A_314 : vector<1x16xi32> to vector<16xi32>
      %swap3A_316 = vector.shape_cast %and3A_310 : vector<16xi32> to vector<1x16xi32>
      tpu.vector_store %arg15[%swap3A_312, %swap3A_313], %swap3A_316 {strides = array<i32>} : memref<1x64xi32, #tpu.memory_space<vmem>>, vector<1x16xi32>,
      %get3A_317 = arith.index_cast %add3A_277 : i32 to index
      %get3A_318 = arith.constant 32 : index
      %get3A_319 = tpu.vector_load %arg7[%get3A_317, %get3A_318] {strides = array<i32>} : memref<162x64xi32, #tpu.memory_space<vmem>>, vector<1x16xi32>,
      %get3A_320 = vector.shape_cast %get3A_319 : vector<1x16xi32> to vector<16xi32>
      %shift_right_arithmetic3A_321 = arith.constant 14 : i32
      %shift_right_arithmetic3A_322 = vector.broadcast %shift_right_arithmetic3A_321 : i32 to vector<16xi32>
      %shift_right_arithmetic3A_323 = arith.shrsi %get3A_320, %shift_right_arithmetic3A_322 : vector<16xi32>
      %and3A_324 = arith.constant 16383 : i32
      %and3A_325 = vector.broadcast %and3A_324 : i32 to vector<16xi32>
      %and3A_326 = arith.andi %shift_right_arithmetic3A_323, %and3A_325 : vector<16xi32>
      %swap3A_327 = arith.constant 0 : i32
      %swap3A_328 = arith.index_cast %swap3A_327 : i32 to index
      %swap3A_329 = arith.constant 32 : index
      %swap3A_330 = tpu.vector_load %arg15[%swap3A_328, %swap3A_329] {strides = array<i32>} : memref<1x64xi32, #tpu.memory_space<vmem>>, vector<1x16xi32>,
      %swap3A_331 = vector.shape_cast %swap3A_330 : vector<1x16xi32> to vector<16xi32>
      %swap3A_332 = vector.shape_cast %and3A_326 : vector<16xi32> to vector<1x16xi32>
      tpu.vector_store %arg15[%swap3A_328, %swap3A_329], %swap3A_332 {strides = array<i32>} : memref<1x64xi32, #tpu.memory_space<vmem>>, vector<1x16xi32>,
      %get3A_333 = arith.index_cast %add3A_277 : i32 to index
      %get3A_334 = arith.constant 48 : index
      %get3A_335 = tpu.vector_load %arg7[%get3A_333, %get3A_334] {strides = array<i32>} : memref<162x64xi32, #tpu.memory_space<vmem>>, vector<1x16xi32>,
      %get3A_336 = vector.shape_cast %get3A_335 : vector<1x16xi32> to vector<16xi32>
      %shift_right_arithmetic3A_337 = arith.constant 14 : i32
      %shift_right_arithmetic3A_338 = vector.broadcast %shift_right_arithmetic3A_337 : i32 to vector<16xi32>
      %shift_right_arithmetic3A_339 = arith.shrsi %get3A_336, %shift_right_arithmetic3A_338 : vector<16xi32>
      %and3A_340 = arith.constant 16383 : i32
      %and3A_341 = vector.broadcast %and3A_340 : i32 to vector<16xi32>
      %and3A_342 = arith.andi %shift_right_arithmetic3A_339, %and3A_341 : vector<16xi32>
      %swap3A_343 = arith.constant 0 : i32
      %swap3A_344 = arith.index_cast %swap3A_343 : i32 to index
      %swap3A_345 = arith.constant 48 : index
      %swap3A_346 = tpu.vector_load %arg15[%swap3A_344, %swap3A_345] {strides = array<i32>} : memref<1x64xi32, #tpu.memory_space<vmem>>, vector<1x16xi32>,
      %swap3A_347 = vector.shape_cast %swap3A_346 : vector<1x16xi32> to vector<16xi32>
      %swap3A_348 = vector.shape_cast %and3A_342 : vector<16xi32> to vector<1x16xi32>
      tpu.vector_store %arg15[%swap3A_344, %swap3A_345], %swap3A_348 {strides = array<i32>} : memref<1x64xi32, #tpu.memory_space<vmem>>, vector<1x16xi32>,
      %dma_start3A_349 = arith.constant 0 : i32
      %dma_start3A_350 = arith.constant 0 : i32
      %dma_start3A_351 = tpu.memref_slice %arg15[%dma_start3A_349, %dma_start3A_350] : memref<1x64xi32, #tpu.memory_space<vmem>> -> memref<1x64xi32, #tpu.memory_space<vmem>>
      %dma_start3A_352 = tpu.memref_squeeze %dma_start3A_351 : memref<1x64xi32, #tpu.memory_space<vmem>> -> memref<64xi32, #tpu.memory_space<vmem>>
      %dma_start3A_353 = arith.constant 0 : i32
      %dma_start3A_354 = arith.constant 0 : i32
      %dma_start3A_355 = tpu.memref_slice %arg6[%dma_start3A_353, %dma_start3A_354] : memref<10128x128xf32, #tpu.memory_space<vmem_shared>> -> memref<10128x128xf32, #tpu.memory_space<vmem_shared>>
      tpu.enqueue_indirect_dma source(%arg9 : memref<64x128xf32, #tpu.memory_space<vmem>>) target(%dma_start3A_355 : memref<10128x128xf32, #tpu.memory_space<vmem_shared>>) offsets(%dma_start3A_352 : memref<64xi32, #tpu.memory_space<vmem>>) semaphore(%arg21 : memref<!tpu.dma_semaphore, #tpu.memory_space<semaphore_mem>>) {add = true}
      %ge3A_356 = arith.constant 1 : i32
      %ge3A_357 = arith.cmpi sge, %add3A_277, %ge3A_356 : i32
      %convert_element_type3A_358 = arith.extui %ge3A_357 : i1 to i32
      %cond3A_359 = arith.constant 0 : i32
      %cond3A_360 = arith.cmpi ne, %convert_element_type3A_358, %cond3A_359 : i32
      scf.if %cond3A_360 {
        %dma_wait3A_466 = arith.constant 0 : i32
        %dma_wait3A_467 = arith.constant 0 : i32
        %dma_wait3A_468 = tpu.memref_slice %arg14[%dma_wait3A_466, %dma_wait3A_467] : memref<1x64xi32, #tpu.memory_space<vmem>> -> memref<1x64xi32, #tpu.memory_space<vmem>>
        %dma_wait3A_469 = tpu.memref_squeeze %dma_wait3A_468 : memref<1x64xi32, #tpu.memory_space<vmem>> -> memref<64xi32, #tpu.memory_space<vmem>>
        %dma_wait3A_470 = arith.constant 0 : i32
        %dma_wait3A_471 = arith.constant 0 : i32
        %dma_wait3A_472 = tpu.memref_slice %arg6[%dma_wait3A_470, %dma_wait3A_471] : memref<10128x128xf32, #tpu.memory_space<vmem_shared>> -> memref<10128x128xf32, #tpu.memory_space<vmem_shared>>
        tpu.wait_indirect_dma semaphore(%arg20 : memref<!tpu.dma_semaphore, #tpu.memory_space<semaphore_mem>>) src(%arg8 : memref<64x128xf32, #tpu.memory_space<vmem>>) dst(%dma_wait3A_472 : memref<10128x128xf32, #tpu.memory_space<vmem_shared>>)
      } else {
      }
      %add3A_361 = arith.constant 3 : i32
      %add3A_362 = arith.addi %add3A_277, %add3A_361 : i32
      %sub3A_363 = arith.constant 1 : i32
      %sub3A_364 = arith.subi %add3A_362, %sub3A_363 : i32
      %lt3A_365 = arith.constant 162 : i32
      %lt3A_366 = arith.cmpi slt, %sub3A_364, %lt3A_365 : i32
      %convert_element_type3A_367 = arith.extui %lt3A_366 : i1 to i32
      %cond3A_368 = arith.constant 0 : i32
      %cond3A_369 = arith.cmpi ne, %convert_element_type3A_367, %cond3A_368 : i32
      scf.if %cond3A_369 {
        %add3A_466 = arith.constant 3 : i32
        %add3A_467 = arith.addi %add3A_277, %add3A_466 : i32
        %sub3A_468 = arith.constant 1 : i32
        %sub3A_469 = arith.subi %add3A_467, %sub3A_468 : i32
        %get3A_470 = arith.index_cast %sub3A_469 : i32 to index
        %get3A_471 = arith.constant 0 : index
        %get3A_472 = tpu.vector_load %arg7[%get3A_470, %get3A_471] {strides = array<i32>} : memref<162x64xi32, #tpu.memory_space<vmem>>, vector<1x16xi32>,
        %get3A_473 = vector.shape_cast %get3A_472 : vector<1x16xi32> to vector<16xi32>
        %shift_right_arithmetic3A_474 = arith.constant 0 : i32
        %shift_right_arithmetic3A_475 = vector.broadcast %shift_right_arithmetic3A_474 : i32 to vector<16xi32>
        %shift_right_arithmetic3A_476 = arith.shrsi %get3A_473, %shift_right_arithmetic3A_475 : vector<16xi32>
        %and3A_477 = arith.constant 16383 : i32
        %and3A_478 = vector.broadcast %and3A_477 : i32 to vector<16xi32>
        %and3A_479 = arith.andi %shift_right_arithmetic3A_476, %and3A_478 : vector<16xi32>
        %swap3A_480 = arith.constant 0 : i32
        %swap3A_481 = arith.index_cast %swap3A_480 : i32 to index
        %swap3A_482 = arith.constant 0 : index
        %swap3A_483 = tpu.vector_load %arg11[%swap3A_481, %swap3A_482] {strides = array<i32>} : memref<1x64xi32, #tpu.memory_space<vmem>>, vector<1x16xi32>,
        %swap3A_484 = vector.shape_cast %swap3A_483 : vector<1x16xi32> to vector<16xi32>
        %swap3A_485 = vector.shape_cast %and3A_479 : vector<16xi32> to vector<1x16xi32>
        tpu.vector_store %arg11[%swap3A_481, %swap3A_482], %swap3A_485 {strides = array<i32>} : memref<1x64xi32, #tpu.memory_space<vmem>>, vector<1x16xi32>,
        %get3A_486 = arith.index_cast %sub3A_469 : i32 to index
        %get3A_487 = arith.constant 16 : index
        %get3A_488 = tpu.vector_load %arg7[%get3A_486, %get3A_487] {strides = array<i32>} : memref<162x64xi32, #tpu.memory_space<vmem>>, vector<1x16xi32>,
        %get3A_489 = vector.shape_cast %get3A_488 : vector<1x16xi32> to vector<16xi32>
        %shift_right_arithmetic3A_490 = arith.constant 0 : i32
        %shift_right_arithmetic3A_491 = vector.broadcast %shift_right_arithmetic3A_490 : i32 to vector<16xi32>
        %shift_right_arithmetic3A_492 = arith.shrsi %get3A_489, %shift_right_arithmetic3A_491 : vector<16xi32>
        %and3A_493 = arith.constant 16383 : i32
        %and3A_494 = vector.broadcast %and3A_493 : i32 to vector<16xi32>
        %and3A_495 = arith.andi %shift_right_arithmetic3A_492, %and3A_494 : vector<16xi32>
        %swap3A_496 = arith.constant 0 : i32
        %swap3A_497 = arith.index_cast %swap3A_496 : i32 to index
        %swap3A_498 = arith.constant 16 : index
        %swap3A_499 = tpu.vector_load %arg11[%swap3A_497, %swap3A_498] {strides = array<i32>} : memref<1x64xi32, #tpu.memory_space<vmem>>, vector<1x16xi32>,
        %swap3A_500 = vector.shape_cast %swap3A_499 : vector<1x16xi32> to vector<16xi32>
        %swap3A_501 = vector.shape_cast %and3A_495 : vector<16xi32> to vector<1x16xi32>
        tpu.vector_store %arg11[%swap3A_497, %swap3A_498], %swap3A_501 {strides = array<i32>} : memref<1x64xi32, #tpu.memory_space<vmem>>, vector<1x16xi32>,
        %get3A_502 = arith.index_cast %sub3A_469 : i32 to index
        %get3A_503 = arith.constant 32 : index
        %get3A_504 = tpu.vector_load %arg7[%get3A_502, %get3A_503] {strides = array<i32>} : memref<162x64xi32, #tpu.memory_space<vmem>>, vector<1x16xi32>,
        %get3A_505 = vector.shape_cast %get3A_504 : vector<1x16xi32> to vector<16xi32>
        %shift_right_arithmetic3A_506 = arith.constant 0 : i32
        %shift_right_arithmetic3A_507 = vector.broadcast %shift_right_arithmetic3A_506 : i32 to vector<16xi32>
        %shift_right_arithmetic3A_508 = arith.shrsi %get3A_505, %shift_right_arithmetic3A_507 : vector<16xi32>
        %and3A_509 = arith.constant 16383 : i32
        %and3A_510 = vector.broadcast %and3A_509 : i32 to vector<16xi32>
        %and3A_511 = arith.andi %shift_right_arithmetic3A_508, %and3A_510 : vector<16xi32>
        %swap3A_512 = arith.constant 0 : i32
        %swap3A_513 = arith.index_cast %swap3A_512 : i32 to index
        %swap3A_514 = arith.constant 32 : index
        %swap3A_515 = tpu.vector_load %arg11[%swap3A_513, %swap3A_514] {strides = array<i32>} : memref<1x64xi32, #tpu.memory_space<vmem>>, vector<1x16xi32>,
        %swap3A_516 = vector.shape_cast %swap3A_515 : vector<1x16xi32> to vector<16xi32>
        %swap3A_517 = vector.shape_cast %and3A_511 : vector<16xi32> to vector<1x16xi32>
        tpu.vector_store %arg11[%swap3A_513, %swap3A_514], %swap3A_517 {strides = array<i32>} : memref<1x64xi32, #tpu.memory_space<vmem>>, vector<1x16xi32>,
        %get3A_518 = arith.index_cast %sub3A_469 : i32 to index
        %get3A_519 = arith.constant 48 : index
        %get3A_520 = tpu.vector_load %arg7[%get3A_518, %get3A_519] {strides = array<i32>} : memref<162x64xi32, #tpu.memory_space<vmem>>, vector<1x16xi32>,
        %get3A_521 = vector.shape_cast %get3A_520 : vector<1x16xi32> to vector<16xi32>
        %shift_right_arithmetic3A_522 = arith.constant 0 : i32
        %shift_right_arithmetic3A_523 = vector.broadcast %shift_right_arithmetic3A_522 : i32 to vector<16xi32>
        %shift_right_arithmetic3A_524 = arith.shrsi %get3A_521, %shift_right_arithmetic3A_523 : vector<16xi32>
        %and3A_525 = arith.constant 16383 : i32
        %and3A_526 = vector.broadcast %and3A_525 : i32 to vector<16xi32>
        %and3A_527 = arith.andi %shift_right_arithmetic3A_524, %and3A_526 : vector<16xi32>
        %swap3A_528 = arith.constant 0 : i32
        %swap3A_529 = arith.index_cast %swap3A_528 : i32 to index
        %swap3A_530 = arith.constant 48 : index
        %swap3A_531 = tpu.vector_load %arg11[%swap3A_529, %swap3A_530] {strides = array<i32>} : memref<1x64xi32, #tpu.memory_space<vmem>>, vector<1x16xi32>,
        %swap3A_532 = vector.shape_cast %swap3A_531 : vector<1x16xi32> to vector<16xi32>
        %swap3A_533 = vector.shape_cast %and3A_527 : vector<16xi32> to vector<1x16xi32>
        tpu.vector_store %arg11[%swap3A_529, %swap3A_530], %swap3A_533 {strides = array<i32>} : memref<1x64xi32, #tpu.memory_space<vmem>>, vector<1x16xi32>,
        %dma_start3A_534 = arith.constant 0 : i32
        %dma_start3A_535 = arith.constant 0 : i32
        %dma_start3A_536 = tpu.memref_slice %arg11[%dma_start3A_534, %dma_start3A_535] : memref<1x64xi32, #tpu.memory_space<vmem>> -> memref<1x64xi32, #tpu.memory_space<vmem>>
        %dma_start3A_537 = tpu.memref_squeeze %dma_start3A_536 : memref<1x64xi32, #tpu.memory_space<vmem>> -> memref<64xi32, #tpu.memory_space<vmem>>
        %dma_start3A_538 = arith.constant 0 : i32
        %dma_start3A_539 = arith.constant 0 : i32
        %dma_start3A_540 = tpu.memref_slice %arg2[%dma_start3A_538, %dma_start3A_539] : memref<10000x128xf32, #tpu.memory_space<hbm>> -> memref<10000x128xf32, #tpu.memory_space<hbm>>
        tpu.enqueue_indirect_dma source(%dma_start3A_540 : memref<10000x128xf32, #tpu.memory_space<hbm>>) target(%arg8 : memref<64x128xf32, #tpu.memory_space<vmem>>) offsets(%dma_start3A_537 : memref<64xi32, #tpu.memory_space<vmem>>) semaphore(%arg17 : memref<!tpu.dma_semaphore, #tpu.memory_space<semaphore_mem>>)
      } else {
      }
      %mul3A_370 = arith.constant 3 : i32
      %mul3A_371 = arith.muli %scan3A_179, %mul3A_370 : i32
      %add3A_372 = arith.constant 2 : i32
      %add3A_373 = arith.addi %mul3A_371, %add3A_372 : i32
      %dma_wait3A_374 = arith.constant 0 : i32
      %dma_wait3A_375 = arith.constant 0 : i32
      %dma_wait3A_376 = tpu.memref_slice %arg13[%dma_wait3A_374, %dma_wait3A_375] : memref<1x64xi32, #tpu.memory_space<vmem>> -> memref<1x64xi32, #tpu.memory_space<vmem>>
      %dma_wait3A_377 = tpu.memref_squeeze %dma_wait3A_376 : memref<1x64xi32, #tpu.memory_space<vmem>> -> memref<64xi32, #tpu.memory_space<vmem>>
      %dma_wait3A_378 = arith.constant 0 : i32
      %dma_wait3A_379 = arith.constant 0 : i32
      %dma_wait3A_380 = tpu.memref_slice %arg2[%dma_wait3A_378, %dma_wait3A_379] : memref<10000x128xf32, #tpu.memory_space<hbm>> -> memref<10000x128xf32, #tpu.memory_space<hbm>>
      tpu.wait_indirect_dma semaphore(%arg19 : memref<!tpu.dma_semaphore, #tpu.memory_space<semaphore_mem>>) src(%dma_wait3A_380 : memref<10000x128xf32, #tpu.memory_space<hbm>>) dst(%arg10 : memref<64x128xf32, #tpu.memory_space<vmem>>)
      %get3A_381 = arith.index_cast %add3A_373 : i32 to index
      %get3A_382 = arith.constant 0 : index
      %get3A_383 = tpu.vector_load %arg7[%get3A_381, %get3A_382] {strides = array<i32>} : memref<162x64xi32, #tpu.memory_space<vmem>>, vector<1x16xi32>,
      %get3A_384 = vector.shape_cast %get3A_383 : vector<1x16xi32> to vector<16xi32>
      %shift_right_arithmetic3A_385 = arith.constant 14 : i32
      %shift_right_arithmetic3A_386 = vector.broadcast %shift_right_arithmetic3A_385 : i32 to vector<16xi32>
      %shift_right_arithmetic3A_387 = arith.shrsi %get3A_384, %shift_right_arithmetic3A_386 : vector<16xi32>
      %and3A_388 = arith.constant 16383 : i32
      %and3A_389 = vector.broadcast %and3A_388 : i32 to vector<16xi32>
      %and3A_390 = arith.andi %shift_right_arithmetic3A_387, %and3A_389 : vector<16xi32>
      %swap3A_391 = arith.constant 0 : i32
      %swap3A_392 = arith.index_cast %swap3A_391 : i32 to index
      %swap3A_393 = arith.constant 0 : index
      %swap3A_394 = tpu.vector_load %arg16[%swap3A_392, %swap3A_393] {strides = array<i32>} : memref<1x64xi32, #tpu.memory_space<vmem>>, vector<1x16xi32>,
      %swap3A_395 = vector.shape_cast %swap3A_394 : vector<1x16xi32> to vector<16xi32>
      %swap3A_396 = vector.shape_cast %and3A_390 : vector<16xi32> to vector<1x16xi32>
      tpu.vector_store %arg16[%swap3A_392, %swap3A_393], %swap3A_396 {strides = array<i32>} : memref<1x64xi32, #tpu.memory_space<vmem>>, vector<1x16xi32>,
      %get3A_397 = arith.index_cast %add3A_373 : i32 to index
      %get3A_398 = arith.constant 16 : index
      %get3A_399 = tpu.vector_load %arg7[%get3A_397, %get3A_398] {strides = array<i32>} : memref<162x64xi32, #tpu.memory_space<vmem>>, vector<1x16xi32>,
      %get3A_400 = vector.shape_cast %get3A_399 : vector<1x16xi32> to vector<16xi32>
      %shift_right_arithmetic3A_401 = arith.constant 14 : i32
      %shift_right_arithmetic3A_402 = vector.broadcast %shift_right_arithmetic3A_401 : i32 to vector<16xi32>
      %shift_right_arithmetic3A_403 = arith.shrsi %get3A_400, %shift_right_arithmetic3A_402 : vector<16xi32>
      %and3A_404 = arith.constant 16383 : i32
      %and3A_405 = vector.broadcast %and3A_404 : i32 to vector<16xi32>
      %and3A_406 = arith.andi %shift_right_arithmetic3A_403, %and3A_405 : vector<16xi32>
      %swap3A_407 = arith.constant 0 : i32
      %swap3A_408 = arith.index_cast %swap3A_407 : i32 to index
      %swap3A_409 = arith.constant 16 : index
      %swap3A_410 = tpu.vector_load %arg16[%swap3A_408, %swap3A_409] {strides = array<i32>} : memref<1x64xi32, #tpu.memory_space<vmem>>, vector<1x16xi32>,
      %swap3A_411 = vector.shape_cast %swap3A_410 : vector<1x16xi32> to vector<16xi32>
      %swap3A_412 = vector.shape_cast %and3A_406 : vector<16xi32> to vector<1x16xi32>
      tpu.vector_store %arg16[%swap3A_408, %swap3A_409], %swap3A_412 {strides = array<i32>} : memref<1x64xi32, #tpu.memory_space<vmem>>, vector<1x16xi32>,
      %get3A_413 = arith.index_cast %add3A_373 : i32 to index
      %get3A_414 = arith.constant 32 : index
      %get3A_415 = tpu.vector_load %arg7[%get3A_413, %get3A_414] {strides = array<i32>} : memref<162x64xi32, #tpu.memory_space<vmem>>, vector<1x16xi32>,
      %get3A_416 = vector.shape_cast %get3A_415 : vector<1x16xi32> to vector<16xi32>
      %shift_right_arithmetic3A_417 = arith.constant 14 : i32
      %shift_right_arithmetic3A_418 = vector.broadcast %shift_right_arithmetic3A_417 : i32 to vector<16xi32>
      %shift_right_arithmetic3A_419 = arith.shrsi %get3A_416, %shift_right_arithmetic3A_418 : vector<16xi32>
      %and3A_420 = arith.constant 16383 : i32
      %and3A_421 = vector.broadcast %and3A_420 : i32 to vector<16xi32>
      %and3A_422 = arith.andi %shift_right_arithmetic3A_419, %and3A_421 : vector<16xi32>
      %swap3A_423 = arith.constant 0 : i32
      %swap3A_424 = arith.index_cast %swap3A_423 : i32 to index
      %swap3A_425 = arith.constant 32 : index
      %swap3A_426 = tpu.vector_load %arg16[%swap3A_424, %swap3A_425] {strides = array<i32>} : memref<1x64xi32, #tpu.memory_space<vmem>>, vector<1x16xi32>,
      %swap3A_427 = vector.shape_cast %swap3A_426 : vector<1x16xi32> to vector<16xi32>
      %swap3A_428 = vector.shape_cast %and3A_422 : vector<16xi32> to vector<1x16xi32>
      tpu.vector_store %arg16[%swap3A_424, %swap3A_425], %swap3A_428 {strides = array<i32>} : memref<1x64xi32, #tpu.memory_space<vmem>>, vector<1x16xi32>,
      %get3A_429 = arith.index_cast %add3A_373 : i32 to index
      %get3A_430 = arith.constant 48 : index
      %get3A_431 = tpu.vector_load %arg7[%get3A_429, %get3A_430] {strides = array<i32>} : memref<162x64xi32, #tpu.memory_space<vmem>>, vector<1x16xi32>,
      %get3A_432 = vector.shape_cast %get3A_431 : vector<1x16xi32> to vector<16xi32>
      %shift_right_arithmetic3A_433 = arith.constant 14 : i32
      %shift_right_arithmetic3A_434 = vector.broadcast %shift_right_arithmetic3A_433 : i32 to vector<16xi32>
      %shift_right_arithmetic3A_435 = arith.shrsi %get3A_432, %shift_right_arithmetic3A_434 : vector<16xi32>
      %and3A_436 = arith.constant 16383 : i32
      %and3A_437 = vector.broadcast %and3A_436 : i32 to vector<16xi32>
      %and3A_438 = arith.andi %shift_right_arithmetic3A_435, %and3A_437 : vector<16xi32>
      %swap3A_439 = arith.constant 0 : i32
      %swap3A_440 = arith.index_cast %swap3A_439 : i32 to index
      %swap3A_441 = arith.constant 48 : index
      %swap3A_442 = tpu.vector_load %arg16[%swap3A_440, %swap3A_441] {strides = array<i32>} : memref<1x64xi32, #tpu.memory_space<vmem>>, vector<1x16xi32>,
      %swap3A_443 = vector.shape_cast %swap3A_442 : vector<1x16xi32> to vector<16xi32>
      %swap3A_444 = vector.shape_cast %and3A_438 : vector<16xi32> to vector<1x16xi32>
      tpu.vector_store %arg16[%swap3A_440, %swap3A_441], %swap3A_444 {strides = array<i32>} : memref<1x64xi32, #tpu.memory_space<vmem>>, vector<1x16xi32>,
      %dma_start3A_445 = arith.constant 0 : i32
      %dma_start3A_446 = arith.constant 0 : i32
      %dma_start3A_447 = tpu.memref_slice %arg16[%dma_start3A_445, %dma_start3A_446] : memref<1x64xi32, #tpu.memory_space<vmem>> -> memref<1x64xi32, #tpu.memory_space<vmem>>
      %dma_start3A_448 = tpu.memref_squeeze %dma_start3A_447 : memref<1x64xi32, #tpu.memory_space<vmem>> -> memref<64xi32, #tpu.memory_space<vmem>>
      %dma_start3A_449 = arith.constant 0 : i32
      %dma_start3A_450 = arith.constant 0 : i32
      %dma_start3A_451 = tpu.memref_slice %arg6[%dma_start3A_449, %dma_start3A_450] : memref<10128x128xf32, #tpu.memory_space<vmem_shared>> -> memref<10128x128xf32, #tpu.memory_space<vmem_shared>>
      tpu.enqueue_indirect_dma source(%arg10 : memref<64x128xf32, #tpu.memory_space<vmem>>) target(%dma_start3A_451 : memref<10128x128xf32, #tpu.memory_space<vmem_shared>>) offsets(%dma_start3A_448 : memref<64xi32, #tpu.memory_space<vmem>>) semaphore(%arg22 : memref<!tpu.dma_semaphore, #tpu.memory_space<semaphore_mem>>) {add = true}
      %ge3A_452 = arith.constant 1 : i32
      %ge3A_453 = arith.cmpi sge, %add3A_373, %ge3A_452 : i32
      %convert_element_type3A_454 = arith.extui %ge3A_453 : i1 to i32
      %cond3A_455 = arith.constant 0 : i32
      %cond3A_456 = arith.cmpi ne, %convert_element_type3A_454, %cond3A_455 : i32
      scf.if %cond3A_456 {
        %dma_wait3A_466 = arith.constant 0 : i32
        %dma_wait3A_467 = arith.constant 0 : i32
        %dma_wait3A_468 = tpu.memref_slice %arg15[%dma_wait3A_466, %dma_wait3A_467] : memref<1x64xi32, #tpu.memory_space<vmem>> -> memref<1x64xi32, #tpu.memory_space<vmem>>
        %dma_wait3A_469 = tpu.memref_squeeze %dma_wait3A_468 : memref<1x64xi32, #tpu.memory_space<vmem>> -> memref<64xi32, #tpu.memory_space<vmem>>
        %dma_wait3A_470 = arith.constant 0 : i32
        %dma_wait3A_471 = arith.constant 0 : i32
        %dma_wait3A_472 = tpu.memref_slice %arg6[%dma_wait3A_470, %dma_wait3A_471] : memref<10128x128xf32, #tpu.memory_space<vmem_shared>> -> memref<10128x128xf32, #tpu.memory_space<vmem_shared>>
        tpu.wait_indirect_dma semaphore(%arg21 : memref<!tpu.dma_semaphore, #tpu.memory_space<semaphore_mem>>) src(%arg9 : memref<64x128xf32, #tpu.memory_space<vmem>>) dst(%dma_wait3A_472 : memref<10128x128xf32, #tpu.memory_space<vmem_shared>>)
      } else {
      }
      %add3A_457 = arith.constant 3 : i32
      %add3A_458 = arith.addi %add3A_373, %add3A_457 : i32
      %sub3A_459 = arith.constant 1 : i32
      %sub3A_460 = arith.subi %add3A_458, %sub3A_459 : i32
      %lt3A_461 = arith.constant 162 : i32
      %lt3A_462 = arith.cmpi slt, %sub3A_460, %lt3A_461 : i32
      %convert_element_type3A_463 = arith.extui %lt3A_462 : i1 to i32
      %cond3A_464 = arith.constant 0 : i32
      %cond3A_465 = arith.cmpi ne, %convert_element_type3A_463, %cond3A_464 : i32
      scf.if %cond3A_465 {
        %add3A_466 = arith.constant 3 : i32
        %add3A_467 = arith.addi %add3A_373, %add3A_466 : i32
        %sub3A_468 = arith.constant 1 : i32
        %sub3A_469 = arith.subi %add3A_467, %sub3A_468 : i32
        %get3A_470 = arith.index_cast %sub3A_469 : i32 to index
        %get3A_471 = arith.constant 0 : index
        %get3A_472 = tpu.vector_load %arg7[%get3A_470, %get3A_471] {strides = array<i32>} : memref<162x64xi32, #tpu.memory_space<vmem>>, vector<1x16xi32>,
        %get3A_473 = vector.shape_cast %get3A_472 : vector<1x16xi32> to vector<16xi32>
        %shift_right_arithmetic3A_474 = arith.constant 0 : i32
        %shift_right_arithmetic3A_475 = vector.broadcast %shift_right_arithmetic3A_474 : i32 to vector<16xi32>
        %shift_right_arithmetic3A_476 = arith.shrsi %get3A_473, %shift_right_arithmetic3A_475 : vector<16xi32>
        %and3A_477 = arith.constant 16383 : i32
        %and3A_478 = vector.broadcast %and3A_477 : i32 to vector<16xi32>
        %and3A_479 = arith.andi %shift_right_arithmetic3A_476, %and3A_478 : vector<16xi32>
        %swap3A_480 = arith.constant 0 : i32
        %swap3A_481 = arith.index_cast %swap3A_480 : i32 to index
        %swap3A_482 = arith.constant 0 : index
        %swap3A_483 = tpu.vector_load %arg12[%swap3A_481, %swap3A_482] {strides = array<i32>} : memref<1x64xi32, #tpu.memory_space<vmem>>, vector<1x16xi32>,
        %swap3A_484 = vector.shape_cast %swap3A_483 : vector<1x16xi32> to vector<16xi32>
        %swap3A_485 = vector.shape_cast %and3A_479 : vector<16xi32> to vector<1x16xi32>
        tpu.vector_store %arg12[%swap3A_481, %swap3A_482], %swap3A_485 {strides = array<i32>} : memref<1x64xi32, #tpu.memory_space<vmem>>, vector<1x16xi32>,
        %get3A_486 = arith.index_cast %sub3A_469 : i32 to index
        %get3A_487 = arith.constant 16 : index
        %get3A_488 = tpu.vector_load %arg7[%get3A_486, %get3A_487] {strides = array<i32>} : memref<162x64xi32, #tpu.memory_space<vmem>>, vector<1x16xi32>,
        %get3A_489 = vector.shape_cast %get3A_488 : vector<1x16xi32> to vector<16xi32>
        %shift_right_arithmetic3A_490 = arith.constant 0 : i32
        %shift_right_arithmetic3A_491 = vector.broadcast %shift_right_arithmetic3A_490 : i32 to vector<16xi32>
        %shift_right_arithmetic3A_492 = arith.shrsi %get3A_489, %shift_right_arithmetic3A_491 : vector<16xi32>
        %and3A_493 = arith.constant 16383 : i32
        %and3A_494 = vector.broadcast %and3A_493 : i32 to vector<16xi32>
        %and3A_495 = arith.andi %shift_right_arithmetic3A_492, %and3A_494 : vector<16xi32>
        %swap3A_496 = arith.constant 0 : i32
        %swap3A_497 = arith.index_cast %swap3A_496 : i32 to index
        %swap3A_498 = arith.constant 16 : index
        %swap3A_499 = tpu.vector_load %arg12[%swap3A_497, %swap3A_498] {strides = array<i32>} : memref<1x64xi32, #tpu.memory_space<vmem>>, vector<1x16xi32>,
        %swap3A_500 = vector.shape_cast %swap3A_499 : vector<1x16xi32> to vector<16xi32>
        %swap3A_501 = vector.shape_cast %and3A_495 : vector<16xi32> to vector<1x16xi32>
        tpu.vector_store %arg12[%swap3A_497, %swap3A_498], %swap3A_501 {strides = array<i32>} : memref<1x64xi32, #tpu.memory_space<vmem>>, vector<1x16xi32>,
        %get3A_502 = arith.index_cast %sub3A_469 : i32 to index
        %get3A_503 = arith.constant 32 : index
        %get3A_504 = tpu.vector_load %arg7[%get3A_502, %get3A_503] {strides = array<i32>} : memref<162x64xi32, #tpu.memory_space<vmem>>, vector<1x16xi32>,
        %get3A_505 = vector.shape_cast %get3A_504 : vector<1x16xi32> to vector<16xi32>
        %shift_right_arithmetic3A_506 = arith.constant 0 : i32
        %shift_right_arithmetic3A_507 = vector.broadcast %shift_right_arithmetic3A_506 : i32 to vector<16xi32>
        %shift_right_arithmetic3A_508 = arith.shrsi %get3A_505, %shift_right_arithmetic3A_507 : vector<16xi32>
        %and3A_509 = arith.constant 16383 : i32
        %and3A_510 = vector.broadcast %and3A_509 : i32 to vector<16xi32>
        %and3A_511 = arith.andi %shift_right_arithmetic3A_508, %and3A_510 : vector<16xi32>
        %swap3A_512 = arith.constant 0 : i32
        %swap3A_513 = arith.index_cast %swap3A_512 : i32 to index
        %swap3A_514 = arith.constant 32 : index
        %swap3A_515 = tpu.vector_load %arg12[%swap3A_513, %swap3A_514] {strides = array<i32>} : memref<1x64xi32, #tpu.memory_space<vmem>>, vector<1x16xi32>,
        %swap3A_516 = vector.shape_cast %swap3A_515 : vector<1x16xi32> to vector<16xi32>
        %swap3A_517 = vector.shape_cast %and3A_511 : vector<16xi32> to vector<1x16xi32>
        tpu.vector_store %arg12[%swap3A_513, %swap3A_514], %swap3A_517 {strides = array<i32>} : memref<1x64xi32, #tpu.memory_space<vmem>>, vector<1x16xi32>,
        %get3A_518 = arith.index_cast %sub3A_469 : i32 to index
        %get3A_519 = arith.constant 48 : index
        %get3A_520 = tpu.vector_load %arg7[%get3A_518, %get3A_519] {strides = array<i32>} : memref<162x64xi32, #tpu.memory_space<vmem>>, vector<1x16xi32>,
        %get3A_521 = vector.shape_cast %get3A_520 : vector<1x16xi32> to vector<16xi32>
        %shift_right_arithmetic3A_522 = arith.constant 0 : i32
        %shift_right_arithmetic3A_523 = vector.broadcast %shift_right_arithmetic3A_522 : i32 to vector<16xi32>
        %shift_right_arithmetic3A_524 = arith.shrsi %get3A_521, %shift_right_arithmetic3A_523 : vector<16xi32>
        %and3A_525 = arith.constant 16383 : i32
        %and3A_526 = vector.broadcast %and3A_525 : i32 to vector<16xi32>
        %and3A_527 = arith.andi %shift_right_arithmetic3A_524, %and3A_526 : vector<16xi32>
        %swap3A_528 = arith.constant 0 : i32
        %swap3A_529 = arith.index_cast %swap3A_528 : i32 to index
        %swap3A_530 = arith.constant 48 : index
        %swap3A_531 = tpu.vector_load %arg12[%swap3A_529, %swap3A_530] {strides = array<i32>} : memref<1x64xi32, #tpu.memory_space<vmem>>, vector<1x16xi32>,
        %swap3A_532 = vector.shape_cast %swap3A_531 : vector<1x16xi32> to vector<16xi32>
        %swap3A_533 = vector.shape_cast %and3A_527 : vector<16xi32> to vector<1x16xi32>
        tpu.vector_store %arg12[%swap3A_529, %swap3A_530], %swap3A_533 {strides = array<i32>} : memref<1x64xi32, #tpu.memory_space<vmem>>, vector<1x16xi32>,
        %dma_start3A_534 = arith.constant 0 : i32
        %dma_start3A_535 = arith.constant 0 : i32
        %dma_start3A_536 = tpu.memref_slice %arg12[%dma_start3A_534, %dma_start3A_535] : memref<1x64xi32, #tpu.memory_space<vmem>> -> memref<1x64xi32, #tpu.memory_space<vmem>>
        %dma_start3A_537 = tpu.memref_squeeze %dma_start3A_536 : memref<1x64xi32, #tpu.memory_space<vmem>> -> memref<64xi32, #tpu.memory_space<vmem>>
        %dma_start3A_538 = arith.constant 0 : i32
        %dma_start3A_539 = arith.constant 0 : i32
        %dma_start3A_540 = tpu.memref_slice %arg2[%dma_start3A_538, %dma_start3A_539] : memref<10000x128xf32, #tpu.memory_space<hbm>> -> memref<10000x128xf32, #tpu.memory_space<hbm>>
        tpu.enqueue_indirect_dma source(%dma_start3A_540 : memref<10000x128xf32, #tpu.memory_space<hbm>>) target(%arg9 : memref<64x128xf32, #tpu.memory_space<vmem>>) offsets(%dma_start3A_537 : memref<64xi32, #tpu.memory_space<vmem>>) semaphore(%arg18 : memref<!tpu.dma_semaphore, #tpu.memory_space<semaphore_mem>>)
      } else {
      }
    }
    %scan3A_158 = arith.constant 54 : i32
    %dma_wait3A = arith.constant 0 : i32
    %dma_wait3A_159 = arith.constant 0 : i32
    %dma_wait3A_160 = tpu.memref_slice %arg16[%dma_wait3A, %dma_wait3A_159] : memref<1x64xi32, #tpu.memory_space<vmem>> -> memref<1x64xi32, #tpu.memory_space<vmem>>
    %dma_wait3A_161 = tpu.memref_squeeze %dma_wait3A_160 : memref<1x64xi32, #tpu.memory_space<vmem>> -> memref<64xi32, #tpu.memory_space<vmem>>
    %dma_wait3A_162 = arith.constant 0 : i32
    %dma_wait3A_163 = arith.constant 0 : i32
    %dma_wait3A_164 = tpu.memref_slice %arg6[%dma_wait3A_162, %dma_wait3A_163] : memref<10128x128xf32, #tpu.memory_space<vmem_shared>> -> memref<10128x128xf32, #tpu.memory_space<vmem_shared>>
    tpu.wait_indirect_dma semaphore(%arg22 : memref<!tpu.dma_semaphore, #tpu.memory_space<semaphore_mem>>) src(%arg10 : memref<64x128xf32, #tpu.memory_space<vmem>>) dst(%dma_wait3A_164 : memref<10128x128xf32, #tpu.memory_space<vmem_shared>>)
    %barrier3A_165 = arith.constant 0 : index
    tpu.barrier barrier_id(%barrier3A_165)
    %mul3A_166 = arith.constant 632 : i32
    %mul3A_167 = arith.muli %arg1, %mul3A_166 : i32
    %multiple_of3A_168 = tpu.assume_multiple %mul3A_167, 8 : i32
    %lt3A_169 = arith.constant 15 : i32
    %lt3A_170 = arith.cmpi slt, %arg1, %lt3A_169 : i32
    %convert_element_type3A_171 = arith.extui %lt3A_170 : i1 to i32
    %cond3A_172 = arith.constant 0 : i32
    %cond3A_173 = arith.cmpi ne, %convert_element_type3A_171, %cond3A_172 : i32
    scf.if %cond3A_173 {
      "tpu.region"() ({
        %run_scoped3A = tpu.sem_alloc : memref<!tpu.dma_semaphore, #tpu.memory_space<semaphore_mem>>
        %dma_start3A_179 = arith.constant 0 : i32
        %dma_start3A_180 = tpu.memref_slice %arg5[%arg0, %multiple_of3A_168, %dma_start3A_179] : memref<2x10000x128xf32, #tpu.memory_space<hbm>> -> memref<1x632x128xf32, #tpu.memory_space<hbm>>
        %dma_start3A_181 = tpu.memref_squeeze %dma_start3A_180 : memref<1x632x128xf32, #tpu.memory_space<hbm>> -> memref<632x128xf32, #tpu.memory_space<hbm>>
        %dma_start3A_182 = arith.constant 0 : i32
        %dma_start3A_183 = tpu.memref_slice %arg6[%multiple_of3A_168, %dma_start3A_182] : memref<10128x128xf32, #tpu.memory_space<vmem_shared>> -> memref<632x128xf32, #tpu.memory_space<vmem_shared>>
        tpu.enqueue_dma source(%dma_start3A_183 : memref<632x128xf32, #tpu.memory_space<vmem_shared>>) target(%dma_start3A_181 : memref<632x128xf32, #tpu.memory_space<hbm>>) target_semaphore(%run_scoped3A : memref<!tpu.dma_semaphore, #tpu.memory_space<semaphore_mem>>)
        %dma_wait3A_184 = arith.constant 0 : i32
        %dma_wait3A_185 = tpu.memref_slice %arg5[%arg0, %multiple_of3A_168, %dma_wait3A_184] : memref<2x10000x128xf32, #tpu.memory_space<hbm>> -> memref<1x632x128xf32, #tpu.memory_space<hbm>>
        %dma_wait3A_186 = tpu.memref_squeeze %dma_wait3A_185 : memref<1x632x128xf32, #tpu.memory_space<hbm>> -> memref<632x128xf32, #tpu.memory_space<hbm>>
        %dma_wait3A_187 = arith.constant 0 : i32
        %dma_wait3A_188 = tpu.memref_slice %arg6[%multiple_of3A_168, %dma_wait3A_187] : memref<10128x128xf32, #tpu.memory_space<vmem_shared>> -> memref<632x128xf32, #tpu.memory_space<vmem_shared>>
        tpu.wait_dma2 semaphore(%run_scoped3A : memref<!tpu.dma_semaphore, #tpu.memory_space<semaphore_mem>>) src(%dma_wait3A_188 : memref<632x128xf32, #tpu.memory_space<vmem_shared>>) dst(%dma_wait3A_186 : memref<632x128xf32, #tpu.memory_space<hbm>>)
        tpu.yield
      }) : () -> ()
    } else {
    }
    %eq3A_174 = arith.constant 15 : i32
    %eq3A_175 = arith.cmpi eq, %arg1, %eq3A_174 : i32
    %convert_element_type3A_176 = arith.extui %eq3A_175 : i1 to i32
    %cond3A_177 = arith.constant 0 : i32
    %cond3A_178 = arith.cmpi ne, %convert_element_type3A_176, %cond3A_177 : i32
    scf.if %cond3A_178 {
      "tpu.region"() ({
        %run_scoped3A = tpu.sem_alloc : memref<!tpu.dma_semaphore, #tpu.memory_space<semaphore_mem>>
        %dma_start3A_179 = arith.constant 0 : i32
        %dma_start3A_180 = tpu.memref_slice %arg5[%arg0, %multiple_of3A_168, %dma_start3A_179] : memref<2x10000x128xf32, #tpu.memory_space<hbm>> -> memref<1x520x128xf32, #tpu.memory_space<hbm>>
        %dma_start3A_181 = tpu.memref_squeeze %dma_start3A_180 : memref<1x520x128xf32, #tpu.memory_space<hbm>> -> memref<520x128xf32, #tpu.memory_space<hbm>>
        %dma_start3A_182 = arith.constant 0 : i32
        %dma_start3A_183 = tpu.memref_slice %arg6[%multiple_of3A_168, %dma_start3A_182] : memref<10128x128xf32, #tpu.memory_space<vmem_shared>> -> memref<520x128xf32, #tpu.memory_space<vmem_shared>>
        tpu.enqueue_dma source(%dma_start3A_183 : memref<520x128xf32, #tpu.memory_space<vmem_shared>>) target(%dma_start3A_181 : memref<520x128xf32, #tpu.memory_space<hbm>>) target_semaphore(%run_scoped3A : memref<!tpu.dma_semaphore, #tpu.memory_space<semaphore_mem>>)
        %dma_wait3A_184 = arith.constant 0 : i32
        %dma_wait3A_185 = tpu.memref_slice %arg5[%arg0, %multiple_of3A_168, %dma_wait3A_184] : memref<2x10000x128xf32, #tpu.memory_space<hbm>> -> memref<1x520x128xf32, #tpu.memory_space<hbm>>
        %dma_wait3A_186 = tpu.memref_squeeze %dma_wait3A_185 : memref<1x520x128xf32, #tpu.memory_space<hbm>> -> memref<520x128xf32, #tpu.memory_space<hbm>>
        %dma_wait3A_187 = arith.constant 0 : i32
        %dma_wait3A_188 = tpu.memref_slice %arg6[%multiple_of3A_168, %dma_wait3A_187] : memref<10128x128xf32, #tpu.memory_space<vmem_shared>> -> memref<520x128xf32, #tpu.memory_space<vmem_shared>>
        tpu.wait_dma2 semaphore(%run_scoped3A : memref<!tpu.dma_semaphore, #tpu.memory_space<semaphore_mem>>) src(%dma_wait3A_188 : memref<520x128xf32, #tpu.memory_space<vmem_shared>>) dst(%dma_wait3A_186 : memref<520x128xf32, #tpu.memory_space<hbm>>)
        tpu.yield
      }) : () -> ()
    } else {
    }
    return
  }
}

#map = affine_map<(d0, d1) -> (0, 0, 0)>
#map1 = affine_map<(d0, d1) -> (0, 0)>
module attributes {stable_mosaic.version = 14 : i64} {
  func.func @_deg_kernel(%arg0: i32, %arg1: i32, %arg2: memref<32x162x64xi32, #tpu.memory_space<hbm>>, %arg3: memref<64x128xf32, #tpu.memory_space<hbm>>, %arg4: memref<632x128xf32, #tpu.memory_space<hbm>>, %arg5: memref<2x10000x128xf32, #tpu.memory_space<hbm>>, %arg6: memref<10128x128xf32, #tpu.memory_space<vmem_shared>>, %arg7: memref<64x128xf32, #tpu.memory_space<vmem>>, %arg8: memref<162x64xi32, #tpu.memory_space<vmem>>, %arg9: memref<!tpu.dma_semaphore, #tpu.memory_space<semaphore_mem>>) attributes {dimension_semantics = [#tpu.dimension_semantics<core_parallel>, #tpu.dimension_semantics<subcore_parallel>], iteration_bounds = array<i64: 2, 16>, scalar_prefetch = 0 : i64, scratch_operands = 4 : i64, tpu.core_type = #tpu.core_type<sc_vector_subcore>, window_params = [{transform_indices = #map}, {transform_indices = #map1}, {transform_indices = #map1}, {transform_indices = #map}]} {
    %mul3A = arith.constant 16 : i32
    %mul3A_0 = arith.muli %arg0, %mul3A : i32
    %add3A = arith.addi %mul3A_0, %arg1 : i32
    %mul3A_1 = arith.constant 632 : i32
    %mul3A_2 = arith.muli %arg1, %mul3A_1 : i32
    %multiple_of3A = tpu.assume_multiple %mul3A_2, 8 : i32
    %lt3A = arith.constant 15 : i32
    %lt3A_3 = arith.cmpi slt, %arg1, %lt3A : i32
    %convert_element_type3A = arith.extui %lt3A_3 : i1 to i32
    %cond3A = arith.constant 0 : i32
    %cond3A_4 = arith.cmpi ne, %convert_element_type3A, %cond3A : i32
    scf.if %cond3A_4 {
      "tpu.region"() ({
        %run_scoped3A = tpu.sem_alloc : memref<!tpu.dma_semaphore, #tpu.memory_space<semaphore_mem>>
        %dma_start3A = arith.constant 0 : i32
        %dma_start3A_34 = tpu.memref_slice %arg6[%multiple_of3A, %dma_start3A] : memref<10128x128xf32, #tpu.memory_space<vmem_shared>> -> memref<632x128xf32, #tpu.memory_space<vmem_shared>>
        tpu.enqueue_dma source(%arg4 : memref<632x128xf32, #tpu.memory_space<hbm>>) target(%dma_start3A_34 : memref<632x128xf32, #tpu.memory_space<vmem_shared>>) target_semaphore(%run_scoped3A : memref<!tpu.dma_semaphore, #tpu.memory_space<semaphore_mem>>)
        %dma_wait3A = arith.constant 0 : i32
        %dma_wait3A_35 = tpu.memref_slice %arg6[%multiple_of3A, %dma_wait3A] : memref<10128x128xf32, #tpu.memory_space<vmem_shared>> -> memref<632x128xf32, #tpu.memory_space<vmem_shared>>
        tpu.wait_dma2 semaphore(%run_scoped3A : memref<!tpu.dma_semaphore, #tpu.memory_space<semaphore_mem>>) src(%arg4 : memref<632x128xf32, #tpu.memory_space<hbm>>) dst(%dma_wait3A_35 : memref<632x128xf32, #tpu.memory_space<vmem_shared>>)
        tpu.yield
      }) : () -> ()
    } else {
    }
    %eq3A = arith.constant 15 : i32
    %eq3A_5 = arith.cmpi eq, %arg1, %eq3A : i32
    %convert_element_type3A_6 = arith.extui %eq3A_5 : i1 to i32
    %cond3A_7 = arith.constant 0 : i32
    %cond3A_8 = arith.cmpi ne, %convert_element_type3A_6, %cond3A_7 : i32
    scf.if %cond3A_8 {
      "tpu.region"() ({
        %run_scoped3A = tpu.sem_alloc : memref<!tpu.dma_semaphore, #tpu.memory_space<semaphore_mem>>
        %dma_start3A = arith.constant 0 : i32
        %dma_start3A_34 = tpu.memref_slice %arg6[%multiple_of3A, %dma_start3A] : memref<10128x128xf32, #tpu.memory_space<vmem_shared>> -> memref<520x128xf32, #tpu.memory_space<vmem_shared>>
        %dma_start3A_35 = arith.constant 0 : i32
        %dma_start3A_36 = arith.constant 0 : i32
        %dma_start3A_37 = tpu.memref_slice %arg4[%dma_start3A_35, %dma_start3A_36] : memref<632x128xf32, #tpu.memory_space<hbm>> -> memref<520x128xf32, #tpu.memory_space<hbm>>
        tpu.enqueue_dma source(%dma_start3A_37 : memref<520x128xf32, #tpu.memory_space<hbm>>) target(%dma_start3A_34 : memref<520x128xf32, #tpu.memory_space<vmem_shared>>) target_semaphore(%run_scoped3A : memref<!tpu.dma_semaphore, #tpu.memory_space<semaphore_mem>>)
        %dma_wait3A = arith.constant 0 : i32
        %dma_wait3A_38 = tpu.memref_slice %arg6[%multiple_of3A, %dma_wait3A] : memref<10128x128xf32, #tpu.memory_space<vmem_shared>> -> memref<520x128xf32, #tpu.memory_space<vmem_shared>>
        %dma_wait3A_39 = arith.constant 0 : i32
        %dma_wait3A_40 = arith.constant 0 : i32
        %dma_wait3A_41 = tpu.memref_slice %arg4[%dma_wait3A_39, %dma_wait3A_40] : memref<632x128xf32, #tpu.memory_space<hbm>> -> memref<520x128xf32, #tpu.memory_space<hbm>>
        tpu.wait_dma2 semaphore(%run_scoped3A : memref<!tpu.dma_semaphore, #tpu.memory_space<semaphore_mem>>) src(%dma_wait3A_41 : memref<520x128xf32, #tpu.memory_space<hbm>>) dst(%dma_wait3A_38 : memref<520x128xf32, #tpu.memory_space<vmem_shared>>)
        tpu.yield
      }) : () -> ()
    } else {
    }
    "tpu.region"() ({
      %run_scoped3A = tpu.sem_alloc : memref<!tpu.dma_semaphore, #tpu.memory_space<semaphore_mem>>
      tpu.enqueue_dma source(%arg3 : memref<64x128xf32, #tpu.memory_space<hbm>>) target(%arg7 : memref<64x128xf32, #tpu.memory_space<vmem>>) target_semaphore(%run_scoped3A : memref<!tpu.dma_semaphore, #tpu.memory_space<semaphore_mem>>)
      tpu.wait_dma2 semaphore(%run_scoped3A : memref<!tpu.dma_semaphore, #tpu.memory_space<semaphore_mem>>) src(%arg3 : memref<64x128xf32, #tpu.memory_space<hbm>>) dst(%arg7 : memref<64x128xf32, #tpu.memory_space<vmem>>)
      tpu.yield
    }) : () -> ()
    "tpu.region"() ({
      %run_scoped3A = tpu.sem_alloc : memref<!tpu.dma_semaphore, #tpu.memory_space<semaphore_mem>>
      %dma_start3A = arith.constant 0 : i32
      %dma_start3A_34 = arith.constant 0 : i32
      %dma_start3A_35 = tpu.memref_slice %arg2[%add3A, %dma_start3A, %dma_start3A_34] : memref<32x162x64xi32, #tpu.memory_space<hbm>> -> memref<1x162x64xi32, #tpu.memory_space<hbm>>
      %dma_start3A_36 = tpu.memref_squeeze %dma_start3A_35 : memref<1x162x64xi32, #tpu.memory_space<hbm>> -> memref<162x64xi32, #tpu.memory_space<hbm>>
      %dma_start3A_37 = arith.constant 0 : i32
      %dma_start3A_38 = arith.constant 0 : i32
      %dma_start3A_39 = tpu.memref_slice %arg2[%add3A, %dma_start3A_37, %dma_start3A_38] : memref<32x162x64xi32, #tpu.memory_space<hbm>> -> memref<1x162x64xi32, #tpu.memory_space<hbm>>
      %dma_start3A_40 = tpu.memref_squeeze %dma_start3A_39 : memref<1x162x64xi32, #tpu.memory_space<hbm>> -> memref<162x64xi32, #tpu.memory_space<hbm>>
      tpu.enqueue_dma source(%dma_start3A_40 : memref<162x64xi32, #tpu.memory_space<hbm>>) target(%arg8 : memref<162x64xi32, #tpu.memory_space<vmem>>) target_semaphore(%run_scoped3A : memref<!tpu.dma_semaphore, #tpu.memory_space<semaphore_mem>>)
      %dma_wait3A = arith.constant 0 : i32
      %dma_wait3A_41 = arith.constant 0 : i32
      %dma_wait3A_42 = tpu.memref_slice %arg2[%add3A, %dma_wait3A, %dma_wait3A_41] : memref<32x162x64xi32, #tpu.memory_space<hbm>> -> memref<1x162x64xi32, #tpu.memory_space<hbm>>
      %dma_wait3A_43 = tpu.memref_squeeze %dma_wait3A_42 : memref<1x162x64xi32, #tpu.memory_space<hbm>> -> memref<162x64xi32, #tpu.memory_space<hbm>>
      %dma_wait3A_44 = arith.constant 0 : i32
      %dma_wait3A_45 = arith.constant 0 : i32
      %dma_wait3A_46 = tpu.memref_slice %arg2[%add3A, %dma_wait3A_44, %dma_wait3A_45] : memref<32x162x64xi32, #tpu.memory_space<hbm>> -> memref<1x162x64xi32, #tpu.memory_space<hbm>>
      %dma_wait3A_47 = tpu.memref_squeeze %dma_wait3A_46 : memref<1x162x64xi32, #tpu.memory_space<hbm>> -> memref<162x64xi32, #tpu.memory_space<hbm>>
      tpu.wait_dma2 semaphore(%run_scoped3A : memref<!tpu.dma_semaphore, #tpu.memory_space<semaphore_mem>>) src(%dma_wait3A_47 : memref<162x64xi32, #tpu.memory_space<hbm>>) dst(%arg8 : memref<162x64xi32, #tpu.memory_space<vmem>>)
      tpu.yield
    }) : () -> ()
    %barrier3A = arith.constant 0 : index
    tpu.barrier barrier_id(%barrier3A)
    %scan3A = arith.constant 0 : i32
    %scan3A_9 = arith.constant 0 : i32
    %scan3A_10 = arith.constant 162 : i32
    %scan3A_11 = arith.addi %scan3A_9, %scan3A_10 : i32
    %scan3A_12 = arith.constant 1 : i32
    scf.for %scan3A_34 = %scan3A_9 to %scan3A_11 step %scan3A_12  : i32 {
      %dma_start3A = arith.constant 0 : i32
      %dma_start3A_35 = tpu.memref_slice %arg8[%scan3A_34, %dma_start3A] : memref<162x64xi32, #tpu.memory_space<vmem>> -> memref<1x64xi32, #tpu.memory_space<vmem>>
      %dma_start3A_36 = tpu.memref_squeeze %dma_start3A_35 : memref<1x64xi32, #tpu.memory_space<vmem>> -> memref<64xi32, #tpu.memory_space<vmem>>
      %dma_start3A_37 = arith.constant 0 : i32
      %dma_start3A_38 = arith.constant 0 : i32
      %dma_start3A_39 = tpu.memref_slice %arg6[%dma_start3A_37, %dma_start3A_38] : memref<10128x128xf32, #tpu.memory_space<vmem_shared>> -> memref<10128x128xf32, #tpu.memory_space<vmem_shared>>
      tpu.enqueue_indirect_dma source(%arg7 : memref<64x128xf32, #tpu.memory_space<vmem>>) target(%dma_start3A_39 : memref<10128x128xf32, #tpu.memory_space<vmem_shared>>) offsets(%dma_start3A_36 : memref<64xi32, #tpu.memory_space<vmem>>) semaphore(%arg9 : memref<!tpu.dma_semaphore, #tpu.memory_space<semaphore_mem>>) {add = true}
    }
    %scan3A_13 = arith.constant 162 : i32
    %scan3A_14 = arith.constant 0 : i32
    %scan3A_15 = arith.constant 0 : i32
    %scan3A_16 = arith.constant 162 : i32
    %scan3A_17 = arith.addi %scan3A_15, %scan3A_16 : i32
    %scan3A_18 = arith.constant 1 : i32
    scf.for %scan3A_34 = %scan3A_15 to %scan3A_17 step %scan3A_18  : i32 {
      %dma_wait3A = arith.constant 0 : i32
      %dma_wait3A_35 = arith.constant 0 : i32
      %dma_wait3A_36 = tpu.memref_slice %arg8[%dma_wait3A, %dma_wait3A_35] : memref<162x64xi32, #tpu.memory_space<vmem>> -> memref<1x64xi32, #tpu.memory_space<vmem>>
      %dma_wait3A_37 = tpu.memref_squeeze %dma_wait3A_36 : memref<1x64xi32, #tpu.memory_space<vmem>> -> memref<64xi32, #tpu.memory_space<vmem>>
      %dma_wait3A_38 = arith.constant 0 : i32
      %dma_wait3A_39 = arith.constant 0 : i32
      %dma_wait3A_40 = tpu.memref_slice %arg6[%dma_wait3A_38, %dma_wait3A_39] : memref<10128x128xf32, #tpu.memory_space<vmem_shared>> -> memref<10128x128xf32, #tpu.memory_space<vmem_shared>>
      tpu.wait_indirect_dma semaphore(%arg9 : memref<!tpu.dma_semaphore, #tpu.memory_space<semaphore_mem>>) src(%arg7 : memref<64x128xf32, #tpu.memory_space<vmem>>) dst(%dma_wait3A_40 : memref<10128x128xf32, #tpu.memory_space<vmem_shared>>)
    }
    %scan3A_19 = arith.constant 162 : i32
    %barrier3A_20 = arith.constant 0 : index
    tpu.barrier barrier_id(%barrier3A_20)
    %mul3A_21 = arith.constant 632 : i32
    %mul3A_22 = arith.muli %arg1, %mul3A_21 : i32
    %multiple_of3A_23 = tpu.assume_multiple %mul3A_22, 8 : i32
    %lt3A_24 = arith.constant 15 : i32
    %lt3A_25 = arith.cmpi slt, %arg1, %lt3A_24 : i32
    %convert_element_type3A_26 = arith.extui %lt3A_25 : i1 to i32
    %cond3A_27 = arith.constant 0 : i32
    %cond3A_28 = arith.cmpi ne, %convert_element_type3A_26, %cond3A_27 : i32
    scf.if %cond3A_28 {
      "tpu.region"() ({
        %run_scoped3A = tpu.sem_alloc : memref<!tpu.dma_semaphore, #tpu.memory_space<semaphore_mem>>
        %dma_start3A = arith.constant 0 : i32
        %dma_start3A_34 = tpu.memref_slice %arg5[%arg0, %multiple_of3A_23, %dma_start3A] : memref<2x10000x128xf32, #tpu.memory_space<hbm>> -> memref<1x632x128xf32, #tpu.memory_space<hbm>>
        %dma_start3A_35 = tpu.memref_squeeze %dma_start3A_34 : memref<1x632x128xf32, #tpu.memory_space<hbm>> -> memref<632x128xf32, #tpu.memory_space<hbm>>
        %dma_start3A_36 = arith.constant 0 : i32
        %dma_start3A_37 = tpu.memref_slice %arg6[%multiple_of3A_23, %dma_start3A_36] : memref<10128x128xf32, #tpu.memory_space<vmem_shared>> -> memref<632x128xf32, #tpu.memory_space<vmem_shared>>
        tpu.enqueue_dma source(%dma_start3A_37 : memref<632x128xf32, #tpu.memory_space<vmem_shared>>) target(%dma_start3A_35 : memref<632x128xf32, #tpu.memory_space<hbm>>) target_semaphore(%run_scoped3A : memref<!tpu.dma_semaphore, #tpu.memory_space<semaphore_mem>>)
        %dma_wait3A = arith.constant 0 : i32
        %dma_wait3A_38 = tpu.memref_slice %arg5[%arg0, %multiple_of3A_23, %dma_wait3A] : memref<2x10000x128xf32, #tpu.memory_space<hbm>> -> memref<1x632x128xf32, #tpu.memory_space<hbm>>
        %dma_wait3A_39 = tpu.memref_squeeze %dma_wait3A_38 : memref<1x632x128xf32, #tpu.memory_space<hbm>> -> memref<632x128xf32, #tpu.memory_space<hbm>>
        %dma_wait3A_40 = arith.constant 0 : i32
        %dma_wait3A_41 = tpu.memref_slice %arg6[%multiple_of3A_23, %dma_wait3A_40] : memref<10128x128xf32, #tpu.memory_space<vmem_shared>> -> memref<632x128xf32, #tpu.memory_space<vmem_shared>>
        tpu.wait_dma2 semaphore(%run_scoped3A : memref<!tpu.dma_semaphore, #tpu.memory_space<semaphore_mem>>) src(%dma_wait3A_41 : memref<632x128xf32, #tpu.memory_space<vmem_shared>>) dst(%dma_wait3A_39 : memref<632x128xf32, #tpu.memory_space<hbm>>)
        tpu.yield
      }) : () -> ()
    } else {
    }
    %eq3A_29 = arith.constant 15 : i32
    %eq3A_30 = arith.cmpi eq, %arg1, %eq3A_29 : i32
    %convert_element_type3A_31 = arith.extui %eq3A_30 : i1 to i32
    %cond3A_32 = arith.constant 0 : i32
    %cond3A_33 = arith.cmpi ne, %convert_element_type3A_31, %cond3A_32 : i32
    scf.if %cond3A_33 {
      "tpu.region"() ({
        %run_scoped3A = tpu.sem_alloc : memref<!tpu.dma_semaphore, #tpu.memory_space<semaphore_mem>>
        %dma_start3A = arith.constant 0 : i32
        %dma_start3A_34 = tpu.memref_slice %arg5[%arg0, %multiple_of3A_23, %dma_start3A] : memref<2x10000x128xf32, #tpu.memory_space<hbm>> -> memref<1x520x128xf32, #tpu.memory_space<hbm>>
        %dma_start3A_35 = tpu.memref_squeeze %dma_start3A_34 : memref<1x520x128xf32, #tpu.memory_space<hbm>> -> memref<520x128xf32, #tpu.memory_space<hbm>>
        %dma_start3A_36 = arith.constant 0 : i32
        %dma_start3A_37 = tpu.memref_slice %arg6[%multiple_of3A_23, %dma_start3A_36] : memref<10128x128xf32, #tpu.memory_space<vmem_shared>> -> memref<520x128xf32, #tpu.memory_space<vmem_shared>>
        tpu.enqueue_dma source(%dma_start3A_37 : memref<520x128xf32, #tpu.memory_space<vmem_shared>>) target(%dma_start3A_35 : memref<520x128xf32, #tpu.memory_space<hbm>>) target_semaphore(%run_scoped3A : memref<!tpu.dma_semaphore, #tpu.memory_space<semaphore_mem>>)
        %dma_wait3A = arith.constant 0 : i32
        %dma_wait3A_38 = tpu.memref_slice %arg5[%arg0, %multiple_of3A_23, %dma_wait3A] : memref<2x10000x128xf32, #tpu.memory_space<hbm>> -> memref<1x520x128xf32, #tpu.memory_space<hbm>>
        %dma_wait3A_39 = tpu.memref_squeeze %dma_wait3A_38 : memref<1x520x128xf32, #tpu.memory_space<hbm>> -> memref<520x128xf32, #tpu.memory_space<hbm>>
        %dma_wait3A_40 = arith.constant 0 : i32
        %dma_wait3A_41 = tpu.memref_slice %arg6[%multiple_of3A_23, %dma_wait3A_40] : memref<10128x128xf32, #tpu.memory_space<vmem_shared>> -> memref<520x128xf32, #tpu.memory_space<vmem_shared>>
        tpu.wait_dma2 semaphore(%run_scoped3A : memref<!tpu.dma_semaphore, #tpu.memory_space<semaphore_mem>>) src(%dma_wait3A_41 : memref<520x128xf32, #tpu.memory_space<vmem_shared>>) dst(%dma_wait3A_39 : memref<520x128xf32, #tpu.memory_space<hbm>>)
        tpu.yield
      }) : () -> ()
    } else {
    }
    return
  }
}

#map = affine_map<(d0, d1) -> (0, 0)>
#map1 = affine_map<(d0, d1) -> (0, 0, 0)>
module attributes {stable_mosaic.version = 14 : i64} {
  func.func @_agg_kernel(%arg0: i32, %arg1: i32, %arg2: memref<10000x128xf32, #tpu.memory_space<hbm>>, %arg3: memref<32x162x64xi32, #tpu.memory_space<hbm>>, %arg4: memref<632x128xf32, #tpu.memory_space<hbm>>, %arg5: memref<2x10000x128xf32, #tpu.memory_space<hbm>>, %arg6: memref<10128x128xf32, #tpu.memory_space<vmem_shared>>, %arg7: memref<162x64xi32, #tpu.memory_space<vmem>>, %arg8: memref<64x128xf32, #tpu.memory_space<vmem>>, %arg9: memref<64x128xf32, #tpu.memory_space<vmem>>, %arg10: memref<64x128xf32, #tpu.memory_space<vmem>>, %arg11: memref<1x64xi32, #tpu.memory_space<vmem>>, %arg12: memref<1x64xi32, #tpu.memory_space<vmem>>, %arg13: memref<1x64xi32, #tpu.memory_space<vmem>>, %arg14: memref<1x64xi32, #tpu.memory_space<vmem>>, %arg15: memref<1x64xi32, #tpu.memory_space<vmem>>, %arg16: memref<1x64xi32, #tpu.memory_space<vmem>>, %arg17: memref<!tpu.dma_semaphore, #tpu.memory_space<semaphore_mem>>, %arg18: memref<!tpu.dma_semaphore, #tpu.memory_space<semaphore_mem>>, %arg19: memref<!tpu.dma_semaphore, #tpu.memory_space<semaphore_mem>>, %arg20: memref<!tpu.dma_semaphore, #tpu.memory_space<semaphore_mem>>, %arg21: memref<!tpu.dma_semaphore, #tpu.memory_space<semaphore_mem>>, %arg22: memref<!tpu.dma_semaphore, #tpu.memory_space<semaphore_mem>>) attributes {dimension_semantics = [#tpu.dimension_semantics<core_parallel>, #tpu.dimension_semantics<subcore_parallel>], iteration_bounds = array<i64: 2, 16>, scalar_prefetch = 0 : i64, scratch_operands = 17 : i64, tpu.core_type = #tpu.core_type<sc_vector_subcore>, window_params = [{transform_indices = #map}, {transform_indices = #map1}, {transform_indices = #map}, {transform_indices = #map1}]} {
    %mul3A = arith.constant 16 : i32
    %mul3A_0 = arith.muli %arg0, %mul3A : i32
    %add3A = arith.addi %mul3A_0, %arg1 : i32
    %mul3A_1 = arith.constant 632 : i32
    %mul3A_2 = arith.muli %arg1, %mul3A_1 : i32
    %multiple_of3A = tpu.assume_multiple %mul3A_2, 8 : i32
    %lt3A = arith.constant 15 : i32
    %lt3A_3 = arith.cmpi slt, %arg1, %lt3A : i32
    %convert_element_type3A = arith.extui %lt3A_3 : i1 to i32
    %cond3A = arith.constant 0 : i32
    %cond3A_4 = arith.cmpi ne, %convert_element_type3A, %cond3A : i32
    scf.if %cond3A_4 {
      "tpu.region"() ({
        %run_scoped3A = tpu.sem_alloc : memref<!tpu.dma_semaphore, #tpu.memory_space<semaphore_mem>>
        %dma_start3A_179 = arith.constant 0 : i32
        %dma_start3A_180 = tpu.memref_slice %arg6[%multiple_of3A, %dma_start3A_179] : memref<10128x128xf32, #tpu.memory_space<vmem_shared>> -> memref<632x128xf32, #tpu.memory_space<vmem_shared>>
        tpu.enqueue_dma source(%arg4 : memref<632x128xf32, #tpu.memory_space<hbm>>) target(%dma_start3A_180 : memref<632x128xf32, #tpu.memory_space<vmem_shared>>) target_semaphore(%run_scoped3A : memref<!tpu.dma_semaphore, #tpu.memory_space<semaphore_mem>>)
        %dma_wait3A_181 = arith.constant 0 : i32
        %dma_wait3A_182 = tpu.memref_slice %arg6[%multiple_of3A, %dma_wait3A_181] : memref<10128x128xf32, #tpu.memory_space<vmem_shared>> -> memref<632x128xf32, #tpu.memory_space<vmem_shared>>
        tpu.wait_dma2 semaphore(%run_scoped3A : memref<!tpu.dma_semaphore, #tpu.memory_space<semaphore_mem>>) src(%arg4 : memref<632x128xf32, #tpu.memory_space<hbm>>) dst(%dma_wait3A_182 : memref<632x128xf32, #tpu.memory_space<vmem_shared>>)
        tpu.yield
      }) : () -> ()
    } else {
    }
    %eq3A = arith.constant 15 : i32
    %eq3A_5 = arith.cmpi eq, %arg1, %eq3A : i32
    %convert_element_type3A_6 = arith.extui %eq3A_5 : i1 to i32
    %cond3A_7 = arith.constant 0 : i32
    %cond3A_8 = arith.cmpi ne, %convert_element_type3A_6, %cond3A_7 : i32
    scf.if %cond3A_8 {
      "tpu.region"() ({
        %run_scoped3A = tpu.sem_alloc : memref<!tpu.dma_semaphore, #tpu.memory_space<semaphore_mem>>
        %dma_start3A_179 = arith.constant 0 : i32
        %dma_start3A_180 = tpu.memref_slice %arg6[%multiple_of3A, %dma_start3A_179] : memref<10128x128xf32, #tpu.memory_space<vmem_shared>> -> memref<520x128xf32, #tpu.memory_space<vmem_shared>>
        %dma_start3A_181 = arith.constant 0 : i32
        %dma_start3A_182 = arith.constant 0 : i32
        %dma_start3A_183 = tpu.memref_slice %arg4[%dma_start3A_181, %dma_start3A_182] : memref<632x128xf32, #tpu.memory_space<hbm>> -> memref<520x128xf32, #tpu.memory_space<hbm>>
        tpu.enqueue_dma source(%dma_start3A_183 : memref<520x128xf32, #tpu.memory_space<hbm>>) target(%dma_start3A_180 : memref<520x128xf32, #tpu.memory_space<vmem_shared>>) target_semaphore(%run_scoped3A : memref<!tpu.dma_semaphore, #tpu.memory_space<semaphore_mem>>)
        %dma_wait3A_184 = arith.constant 0 : i32
        %dma_wait3A_185 = tpu.memref_slice %arg6[%multiple_of3A, %dma_wait3A_184] : memref<10128x128xf32, #tpu.memory_space<vmem_shared>> -> memref<520x128xf32, #tpu.memory_space<vmem_shared>>
        %dma_wait3A_186 = arith.constant 0 : i32
        %dma_wait3A_187 = arith.constant 0 : i32
        %dma_wait3A_188 = tpu.memref_slice %arg4[%dma_wait3A_186, %dma_wait3A_187] : memref<632x128xf32, #tpu.memory_space<hbm>> -> memref<520x128xf32, #tpu.memory_space<hbm>>
        tpu.wait_dma2 semaphore(%run_scoped3A : memref<!tpu.dma_semaphore, #tpu.memory_space<semaphore_mem>>) src(%dma_wait3A_188 : memref<520x128xf32, #tpu.memory_space<hbm>>) dst(%dma_wait3A_185 : memref<520x128xf32, #tpu.memory_space<vmem_shared>>)
        tpu.yield
      }) : () -> ()
    } else {
    }
    "tpu.region"() ({
      %run_scoped3A = tpu.sem_alloc : memref<!tpu.dma_semaphore, #tpu.memory_space<semaphore_mem>>
      %dma_start3A_179 = arith.constant 0 : i32
      %dma_start3A_180 = arith.constant 0 : i32
      %dma_start3A_181 = tpu.memref_slice %arg3[%add3A, %dma_start3A_179, %dma_start3A_180] : memref<32x162x64xi32, #tpu.memory_space<hbm>> -> memref<1x162x64xi32, #tpu.memory_space<hbm>>
      %dma_start3A_182 = tpu.memref_squeeze %dma_start3A_181 : memref<1x162x64xi32, #tpu.memory_space<hbm>> -> memref<162x64xi32, #tpu.memory_space<hbm>>
      %dma_start3A_183 = arith.constant 0 : i32
      %dma_start3A_184 = arith.constant 0 : i32
      %dma_start3A_185 = tpu.memref_slice %arg3[%add3A, %dma_start3A_183, %dma_start3A_184] : memref<32x162x64xi32, #tpu.memory_space<hbm>> -> memref<1x162x64xi32, #tpu.memory_space<hbm>>
      %dma_start3A_186 = tpu.memref_squeeze %dma_start3A_185 : memref<1x162x64xi32, #tpu.memory_space<hbm>> -> memref<162x64xi32, #tpu.memory_space<hbm>>
      tpu.enqueue_dma source(%dma_start3A_186 : memref<162x64xi32, #tpu.memory_space<hbm>>) target(%arg7 : memref<162x64xi32, #tpu.memory_space<vmem>>) target_semaphore(%run_scoped3A : memref<!tpu.dma_semaphore, #tpu.memory_space<semaphore_mem>>)
      %dma_wait3A_187 = arith.constant 0 : i32
      %dma_wait3A_188 = arith.constant 0 : i32
      %dma_wait3A_189 = tpu.memref_slice %arg3[%add3A, %dma_wait3A_187, %dma_wait3A_188] : memref<32x162x64xi32, #tpu.memory_space<hbm>> -> memref<1x162x64xi32, #tpu.memory_space<hbm>>
      %dma_wait3A_190 = tpu.memref_squeeze %dma_wait3A_189 : memref<1x162x64xi32, #tpu.memory_space<hbm>> -> memref<162x64xi32, #tpu.memory_space<hbm>>
      %dma_wait3A_191 = arith.constant 0 : i32
      %dma_wait3A_192 = arith.constant 0 : i32
      %dma_wait3A_193 = tpu.memref_slice %arg3[%add3A, %dma_wait3A_191, %dma_wait3A_192] : memref<32x162x64xi32, #tpu.memory_space<hbm>> -> memref<1x162x64xi32, #tpu.memory_space<hbm>>
      %dma_wait3A_194 = tpu.memref_squeeze %dma_wait3A_193 : memref<1x162x64xi32, #tpu.memory_space<hbm>> -> memref<162x64xi32, #tpu.memory_space<hbm>>
      tpu.wait_dma2 semaphore(%run_scoped3A : memref<!tpu.dma_semaphore, #tpu.memory_space<semaphore_mem>>) src(%dma_wait3A_194 : memref<162x64xi32, #tpu.memory_space<hbm>>) dst(%arg7 : memref<162x64xi32, #tpu.memory_space<vmem>>)
      tpu.yield
    }) : () -> ()
    %barrier3A = arith.constant 0 : index
    tpu.barrier barrier_id(%barrier3A)
    %get3A = arith.constant 0 : i32
    %get3A_9 = arith.index_cast %get3A : i32 to index
    %get3A_10 = arith.constant 0 : index
    %get3A_11 = tpu.vector_load %arg7[%get3A_9, %get3A_10] {strides = array<i32>} : memref<162x64xi32, #tpu.memory_space<vmem>>, vector<1x16xi32>,
    %get3A_12 = vector.shape_cast %get3A_11 : vector<1x16xi32> to vector<16xi32>
    %shift_right_arithmetic3A = arith.constant 0 : i32
    %shift_right_arithmetic3A_13 = vector.broadcast %shift_right_arithmetic3A : i32 to vector<16xi32>
    %shift_right_arithmetic3A_14 = arith.shrsi %get3A_12, %shift_right_arithmetic3A_13 : vector<16xi32>
    %and3A = arith.constant 16383 : i32
    %and3A_15 = vector.broadcast %and3A : i32 to vector<16xi32>
    %and3A_16 = arith.andi %shift_right_arithmetic3A_14, %and3A_15 : vector<16xi32>
    %swap3A = arith.constant 0 : i32
    %swap3A_17 = arith.index_cast %swap3A : i32 to index
    %swap3A_18 = arith.constant 0 : index
    %swap3A_19 = tpu.vector_load %arg11[%swap3A_17, %swap3A_18] {strides = array<i32>} : memref<1x64xi32, #tpu.memory_space<vmem>>, vector<1x16xi32>,
    %swap3A_20 = vector.shape_cast %swap3A_19 : vector<1x16xi32> to vector<16xi32>
    %swap3A_21 = vector.shape_cast %and3A_16 : vector<16xi32> to vector<1x16xi32>
    tpu.vector_store %arg11[%swap3A_17, %swap3A_18], %swap3A_21 {strides = array<i32>} : memref<1x64xi32, #tpu.memory_space<vmem>>, vector<1x16xi32>,
    %get3A_22 = arith.constant 0 : i32
    %get3A_23 = arith.index_cast %get3A_22 : i32 to index
    %get3A_24 = arith.constant 16 : index
    %get3A_25 = tpu.vector_load %arg7[%get3A_23, %get3A_24] {strides = array<i32>} : memref<162x64xi32, #tpu.memory_space<vmem>>, vector<1x16xi32>,
    %get3A_26 = vector.shape_cast %get3A_25 : vector<1x16xi32> to vector<16xi32>
    %shift_right_arithmetic3A_27 = arith.constant 0 : i32
    %shift_right_arithmetic3A_28 = vector.broadcast %shift_right_arithmetic3A_27 : i32 to vector<16xi32>
    %shift_right_arithmetic3A_29 = arith.shrsi %get3A_26, %shift_right_arithmetic3A_28 : vector<16xi32>
    %and3A_30 = arith.constant 16383 : i32
    %and3A_31 = vector.broadcast %and3A_30 : i32 to vector<16xi32>
    %and3A_32 = arith.andi %shift_right_arithmetic3A_29, %and3A_31 : vector<16xi32>
    %swap3A_33 = arith.constant 0 : i32
    %swap3A_34 = arith.index_cast %swap3A_33 : i32 to index
    %swap3A_35 = arith.constant 16 : index
    %swap3A_36 = tpu.vector_load %arg11[%swap3A_34, %swap3A_35] {strides = array<i32>} : memref<1x64xi32, #tpu.memory_space<vmem>>, vector<1x16xi32>,
    %swap3A_37 = vector.shape_cast %swap3A_36 : vector<1x16xi32> to vector<16xi32>
    %swap3A_38 = vector.shape_cast %and3A_32 : vector<16xi32> to vector<1x16xi32>
    tpu.vector_store %arg11[%swap3A_34, %swap3A_35], %swap3A_38 {strides = array<i32>} : memref<1x64xi32, #tpu.memory_space<vmem>>, vector<1x16xi32>,
    %get3A_39 = arith.constant 0 : i32
    %get3A_40 = arith.index_cast %get3A_39 : i32 to index
    %get3A_41 = arith.constant 32 : index
    %get3A_42 = tpu.vector_load %arg7[%get3A_40, %get3A_41] {strides = array<i32>} : memref<162x64xi32, #tpu.memory_space<vmem>>, vector<1x16xi32>,
    %get3A_43 = vector.shape_cast %get3A_42 : vector<1x16xi32> to vector<16xi32>
    %shift_right_arithmetic3A_44 = arith.constant 0 : i32
    %shift_right_arithmetic3A_45 = vector.broadcast %shift_right_arithmetic3A_44 : i32 to vector<16xi32>
    %shift_right_arithmetic3A_46 = arith.shrsi %get3A_43, %shift_right_arithmetic3A_45 : vector<16xi32>
    %and3A_47 = arith.constant 16383 : i32
    %and3A_48 = vector.broadcast %and3A_47 : i32 to vector<16xi32>
    %and3A_49 = arith.andi %shift_right_arithmetic3A_46, %and3A_48 : vector<16xi32>
    %swap3A_50 = arith.constant 0 : i32
    %swap3A_51 = arith.index_cast %swap3A_50 : i32 to index
    %swap3A_52 = arith.constant 32 : index
    %swap3A_53 = tpu.vector_load %arg11[%swap3A_51, %swap3A_52] {strides = array<i32>} : memref<1x64xi32, #tpu.memory_space<vmem>>, vector<1x16xi32>,
    %swap3A_54 = vector.shape_cast %swap3A_53 : vector<1x16xi32> to vector<16xi32>
    %swap3A_55 = vector.shape_cast %and3A_49 : vector<16xi32> to vector<1x16xi32>
    tpu.vector_store %arg11[%swap3A_51, %swap3A_52], %swap3A_55 {strides = array<i32>} : memref<1x64xi32, #tpu.memory_space<vmem>>, vector<1x16xi32>,
    %get3A_56 = arith.constant 0 : i32
    %get3A_57 = arith.index_cast %get3A_56 : i32 to index
    %get3A_58 = arith.constant 48 : index
    %get3A_59 = tpu.vector_load %arg7[%get3A_57, %get3A_58] {strides = array<i32>} : memref<162x64xi32, #tpu.memory_space<vmem>>, vector<1x16xi32>,
    %get3A_60 = vector.shape_cast %get3A_59 : vector<1x16xi32> to vector<16xi32>
    %shift_right_arithmetic3A_61 = arith.constant 0 : i32
    %shift_right_arithmetic3A_62 = vector.broadcast %shift_right_arithmetic3A_61 : i32 to vector<16xi32>
    %shift_right_arithmetic3A_63 = arith.shrsi %get3A_60, %shift_right_arithmetic3A_62 : vector<16xi32>
    %and3A_64 = arith.constant 16383 : i32
    %and3A_65 = vector.broadcast %and3A_64 : i32 to vector<16xi32>
    %and3A_66 = arith.andi %shift_right_arithmetic3A_63, %and3A_65 : vector<16xi32>
    %swap3A_67 = arith.constant 0 : i32
    %swap3A_68 = arith.index_cast %swap3A_67 : i32 to index
    %swap3A_69 = arith.constant 48 : index
    %swap3A_70 = tpu.vector_load %arg11[%swap3A_68, %swap3A_69] {strides = array<i32>} : memref<1x64xi32, #tpu.memory_space<vmem>>, vector<1x16xi32>,
    %swap3A_71 = vector.shape_cast %swap3A_70 : vector<1x16xi32> to vector<16xi32>
    %swap3A_72 = vector.shape_cast %and3A_66 : vector<16xi32> to vector<1x16xi32>
    tpu.vector_store %arg11[%swap3A_68, %swap3A_69], %swap3A_72 {strides = array<i32>} : memref<1x64xi32, #tpu.memory_space<vmem>>, vector<1x16xi32>,
    %dma_start3A = arith.constant 0 : i32
    %dma_start3A_73 = arith.constant 0 : i32
    %dma_start3A_74 = tpu.memref_slice %arg11[%dma_start3A, %dma_start3A_73] : memref<1x64xi32, #tpu.memory_space<vmem>> -> memref<1x64xi32, #tpu.memory_space<vmem>>
    %dma_start3A_75 = tpu.memref_squeeze %dma_start3A_74 : memref<1x64xi32, #tpu.memory_space<vmem>> -> memref<64xi32, #tpu.memory_space<vmem>>
    %dma_start3A_76 = arith.constant 0 : i32
    %dma_start3A_77 = arith.constant 0 : i32
    %dma_start3A_78 = tpu.memref_slice %arg2[%dma_start3A_76, %dma_start3A_77] : memref<10000x128xf32, #tpu.memory_space<hbm>> -> memref<10000x128xf32, #tpu.memory_space<hbm>>
    tpu.enqueue_indirect_dma source(%dma_start3A_78 : memref<10000x128xf32, #tpu.memory_space<hbm>>) target(%arg8 : memref<64x128xf32, #tpu.memory_space<vmem>>) offsets(%dma_start3A_75 : memref<64xi32, #tpu.memory_space<vmem>>) semaphore(%arg17 : memref<!tpu.dma_semaphore, #tpu.memory_space<semaphore_mem>>)
    %get3A_79 = arith.constant 1 : i32
    %get3A_80 = arith.index_cast %get3A_79 : i32 to index
    %get3A_81 = arith.constant 0 : index
    %get3A_82 = tpu.vector_load %arg7[%get3A_80, %get3A_81] {strides = array<i32>} : memref<162x64xi32, #tpu.memory_space<vmem>>, vector<1x16xi32>,
    %get3A_83 = vector.shape_cast %get3A_82 : vector<1x16xi32> to vector<16xi32>
    %shift_right_arithmetic3A_84 = arith.constant 0 : i32
    %shift_right_arithmetic3A_85 = vector.broadcast %shift_right_arithmetic3A_84 : i32 to vector<16xi32>
    %shift_right_arithmetic3A_86 = arith.shrsi %get3A_83, %shift_right_arithmetic3A_85 : vector<16xi32>
    %and3A_87 = arith.constant 16383 : i32
    %and3A_88 = vector.broadcast %and3A_87 : i32 to vector<16xi32>
    %and3A_89 = arith.andi %shift_right_arithmetic3A_86, %and3A_88 : vector<16xi32>
    %swap3A_90 = arith.constant 0 : i32
    %swap3A_91 = arith.index_cast %swap3A_90 : i32 to index
    %swap3A_92 = arith.constant 0 : index
    %swap3A_93 = tpu.vector_load %arg12[%swap3A_91, %swap3A_92] {strides = array<i32>} : memref<1x64xi32, #tpu.memory_space<vmem>>, vector<1x16xi32>,
    %swap3A_94 = vector.shape_cast %swap3A_93 : vector<1x16xi32> to vector<16xi32>
    %swap3A_95 = vector.shape_cast %and3A_89 : vector<16xi32> to vector<1x16xi32>
    tpu.vector_store %arg12[%swap3A_91, %swap3A_92], %swap3A_95 {strides = array<i32>} : memref<1x64xi32, #tpu.memory_space<vmem>>, vector<1x16xi32>,
    %get3A_96 = arith.constant 1 : i32
    %get3A_97 = arith.index_cast %get3A_96 : i32 to index
    %get3A_98 = arith.constant 16 : index
    %get3A_99 = tpu.vector_load %arg7[%get3A_97, %get3A_98] {strides = array<i32>} : memref<162x64xi32, #tpu.memory_space<vmem>>, vector<1x16xi32>,
    %get3A_100 = vector.shape_cast %get3A_99 : vector<1x16xi32> to vector<16xi32>
    %shift_right_arithmetic3A_101 = arith.constant 0 : i32
    %shift_right_arithmetic3A_102 = vector.broadcast %shift_right_arithmetic3A_101 : i32 to vector<16xi32>
    %shift_right_arithmetic3A_103 = arith.shrsi %get3A_100, %shift_right_arithmetic3A_102 : vector<16xi32>
    %and3A_104 = arith.constant 16383 : i32
    %and3A_105 = vector.broadcast %and3A_104 : i32 to vector<16xi32>
    %and3A_106 = arith.andi %shift_right_arithmetic3A_103, %and3A_105 : vector<16xi32>
    %swap3A_107 = arith.constant 0 : i32
    %swap3A_108 = arith.index_cast %swap3A_107 : i32 to index
    %swap3A_109 = arith.constant 16 : index
    %swap3A_110 = tpu.vector_load %arg12[%swap3A_108, %swap3A_109] {strides = array<i32>} : memref<1x64xi32, #tpu.memory_space<vmem>>, vector<1x16xi32>,
    %swap3A_111 = vector.shape_cast %swap3A_110 : vector<1x16xi32> to vector<16xi32>
    %swap3A_112 = vector.shape_cast %and3A_106 : vector<16xi32> to vector<1x16xi32>
    tpu.vector_store %arg12[%swap3A_108, %swap3A_109], %swap3A_112 {strides = array<i32>} : memref<1x64xi32, #tpu.memory_space<vmem>>, vector<1x16xi32>,
    %get3A_113 = arith.constant 1 : i32
    %get3A_114 = arith.index_cast %get3A_113 : i32 to index
    %get3A_115 = arith.constant 32 : index
    %get3A_116 = tpu.vector_load %arg7[%get3A_114, %get3A_115] {strides = array<i32>} : memref<162x64xi32, #tpu.memory_space<vmem>>, vector<1x16xi32>,
    %get3A_117 = vector.shape_cast %get3A_116 : vector<1x16xi32> to vector<16xi32>
    %shift_right_arithmetic3A_118 = arith.constant 0 : i32
    %shift_right_arithmetic3A_119 = vector.broadcast %shift_right_arithmetic3A_118 : i32 to vector<16xi32>
    %shift_right_arithmetic3A_120 = arith.shrsi %get3A_117, %shift_right_arithmetic3A_119 : vector<16xi32>
    %and3A_121 = arith.constant 16383 : i32
    %and3A_122 = vector.broadcast %and3A_121 : i32 to vector<16xi32>
    %and3A_123 = arith.andi %shift_right_arithmetic3A_120, %and3A_122 : vector<16xi32>
    %swap3A_124 = arith.constant 0 : i32
    %swap3A_125 = arith.index_cast %swap3A_124 : i32 to index
    %swap3A_126 = arith.constant 32 : index
    %swap3A_127 = tpu.vector_load %arg12[%swap3A_125, %swap3A_126] {strides = array<i32>} : memref<1x64xi32, #tpu.memory_space<vmem>>, vector<1x16xi32>,
    %swap3A_128 = vector.shape_cast %swap3A_127 : vector<1x16xi32> to vector<16xi32>
    %swap3A_129 = vector.shape_cast %and3A_123 : vector<16xi32> to vector<1x16xi32>
    tpu.vector_store %arg12[%swap3A_125, %swap3A_126], %swap3A_129 {strides = array<i32>} : memref<1x64xi32, #tpu.memory_space<vmem>>, vector<1x16xi32>,
    %get3A_130 = arith.constant 1 : i32
    %get3A_131 = arith.index_cast %get3A_130 : i32 to index
    %get3A_132 = arith.constant 48 : index
    %get3A_133 = tpu.vector_load %arg7[%get3A_131, %get3A_132] {strides = array<i32>} : memref<162x64xi32, #tpu.memory_space<vmem>>, vector<1x16xi32>,
    %get3A_134 = vector.shape_cast %get3A_133 : vector<1x16xi32> to vector<16xi32>
    %shift_right_arithmetic3A_135 = arith.constant 0 : i32
    %shift_right_arithmetic3A_136 = vector.broadcast %shift_right_arithmetic3A_135 : i32 to vector<16xi32>
    %shift_right_arithmetic3A_137 = arith.shrsi %get3A_134, %shift_right_arithmetic3A_136 : vector<16xi32>
    %and3A_138 = arith.constant 16383 : i32
    %and3A_139 = vector.broadcast %and3A_138 : i32 to vector<16xi32>
    %and3A_140 = arith.andi %shift_right_arithmetic3A_137, %and3A_139 : vector<16xi32>
    %swap3A_141 = arith.constant 0 : i32
    %swap3A_142 = arith.index_cast %swap3A_141 : i32 to index
    %swap3A_143 = arith.constant 48 : index
    %swap3A_144 = tpu.vector_load %arg12[%swap3A_142, %swap3A_143] {strides = array<i32>} : memref<1x64xi32, #tpu.memory_space<vmem>>, vector<1x16xi32>,
    %swap3A_145 = vector.shape_cast %swap3A_144 : vector<1x16xi32> to vector<16xi32>
    %swap3A_146 = vector.shape_cast %and3A_140 : vector<16xi32> to vector<1x16xi32>
    tpu.vector_store %arg12[%swap3A_142, %swap3A_143], %swap3A_146 {strides = array<i32>} : memref<1x64xi32, #tpu.memory_space<vmem>>, vector<1x16xi32>,
    %dma_start3A_147 = arith.constant 0 : i32
    %dma_start3A_148 = arith.constant 0 : i32
    %dma_start3A_149 = tpu.memref_slice %arg12[%dma_start3A_147, %dma_start3A_148] : memref<1x64xi32, #tpu.memory_space<vmem>> -> memref<1x64xi32, #tpu.memory_space<vmem>>
    %dma_start3A_150 = tpu.memref_squeeze %dma_start3A_149 : memref<1x64xi32, #tpu.memory_space<vmem>> -> memref<64xi32, #tpu.memory_space<vmem>>
    %dma_start3A_151 = arith.constant 0 : i32
    %dma_start3A_152 = arith.constant 0 : i32
    %dma_start3A_153 = tpu.memref_slice %arg2[%dma_start3A_151, %dma_start3A_152] : memref<10000x128xf32, #tpu.memory_space<hbm>> -> memref<10000x128xf32, #tpu.memory_space<hbm>>
    tpu.enqueue_indirect_dma source(%dma_start3A_153 : memref<10000x128xf32, #tpu.memory_space<hbm>>) target(%arg9 : memref<64x128xf32, #tpu.memory_space<vmem>>) offsets(%dma_start3A_150 : memref<64xi32, #tpu.memory_space<vmem>>) semaphore(%arg18 : memref<!tpu.dma_semaphore, #tpu.memory_space<semaphore_mem>>)
    %scan3A = arith.constant 0 : i32
    %scan3A_154 = arith.constant 0 : i32
    %scan3A_155 = arith.constant 54 : i32
    %scan3A_156 = arith.addi %scan3A_154, %scan3A_155 : i32
    %scan3A_157 = arith.constant 1 : i32
    scf.for %scan3A_179 = %scan3A_154 to %scan3A_156 step %scan3A_157  : i32 {
      %mul3A_180 = arith.constant 3 : i32
      %mul3A_181 = arith.muli %scan3A_179, %mul3A_180 : i32
      %add3A_182 = arith.constant 0 : i32
      %add3A_183 = arith.addi %mul3A_181, %add3A_182 : i32
      %dma_wait3A_184 = arith.constant 0 : i32
      %dma_wait3A_185 = arith.constant 0 : i32
      %dma_wait3A_186 = tpu.memref_slice %arg11[%dma_wait3A_184, %dma_wait3A_185] : memref<1x64xi32, #tpu.memory_space<vmem>> -> memref<1x64xi32, #tpu.memory_space<vmem>>
      %dma_wait3A_187 = tpu.memref_squeeze %dma_wait3A_186 : memref<1x64xi32, #tpu.memory_space<vmem>> -> memref<64xi32, #tpu.memory_space<vmem>>
      %dma_wait3A_188 = arith.constant 0 : i32
      %dma_wait3A_189 = arith.constant 0 : i32
      %dma_wait3A_190 = tpu.memref_slice %arg2[%dma_wait3A_188, %dma_wait3A_189] : memref<10000x128xf32, #tpu.memory_space<hbm>> -> memref<10000x128xf32, #tpu.memory_space<hbm>>
      tpu.wait_indirect_dma semaphore(%arg17 : memref<!tpu.dma_semaphore, #tpu.memory_space<semaphore_mem>>) src(%dma_wait3A_190 : memref<10000x128xf32, #tpu.memory_space<hbm>>) dst(%arg8 : memref<64x128xf32, #tpu.memory_space<vmem>>)
      %get3A_191 = arith.index_cast %add3A_183 : i32 to index
      %get3A_192 = arith.constant 0 : index
      %get3A_193 = tpu.vector_load %arg7[%get3A_191, %get3A_192] {strides = array<i32>} : memref<162x64xi32, #tpu.memory_space<vmem>>, vector<1x16xi32>,
      %get3A_194 = vector.shape_cast %get3A_193 : vector<1x16xi32> to vector<16xi32>
      %shift_right_arithmetic3A_195 = arith.constant 14 : i32
      %shift_right_arithmetic3A_196 = vector.broadcast %shift_right_arithmetic3A_195 : i32 to vector<16xi32>
      %shift_right_arithmetic3A_197 = arith.shrsi %get3A_194, %shift_right_arithmetic3A_196 : vector<16xi32>
      %and3A_198 = arith.constant 16383 : i32
      %and3A_199 = vector.broadcast %and3A_198 : i32 to vector<16xi32>
      %and3A_200 = arith.andi %shift_right_arithmetic3A_197, %and3A_199 : vector<16xi32>
      %swap3A_201 = arith.constant 0 : i32
      %swap3A_202 = arith.index_cast %swap3A_201 : i32 to index
      %swap3A_203 = arith.constant 0 : index
      %swap3A_204 = tpu.vector_load %arg14[%swap3A_202, %swap3A_203] {strides = array<i32>} : memref<1x64xi32, #tpu.memory_space<vmem>>, vector<1x16xi32>,
      %swap3A_205 = vector.shape_cast %swap3A_204 : vector<1x16xi32> to vector<16xi32>
      %swap3A_206 = vector.shape_cast %and3A_200 : vector<16xi32> to vector<1x16xi32>
      tpu.vector_store %arg14[%swap3A_202, %swap3A_203], %swap3A_206 {strides = array<i32>} : memref<1x64xi32, #tpu.memory_space<vmem>>, vector<1x16xi32>,
      %get3A_207 = arith.index_cast %add3A_183 : i32 to index
      %get3A_208 = arith.constant 16 : index
      %get3A_209 = tpu.vector_load %arg7[%get3A_207, %get3A_208] {strides = array<i32>} : memref<162x64xi32, #tpu.memory_space<vmem>>, vector<1x16xi32>,
      %get3A_210 = vector.shape_cast %get3A_209 : vector<1x16xi32> to vector<16xi32>
      %shift_right_arithmetic3A_211 = arith.constant 14 : i32
      %shift_right_arithmetic3A_212 = vector.broadcast %shift_right_arithmetic3A_211 : i32 to vector<16xi32>
      %shift_right_arithmetic3A_213 = arith.shrsi %get3A_210, %shift_right_arithmetic3A_212 : vector<16xi32>
      %and3A_214 = arith.constant 16383 : i32
      %and3A_215 = vector.broadcast %and3A_214 : i32 to vector<16xi32>
      %and3A_216 = arith.andi %shift_right_arithmetic3A_213, %and3A_215 : vector<16xi32>
      %swap3A_217 = arith.constant 0 : i32
      %swap3A_218 = arith.index_cast %swap3A_217 : i32 to index
      %swap3A_219 = arith.constant 16 : index
      %swap3A_220 = tpu.vector_load %arg14[%swap3A_218, %swap3A_219] {strides = array<i32>} : memref<1x64xi32, #tpu.memory_space<vmem>>, vector<1x16xi32>,
      %swap3A_221 = vector.shape_cast %swap3A_220 : vector<1x16xi32> to vector<16xi32>
      %swap3A_222 = vector.shape_cast %and3A_216 : vector<16xi32> to vector<1x16xi32>
      tpu.vector_store %arg14[%swap3A_218, %swap3A_219], %swap3A_222 {strides = array<i32>} : memref<1x64xi32, #tpu.memory_space<vmem>>, vector<1x16xi32>,
      %get3A_223 = arith.index_cast %add3A_183 : i32 to index
      %get3A_224 = arith.constant 32 : index
      %get3A_225 = tpu.vector_load %arg7[%get3A_223, %get3A_224] {strides = array<i32>} : memref<162x64xi32, #tpu.memory_space<vmem>>, vector<1x16xi32>,
      %get3A_226 = vector.shape_cast %get3A_225 : vector<1x16xi32> to vector<16xi32>
      %shift_right_arithmetic3A_227 = arith.constant 14 : i32
      %shift_right_arithmetic3A_228 = vector.broadcast %shift_right_arithmetic3A_227 : i32 to vector<16xi32>
      %shift_right_arithmetic3A_229 = arith.shrsi %get3A_226, %shift_right_arithmetic3A_228 : vector<16xi32>
      %and3A_230 = arith.constant 16383 : i32
      %and3A_231 = vector.broadcast %and3A_230 : i32 to vector<16xi32>
      %and3A_232 = arith.andi %shift_right_arithmetic3A_229, %and3A_231 : vector<16xi32>
      %swap3A_233 = arith.constant 0 : i32
      %swap3A_234 = arith.index_cast %swap3A_233 : i32 to index
      %swap3A_235 = arith.constant 32 : index
      %swap3A_236 = tpu.vector_load %arg14[%swap3A_234, %swap3A_235] {strides = array<i32>} : memref<1x64xi32, #tpu.memory_space<vmem>>, vector<1x16xi32>,
      %swap3A_237 = vector.shape_cast %swap3A_236 : vector<1x16xi32> to vector<16xi32>
      %swap3A_238 = vector.shape_cast %and3A_232 : vector<16xi32> to vector<1x16xi32>
      tpu.vector_store %arg14[%swap3A_234, %swap3A_235], %swap3A_238 {strides = array<i32>} : memref<1x64xi32, #tpu.memory_space<vmem>>, vector<1x16xi32>,
      %get3A_239 = arith.index_cast %add3A_183 : i32 to index
      %get3A_240 = arith.constant 48 : index
      %get3A_241 = tpu.vector_load %arg7[%get3A_239, %get3A_240] {strides = array<i32>} : memref<162x64xi32, #tpu.memory_space<vmem>>, vector<1x16xi32>,
      %get3A_242 = vector.shape_cast %get3A_241 : vector<1x16xi32> to vector<16xi32>
      %shift_right_arithmetic3A_243 = arith.constant 14 : i32
      %shift_right_arithmetic3A_244 = vector.broadcast %shift_right_arithmetic3A_243 : i32 to vector<16xi32>
      %shift_right_arithmetic3A_245 = arith.shrsi %get3A_242, %shift_right_arithmetic3A_244 : vector<16xi32>
      %and3A_246 = arith.constant 16383 : i32
      %and3A_247 = vector.broadcast %and3A_246 : i32 to vector<16xi32>
      %and3A_248 = arith.andi %shift_right_arithmetic3A_245, %and3A_247 : vector<16xi32>
      %swap3A_249 = arith.constant 0 : i32
      %swap3A_250 = arith.index_cast %swap3A_249 : i32 to index
      %swap3A_251 = arith.constant 48 : index
      %swap3A_252 = tpu.vector_load %arg14[%swap3A_250, %swap3A_251] {strides = array<i32>} : memref<1x64xi32, #tpu.memory_space<vmem>>, vector<1x16xi32>,
      %swap3A_253 = vector.shape_cast %swap3A_252 : vector<1x16xi32> to vector<16xi32>
      %swap3A_254 = vector.shape_cast %and3A_248 : vector<16xi32> to vector<1x16xi32>
      tpu.vector_store %arg14[%swap3A_250, %swap3A_251], %swap3A_254 {strides = array<i32>} : memref<1x64xi32, #tpu.memory_space<vmem>>, vector<1x16xi32>,
      %dma_start3A_255 = arith.constant 0 : i32
      %dma_start3A_256 = arith.constant 0 : i32
      %dma_start3A_257 = tpu.memref_slice %arg14[%dma_start3A_255, %dma_start3A_256] : memref<1x64xi32, #tpu.memory_space<vmem>> -> memref<1x64xi32, #tpu.memory_space<vmem>>
      %dma_start3A_258 = tpu.memref_squeeze %dma_start3A_257 : memref<1x64xi32, #tpu.memory_space<vmem>> -> memref<64xi32, #tpu.memory_space<vmem>>
      %dma_start3A_259 = arith.constant 0 : i32
      %dma_start3A_260 = arith.constant 0 : i32
      %dma_start3A_261 = tpu.memref_slice %arg6[%dma_start3A_259, %dma_start3A_260] : memref<10128x128xf32, #tpu.memory_space<vmem_shared>> -> memref<10128x128xf32, #tpu.memory_space<vmem_shared>>
      tpu.enqueue_indirect_dma source(%arg8 : memref<64x128xf32, #tpu.memory_space<vmem>>) target(%dma_start3A_261 : memref<10128x128xf32, #tpu.memory_space<vmem_shared>>) offsets(%dma_start3A_258 : memref<64xi32, #tpu.memory_space<vmem>>) semaphore(%arg20 : memref<!tpu.dma_semaphore, #tpu.memory_space<semaphore_mem>>) {add = true}
      %ge3A = arith.constant 1 : i32
      %ge3A_262 = arith.cmpi sge, %add3A_183, %ge3A : i32
      %convert_element_type3A_263 = arith.extui %ge3A_262 : i1 to i32
      %cond3A_264 = arith.constant 0 : i32
      %cond3A_265 = arith.cmpi ne, %convert_element_type3A_263, %cond3A_264 : i32
      scf.if %cond3A_265 {
        %dma_wait3A_466 = arith.constant 0 : i32
        %dma_wait3A_467 = arith.constant 0 : i32
        %dma_wait3A_468 = tpu.memref_slice %arg16[%dma_wait3A_466, %dma_wait3A_467] : memref<1x64xi32, #tpu.memory_space<vmem>> -> memref<1x64xi32, #tpu.memory_space<vmem>>
        %dma_wait3A_469 = tpu.memref_squeeze %dma_wait3A_468 : memref<1x64xi32, #tpu.memory_space<vmem>> -> memref<64xi32, #tpu.memory_space<vmem>>
        %dma_wait3A_470 = arith.constant 0 : i32
        %dma_wait3A_471 = arith.constant 0 : i32
        %dma_wait3A_472 = tpu.memref_slice %arg6[%dma_wait3A_470, %dma_wait3A_471] : memref<10128x128xf32, #tpu.memory_space<vmem_shared>> -> memref<10128x128xf32, #tpu.memory_space<vmem_shared>>
        tpu.wait_indirect_dma semaphore(%arg22 : memref<!tpu.dma_semaphore, #tpu.memory_space<semaphore_mem>>) src(%arg10 : memref<64x128xf32, #tpu.memory_space<vmem>>) dst(%dma_wait3A_472 : memref<10128x128xf32, #tpu.memory_space<vmem_shared>>)
      } else {
      }
      %add3A_266 = arith.constant 3 : i32
      %add3A_267 = arith.addi %add3A_183, %add3A_266 : i32
      %sub3A = arith.constant 1 : i32
      %sub3A_268 = arith.subi %add3A_267, %sub3A : i32
      %lt3A_269 = arith.constant 162 : i32
      %lt3A_270 = arith.cmpi slt, %sub3A_268, %lt3A_269 : i32
      %convert_element_type3A_271 = arith.extui %lt3A_270 : i1 to i32
      %cond3A_272 = arith.constant 0 : i32
      %cond3A_273 = arith.cmpi ne, %convert_element_type3A_271, %cond3A_272 : i32
      scf.if %cond3A_273 {
        %add3A_466 = arith.constant 3 : i32
        %add3A_467 = arith.addi %add3A_183, %add3A_466 : i32
        %sub3A_468 = arith.constant 1 : i32
        %sub3A_469 = arith.subi %add3A_467, %sub3A_468 : i32
        %get3A_470 = arith.index_cast %sub3A_469 : i32 to index
        %get3A_471 = arith.constant 0 : index
        %get3A_472 = tpu.vector_load %arg7[%get3A_470, %get3A_471] {strides = array<i32>} : memref<162x64xi32, #tpu.memory_space<vmem>>, vector<1x16xi32>,
        %get3A_473 = vector.shape_cast %get3A_472 : vector<1x16xi32> to vector<16xi32>
        %shift_right_arithmetic3A_474 = arith.constant 0 : i32
        %shift_right_arithmetic3A_475 = vector.broadcast %shift_right_arithmetic3A_474 : i32 to vector<16xi32>
        %shift_right_arithmetic3A_476 = arith.shrsi %get3A_473, %shift_right_arithmetic3A_475 : vector<16xi32>
        %and3A_477 = arith.constant 16383 : i32
        %and3A_478 = vector.broadcast %and3A_477 : i32 to vector<16xi32>
        %and3A_479 = arith.andi %shift_right_arithmetic3A_476, %and3A_478 : vector<16xi32>
        %swap3A_480 = arith.constant 0 : i32
        %swap3A_481 = arith.index_cast %swap3A_480 : i32 to index
        %swap3A_482 = arith.constant 0 : index
        %swap3A_483 = tpu.vector_load %arg13[%swap3A_481, %swap3A_482] {strides = array<i32>} : memref<1x64xi32, #tpu.memory_space<vmem>>, vector<1x16xi32>,
        %swap3A_484 = vector.shape_cast %swap3A_483 : vector<1x16xi32> to vector<16xi32>
        %swap3A_485 = vector.shape_cast %and3A_479 : vector<16xi32> to vector<1x16xi32>
        tpu.vector_store %arg13[%swap3A_481, %swap3A_482], %swap3A_485 {strides = array<i32>} : memref<1x64xi32, #tpu.memory_space<vmem>>, vector<1x16xi32>,
        %get3A_486 = arith.index_cast %sub3A_469 : i32 to index
        %get3A_487 = arith.constant 16 : index
        %get3A_488 = tpu.vector_load %arg7[%get3A_486, %get3A_487] {strides = array<i32>} : memref<162x64xi32, #tpu.memory_space<vmem>>, vector<1x16xi32>,
        %get3A_489 = vector.shape_cast %get3A_488 : vector<1x16xi32> to vector<16xi32>
        %shift_right_arithmetic3A_490 = arith.constant 0 : i32
        %shift_right_arithmetic3A_491 = vector.broadcast %shift_right_arithmetic3A_490 : i32 to vector<16xi32>
        %shift_right_arithmetic3A_492 = arith.shrsi %get3A_489, %shift_right_arithmetic3A_491 : vector<16xi32>
        %and3A_493 = arith.constant 16383 : i32
        %and3A_494 = vector.broadcast %and3A_493 : i32 to vector<16xi32>
        %and3A_495 = arith.andi %shift_right_arithmetic3A_492, %and3A_494 : vector<16xi32>
        %swap3A_496 = arith.constant 0 : i32
        %swap3A_497 = arith.index_cast %swap3A_496 : i32 to index
        %swap3A_498 = arith.constant 16 : index
        %swap3A_499 = tpu.vector_load %arg13[%swap3A_497, %swap3A_498] {strides = array<i32>} : memref<1x64xi32, #tpu.memory_space<vmem>>, vector<1x16xi32>,
        %swap3A_500 = vector.shape_cast %swap3A_499 : vector<1x16xi32> to vector<16xi32>
        %swap3A_501 = vector.shape_cast %and3A_495 : vector<16xi32> to vector<1x16xi32>
        tpu.vector_store %arg13[%swap3A_497, %swap3A_498], %swap3A_501 {strides = array<i32>} : memref<1x64xi32, #tpu.memory_space<vmem>>, vector<1x16xi32>,
        %get3A_502 = arith.index_cast %sub3A_469 : i32 to index
        %get3A_503 = arith.constant 32 : index
        %get3A_504 = tpu.vector_load %arg7[%get3A_502, %get3A_503] {strides = array<i32>} : memref<162x64xi32, #tpu.memory_space<vmem>>, vector<1x16xi32>,
        %get3A_505 = vector.shape_cast %get3A_504 : vector<1x16xi32> to vector<16xi32>
        %shift_right_arithmetic3A_506 = arith.constant 0 : i32
        %shift_right_arithmetic3A_507 = vector.broadcast %shift_right_arithmetic3A_506 : i32 to vector<16xi32>
        %shift_right_arithmetic3A_508 = arith.shrsi %get3A_505, %shift_right_arithmetic3A_507 : vector<16xi32>
        %and3A_509 = arith.constant 16383 : i32
        %and3A_510 = vector.broadcast %and3A_509 : i32 to vector<16xi32>
        %and3A_511 = arith.andi %shift_right_arithmetic3A_508, %and3A_510 : vector<16xi32>
        %swap3A_512 = arith.constant 0 : i32
        %swap3A_513 = arith.index_cast %swap3A_512 : i32 to index
        %swap3A_514 = arith.constant 32 : index
        %swap3A_515 = tpu.vector_load %arg13[%swap3A_513, %swap3A_514] {strides = array<i32>} : memref<1x64xi32, #tpu.memory_space<vmem>>, vector<1x16xi32>,
        %swap3A_516 = vector.shape_cast %swap3A_515 : vector<1x16xi32> to vector<16xi32>
        %swap3A_517 = vector.shape_cast %and3A_511 : vector<16xi32> to vector<1x16xi32>
        tpu.vector_store %arg13[%swap3A_513, %swap3A_514], %swap3A_517 {strides = array<i32>} : memref<1x64xi32, #tpu.memory_space<vmem>>, vector<1x16xi32>,
        %get3A_518 = arith.index_cast %sub3A_469 : i32 to index
        %get3A_519 = arith.constant 48 : index
        %get3A_520 = tpu.vector_load %arg7[%get3A_518, %get3A_519] {strides = array<i32>} : memref<162x64xi32, #tpu.memory_space<vmem>>, vector<1x16xi32>,
        %get3A_521 = vector.shape_cast %get3A_520 : vector<1x16xi32> to vector<16xi32>
        %shift_right_arithmetic3A_522 = arith.constant 0 : i32
        %shift_right_arithmetic3A_523 = vector.broadcast %shift_right_arithmetic3A_522 : i32 to vector<16xi32>
        %shift_right_arithmetic3A_524 = arith.shrsi %get3A_521, %shift_right_arithmetic3A_523 : vector<16xi32>
        %and3A_525 = arith.constant 16383 : i32
        %and3A_526 = vector.broadcast %and3A_525 : i32 to vector<16xi32>
        %and3A_527 = arith.andi %shift_right_arithmetic3A_524, %and3A_526 : vector<16xi32>
        %swap3A_528 = arith.constant 0 : i32
        %swap3A_529 = arith.index_cast %swap3A_528 : i32 to index
        %swap3A_530 = arith.constant 48 : index
        %swap3A_531 = tpu.vector_load %arg13[%swap3A_529, %swap3A_530] {strides = array<i32>} : memref<1x64xi32, #tpu.memory_space<vmem>>, vector<1x16xi32>,
        %swap3A_532 = vector.shape_cast %swap3A_531 : vector<1x16xi32> to vector<16xi32>
        %swap3A_533 = vector.shape_cast %and3A_527 : vector<16xi32> to vector<1x16xi32>
        tpu.vector_store %arg13[%swap3A_529, %swap3A_530], %swap3A_533 {strides = array<i32>} : memref<1x64xi32, #tpu.memory_space<vmem>>, vector<1x16xi32>,
        %dma_start3A_534 = arith.constant 0 : i32
        %dma_start3A_535 = arith.constant 0 : i32
        %dma_start3A_536 = tpu.memref_slice %arg13[%dma_start3A_534, %dma_start3A_535] : memref<1x64xi32, #tpu.memory_space<vmem>> -> memref<1x64xi32, #tpu.memory_space<vmem>>
        %dma_start3A_537 = tpu.memref_squeeze %dma_start3A_536 : memref<1x64xi32, #tpu.memory_space<vmem>> -> memref<64xi32, #tpu.memory_space<vmem>>
        %dma_start3A_538 = arith.constant 0 : i32
        %dma_start3A_539 = arith.constant 0 : i32
        %dma_start3A_540 = tpu.memref_slice %arg2[%dma_start3A_538, %dma_start3A_539] : memref<10000x128xf32, #tpu.memory_space<hbm>> -> memref<10000x128xf32, #tpu.memory_space<hbm>>
        tpu.enqueue_indirect_dma source(%dma_start3A_540 : memref<10000x128xf32, #tpu.memory_space<hbm>>) target(%arg10 : memref<64x128xf32, #tpu.memory_space<vmem>>) offsets(%dma_start3A_537 : memref<64xi32, #tpu.memory_space<vmem>>) semaphore(%arg19 : memref<!tpu.dma_semaphore, #tpu.memory_space<semaphore_mem>>)
      } else {
      }
      %mul3A_274 = arith.constant 3 : i32
      %mul3A_275 = arith.muli %scan3A_179, %mul3A_274 : i32
      %add3A_276 = arith.constant 1 : i32
      %add3A_277 = arith.addi %mul3A_275, %add3A_276 : i32
      %dma_wait3A_278 = arith.constant 0 : i32
      %dma_wait3A_279 = arith.constant 0 : i32
      %dma_wait3A_280 = tpu.memref_slice %arg12[%dma_wait3A_278, %dma_wait3A_279] : memref<1x64xi32, #tpu.memory_space<vmem>> -> memref<1x64xi32, #tpu.memory_space<vmem>>
      %dma_wait3A_281 = tpu.memref_squeeze %dma_wait3A_280 : memref<1x64xi32, #tpu.memory_space<vmem>> -> memref<64xi32, #tpu.memory_space<vmem>>
      %dma_wait3A_282 = arith.constant 0 : i32
      %dma_wait3A_283 = arith.constant 0 : i32
      %dma_wait3A_284 = tpu.memref_slice %arg2[%dma_wait3A_282, %dma_wait3A_283] : memref<10000x128xf32, #tpu.memory_space<hbm>> -> memref<10000x128xf32, #tpu.memory_space<hbm>>
      tpu.wait_indirect_dma semaphore(%arg18 : memref<!tpu.dma_semaphore, #tpu.memory_space<semaphore_mem>>) src(%dma_wait3A_284 : memref<10000x128xf32, #tpu.memory_space<hbm>>) dst(%arg9 : memref<64x128xf32, #tpu.memory_space<vmem>>)
      %get3A_285 = arith.index_cast %add3A_277 : i32 to index
      %get3A_286 = arith.constant 0 : index
      %get3A_287 = tpu.vector_load %arg7[%get3A_285, %get3A_286] {strides = array<i32>} : memref<162x64xi32, #tpu.memory_space<vmem>>, vector<1x16xi32>,
      %get3A_288 = vector.shape_cast %get3A_287 : vector<1x16xi32> to vector<16xi32>
      %shift_right_arithmetic3A_289 = arith.constant 14 : i32
      %shift_right_arithmetic3A_290 = vector.broadcast %shift_right_arithmetic3A_289 : i32 to vector<16xi32>
      %shift_right_arithmetic3A_291 = arith.shrsi %get3A_288, %shift_right_arithmetic3A_290 : vector<16xi32>
      %and3A_292 = arith.constant 16383 : i32
      %and3A_293 = vector.broadcast %and3A_292 : i32 to vector<16xi32>
      %and3A_294 = arith.andi %shift_right_arithmetic3A_291, %and3A_293 : vector<16xi32>
      %swap3A_295 = arith.constant 0 : i32
      %swap3A_296 = arith.index_cast %swap3A_295 : i32 to index
      %swap3A_297 = arith.constant 0 : index
      %swap3A_298 = tpu.vector_load %arg15[%swap3A_296, %swap3A_297] {strides = array<i32>} : memref<1x64xi32, #tpu.memory_space<vmem>>, vector<1x16xi32>,
      %swap3A_299 = vector.shape_cast %swap3A_298 : vector<1x16xi32> to vector<16xi32>
      %swap3A_300 = vector.shape_cast %and3A_294 : vector<16xi32> to vector<1x16xi32>
      tpu.vector_store %arg15[%swap3A_296, %swap3A_297], %swap3A_300 {strides = array<i32>} : memref<1x64xi32, #tpu.memory_space<vmem>>, vector<1x16xi32>,
      %get3A_301 = arith.index_cast %add3A_277 : i32 to index
      %get3A_302 = arith.constant 16 : index
      %get3A_303 = tpu.vector_load %arg7[%get3A_301, %get3A_302] {strides = array<i32>} : memref<162x64xi32, #tpu.memory_space<vmem>>, vector<1x16xi32>,
      %get3A_304 = vector.shape_cast %get3A_303 : vector<1x16xi32> to vector<16xi32>
      %shift_right_arithmetic3A_305 = arith.constant 14 : i32
      %shift_right_arithmetic3A_306 = vector.broadcast %shift_right_arithmetic3A_305 : i32 to vector<16xi32>
      %shift_right_arithmetic3A_307 = arith.shrsi %get3A_304, %shift_right_arithmetic3A_306 : vector<16xi32>
      %and3A_308 = arith.constant 16383 : i32
      %and3A_309 = vector.broadcast %and3A_308 : i32 to vector<16xi32>
      %and3A_310 = arith.andi %shift_right_arithmetic3A_307, %and3A_309 : vector<16xi32>
      %swap3A_311 = arith.constant 0 : i32
      %swap3A_312 = arith.index_cast %swap3A_311 : i32 to index
      %swap3A_313 = arith.constant 16 : index
      %swap3A_314 = tpu.vector_load %arg15[%swap3A_312, %swap3A_313] {strides = array<i32>} : memref<1x64xi32, #tpu.memory_space<vmem>>, vector<1x16xi32>,
      %swap3A_315 = vector.shape_cast %swap3A_314 : vector<1x16xi32> to vector<16xi32>
      %swap3A_316 = vector.shape_cast %and3A_310 : vector<16xi32> to vector<1x16xi32>
      tpu.vector_store %arg15[%swap3A_312, %swap3A_313], %swap3A_316 {strides = array<i32>} : memref<1x64xi32, #tpu.memory_space<vmem>>, vector<1x16xi32>,
      %get3A_317 = arith.index_cast %add3A_277 : i32 to index
      %get3A_318 = arith.constant 32 : index
      %get3A_319 = tpu.vector_load %arg7[%get3A_317, %get3A_318] {strides = array<i32>} : memref<162x64xi32, #tpu.memory_space<vmem>>, vector<1x16xi32>,
      %get3A_320 = vector.shape_cast %get3A_319 : vector<1x16xi32> to vector<16xi32>
      %shift_right_arithmetic3A_321 = arith.constant 14 : i32
      %shift_right_arithmetic3A_322 = vector.broadcast %shift_right_arithmetic3A_321 : i32 to vector<16xi32>
      %shift_right_arithmetic3A_323 = arith.shrsi %get3A_320, %shift_right_arithmetic3A_322 : vector<16xi32>
      %and3A_324 = arith.constant 16383 : i32
      %and3A_325 = vector.broadcast %and3A_324 : i32 to vector<16xi32>
      %and3A_326 = arith.andi %shift_right_arithmetic3A_323, %and3A_325 : vector<16xi32>
      %swap3A_327 = arith.constant 0 : i32
      %swap3A_328 = arith.index_cast %swap3A_327 : i32 to index
      %swap3A_329 = arith.constant 32 : index
      %swap3A_330 = tpu.vector_load %arg15[%swap3A_328, %swap3A_329] {strides = array<i32>} : memref<1x64xi32, #tpu.memory_space<vmem>>, vector<1x16xi32>,
      %swap3A_331 = vector.shape_cast %swap3A_330 : vector<1x16xi32> to vector<16xi32>
      %swap3A_332 = vector.shape_cast %and3A_326 : vector<16xi32> to vector<1x16xi32>
      tpu.vector_store %arg15[%swap3A_328, %swap3A_329], %swap3A_332 {strides = array<i32>} : memref<1x64xi32, #tpu.memory_space<vmem>>, vector<1x16xi32>,
      %get3A_333 = arith.index_cast %add3A_277 : i32 to index
      %get3A_334 = arith.constant 48 : index
      %get3A_335 = tpu.vector_load %arg7[%get3A_333, %get3A_334] {strides = array<i32>} : memref<162x64xi32, #tpu.memory_space<vmem>>, vector<1x16xi32>,
      %get3A_336 = vector.shape_cast %get3A_335 : vector<1x16xi32> to vector<16xi32>
      %shift_right_arithmetic3A_337 = arith.constant 14 : i32
      %shift_right_arithmetic3A_338 = vector.broadcast %shift_right_arithmetic3A_337 : i32 to vector<16xi32>
      %shift_right_arithmetic3A_339 = arith.shrsi %get3A_336, %shift_right_arithmetic3A_338 : vector<16xi32>
      %and3A_340 = arith.constant 16383 : i32
      %and3A_341 = vector.broadcast %and3A_340 : i32 to vector<16xi32>
      %and3A_342 = arith.andi %shift_right_arithmetic3A_339, %and3A_341 : vector<16xi32>
      %swap3A_343 = arith.constant 0 : i32
      %swap3A_344 = arith.index_cast %swap3A_343 : i32 to index
      %swap3A_345 = arith.constant 48 : index
      %swap3A_346 = tpu.vector_load %arg15[%swap3A_344, %swap3A_345] {strides = array<i32>} : memref<1x64xi32, #tpu.memory_space<vmem>>, vector<1x16xi32>,
      %swap3A_347 = vector.shape_cast %swap3A_346 : vector<1x16xi32> to vector<16xi32>
      %swap3A_348 = vector.shape_cast %and3A_342 : vector<16xi32> to vector<1x16xi32>
      tpu.vector_store %arg15[%swap3A_344, %swap3A_345], %swap3A_348 {strides = array<i32>} : memref<1x64xi32, #tpu.memory_space<vmem>>, vector<1x16xi32>,
      %dma_start3A_349 = arith.constant 0 : i32
      %dma_start3A_350 = arith.constant 0 : i32
      %dma_start3A_351 = tpu.memref_slice %arg15[%dma_start3A_349, %dma_start3A_350] : memref<1x64xi32, #tpu.memory_space<vmem>> -> memref<1x64xi32, #tpu.memory_space<vmem>>
      %dma_start3A_352 = tpu.memref_squeeze %dma_start3A_351 : memref<1x64xi32, #tpu.memory_space<vmem>> -> memref<64xi32, #tpu.memory_space<vmem>>
      %dma_start3A_353 = arith.constant 0 : i32
      %dma_start3A_354 = arith.constant 0 : i32
      %dma_start3A_355 = tpu.memref_slice %arg6[%dma_start3A_353, %dma_start3A_354] : memref<10128x128xf32, #tpu.memory_space<vmem_shared>> -> memref<10128x128xf32, #tpu.memory_space<vmem_shared>>
      tpu.enqueue_indirect_dma source(%arg9 : memref<64x128xf32, #tpu.memory_space<vmem>>) target(%dma_start3A_355 : memref<10128x128xf32, #tpu.memory_space<vmem_shared>>) offsets(%dma_start3A_352 : memref<64xi32, #tpu.memory_space<vmem>>) semaphore(%arg21 : memref<!tpu.dma_semaphore, #tpu.memory_space<semaphore_mem>>) {add = true}
      %ge3A_356 = arith.constant 1 : i32
      %ge3A_357 = arith.cmpi sge, %add3A_277, %ge3A_356 : i32
      %convert_element_type3A_358 = arith.extui %ge3A_357 : i1 to i32
      %cond3A_359 = arith.constant 0 : i32
      %cond3A_360 = arith.cmpi ne, %convert_element_type3A_358, %cond3A_359 : i32
      scf.if %cond3A_360 {
        %dma_wait3A_466 = arith.constant 0 : i32
        %dma_wait3A_467 = arith.constant 0 : i32
        %dma_wait3A_468 = tpu.memref_slice %arg14[%dma_wait3A_466, %dma_wait3A_467] : memref<1x64xi32, #tpu.memory_space<vmem>> -> memref<1x64xi32, #tpu.memory_space<vmem>>
        %dma_wait3A_469 = tpu.memref_squeeze %dma_wait3A_468 : memref<1x64xi32, #tpu.memory_space<vmem>> -> memref<64xi32, #tpu.memory_space<vmem>>
        %dma_wait3A_470 = arith.constant 0 : i32
        %dma_wait3A_471 = arith.constant 0 : i32
        %dma_wait3A_472 = tpu.memref_slice %arg6[%dma_wait3A_470, %dma_wait3A_471] : memref<10128x128xf32, #tpu.memory_space<vmem_shared>> -> memref<10128x128xf32, #tpu.memory_space<vmem_shared>>
        tpu.wait_indirect_dma semaphore(%arg20 : memref<!tpu.dma_semaphore, #tpu.memory_space<semaphore_mem>>) src(%arg8 : memref<64x128xf32, #tpu.memory_space<vmem>>) dst(%dma_wait3A_472 : memref<10128x128xf32, #tpu.memory_space<vmem_shared>>)
      } else {
      }
      %add3A_361 = arith.constant 3 : i32
      %add3A_362 = arith.addi %add3A_277, %add3A_361 : i32
      %sub3A_363 = arith.constant 1 : i32
      %sub3A_364 = arith.subi %add3A_362, %sub3A_363 : i32
      %lt3A_365 = arith.constant 162 : i32
      %lt3A_366 = arith.cmpi slt, %sub3A_364, %lt3A_365 : i32
      %convert_element_type3A_367 = arith.extui %lt3A_366 : i1 to i32
      %cond3A_368 = arith.constant 0 : i32
      %cond3A_369 = arith.cmpi ne, %convert_element_type3A_367, %cond3A_368 : i32
      scf.if %cond3A_369 {
        %add3A_466 = arith.constant 3 : i32
        %add3A_467 = arith.addi %add3A_277, %add3A_466 : i32
        %sub3A_468 = arith.constant 1 : i32
        %sub3A_469 = arith.subi %add3A_467, %sub3A_468 : i32
        %get3A_470 = arith.index_cast %sub3A_469 : i32 to index
        %get3A_471 = arith.constant 0 : index
        %get3A_472 = tpu.vector_load %arg7[%get3A_470, %get3A_471] {strides = array<i32>} : memref<162x64xi32, #tpu.memory_space<vmem>>, vector<1x16xi32>,
        %get3A_473 = vector.shape_cast %get3A_472 : vector<1x16xi32> to vector<16xi32>
        %shift_right_arithmetic3A_474 = arith.constant 0 : i32
        %shift_right_arithmetic3A_475 = vector.broadcast %shift_right_arithmetic3A_474 : i32 to vector<16xi32>
        %shift_right_arithmetic3A_476 = arith.shrsi %get3A_473, %shift_right_arithmetic3A_475 : vector<16xi32>
        %and3A_477 = arith.constant 16383 : i32
        %and3A_478 = vector.broadcast %and3A_477 : i32 to vector<16xi32>
        %and3A_479 = arith.andi %shift_right_arithmetic3A_476, %and3A_478 : vector<16xi32>
        %swap3A_480 = arith.constant 0 : i32
        %swap3A_481 = arith.index_cast %swap3A_480 : i32 to index
        %swap3A_482 = arith.constant 0 : index
        %swap3A_483 = tpu.vector_load %arg11[%swap3A_481, %swap3A_482] {strides = array<i32>} : memref<1x64xi32, #tpu.memory_space<vmem>>, vector<1x16xi32>,
        %swap3A_484 = vector.shape_cast %swap3A_483 : vector<1x16xi32> to vector<16xi32>
        %swap3A_485 = vector.shape_cast %and3A_479 : vector<16xi32> to vector<1x16xi32>
        tpu.vector_store %arg11[%swap3A_481, %swap3A_482], %swap3A_485 {strides = array<i32>} : memref<1x64xi32, #tpu.memory_space<vmem>>, vector<1x16xi32>,
        %get3A_486 = arith.index_cast %sub3A_469 : i32 to index
        %get3A_487 = arith.constant 16 : index
        %get3A_488 = tpu.vector_load %arg7[%get3A_486, %get3A_487] {strides = array<i32>} : memref<162x64xi32, #tpu.memory_space<vmem>>, vector<1x16xi32>,
        %get3A_489 = vector.shape_cast %get3A_488 : vector<1x16xi32> to vector<16xi32>
        %shift_right_arithmetic3A_490 = arith.constant 0 : i32
        %shift_right_arithmetic3A_491 = vector.broadcast %shift_right_arithmetic3A_490 : i32 to vector<16xi32>
        %shift_right_arithmetic3A_492 = arith.shrsi %get3A_489, %shift_right_arithmetic3A_491 : vector<16xi32>
        %and3A_493 = arith.constant 16383 : i32
        %and3A_494 = vector.broadcast %and3A_493 : i32 to vector<16xi32>
        %and3A_495 = arith.andi %shift_right_arithmetic3A_492, %and3A_494 : vector<16xi32>
        %swap3A_496 = arith.constant 0 : i32
        %swap3A_497 = arith.index_cast %swap3A_496 : i32 to index
        %swap3A_498 = arith.constant 16 : index
        %swap3A_499 = tpu.vector_load %arg11[%swap3A_497, %swap3A_498] {strides = array<i32>} : memref<1x64xi32, #tpu.memory_space<vmem>>, vector<1x16xi32>,
        %swap3A_500 = vector.shape_cast %swap3A_499 : vector<1x16xi32> to vector<16xi32>
        %swap3A_501 = vector.shape_cast %and3A_495 : vector<16xi32> to vector<1x16xi32>
        tpu.vector_store %arg11[%swap3A_497, %swap3A_498], %swap3A_501 {strides = array<i32>} : memref<1x64xi32, #tpu.memory_space<vmem>>, vector<1x16xi32>,
        %get3A_502 = arith.index_cast %sub3A_469 : i32 to index
        %get3A_503 = arith.constant 32 : index
        %get3A_504 = tpu.vector_load %arg7[%get3A_502, %get3A_503] {strides = array<i32>} : memref<162x64xi32, #tpu.memory_space<vmem>>, vector<1x16xi32>,
        %get3A_505 = vector.shape_cast %get3A_504 : vector<1x16xi32> to vector<16xi32>
        %shift_right_arithmetic3A_506 = arith.constant 0 : i32
        %shift_right_arithmetic3A_507 = vector.broadcast %shift_right_arithmetic3A_506 : i32 to vector<16xi32>
        %shift_right_arithmetic3A_508 = arith.shrsi %get3A_505, %shift_right_arithmetic3A_507 : vector<16xi32>
        %and3A_509 = arith.constant 16383 : i32
        %and3A_510 = vector.broadcast %and3A_509 : i32 to vector<16xi32>
        %and3A_511 = arith.andi %shift_right_arithmetic3A_508, %and3A_510 : vector<16xi32>
        %swap3A_512 = arith.constant 0 : i32
        %swap3A_513 = arith.index_cast %swap3A_512 : i32 to index
        %swap3A_514 = arith.constant 32 : index
        %swap3A_515 = tpu.vector_load %arg11[%swap3A_513, %swap3A_514] {strides = array<i32>} : memref<1x64xi32, #tpu.memory_space<vmem>>, vector<1x16xi32>,
        %swap3A_516 = vector.shape_cast %swap3A_515 : vector<1x16xi32> to vector<16xi32>
        %swap3A_517 = vector.shape_cast %and3A_511 : vector<16xi32> to vector<1x16xi32>
        tpu.vector_store %arg11[%swap3A_513, %swap3A_514], %swap3A_517 {strides = array<i32>} : memref<1x64xi32, #tpu.memory_space<vmem>>, vector<1x16xi32>,
        %get3A_518 = arith.index_cast %sub3A_469 : i32 to index
        %get3A_519 = arith.constant 48 : index
        %get3A_520 = tpu.vector_load %arg7[%get3A_518, %get3A_519] {strides = array<i32>} : memref<162x64xi32, #tpu.memory_space<vmem>>, vector<1x16xi32>,
        %get3A_521 = vector.shape_cast %get3A_520 : vector<1x16xi32> to vector<16xi32>
        %shift_right_arithmetic3A_522 = arith.constant 0 : i32
        %shift_right_arithmetic3A_523 = vector.broadcast %shift_right_arithmetic3A_522 : i32 to vector<16xi32>
        %shift_right_arithmetic3A_524 = arith.shrsi %get3A_521, %shift_right_arithmetic3A_523 : vector<16xi32>
        %and3A_525 = arith.constant 16383 : i32
        %and3A_526 = vector.broadcast %and3A_525 : i32 to vector<16xi32>
        %and3A_527 = arith.andi %shift_right_arithmetic3A_524, %and3A_526 : vector<16xi32>
        %swap3A_528 = arith.constant 0 : i32
        %swap3A_529 = arith.index_cast %swap3A_528 : i32 to index
        %swap3A_530 = arith.constant 48 : index
        %swap3A_531 = tpu.vector_load %arg11[%swap3A_529, %swap3A_530] {strides = array<i32>} : memref<1x64xi32, #tpu.memory_space<vmem>>, vector<1x16xi32>,
        %swap3A_532 = vector.shape_cast %swap3A_531 : vector<1x16xi32> to vector<16xi32>
        %swap3A_533 = vector.shape_cast %and3A_527 : vector<16xi32> to vector<1x16xi32>
        tpu.vector_store %arg11[%swap3A_529, %swap3A_530], %swap3A_533 {strides = array<i32>} : memref<1x64xi32, #tpu.memory_space<vmem>>, vector<1x16xi32>,
        %dma_start3A_534 = arith.constant 0 : i32
        %dma_start3A_535 = arith.constant 0 : i32
        %dma_start3A_536 = tpu.memref_slice %arg11[%dma_start3A_534, %dma_start3A_535] : memref<1x64xi32, #tpu.memory_space<vmem>> -> memref<1x64xi32, #tpu.memory_space<vmem>>
        %dma_start3A_537 = tpu.memref_squeeze %dma_start3A_536 : memref<1x64xi32, #tpu.memory_space<vmem>> -> memref<64xi32, #tpu.memory_space<vmem>>
        %dma_start3A_538 = arith.constant 0 : i32
        %dma_start3A_539 = arith.constant 0 : i32
        %dma_start3A_540 = tpu.memref_slice %arg2[%dma_start3A_538, %dma_start3A_539] : memref<10000x128xf32, #tpu.memory_space<hbm>> -> memref<10000x128xf32, #tpu.memory_space<hbm>>
        tpu.enqueue_indirect_dma source(%dma_start3A_540 : memref<10000x128xf32, #tpu.memory_space<hbm>>) target(%arg8 : memref<64x128xf32, #tpu.memory_space<vmem>>) offsets(%dma_start3A_537 : memref<64xi32, #tpu.memory_space<vmem>>) semaphore(%arg17 : memref<!tpu.dma_semaphore, #tpu.memory_space<semaphore_mem>>)
      } else {
      }
      %mul3A_370 = arith.constant 3 : i32
      %mul3A_371 = arith.muli %scan3A_179, %mul3A_370 : i32
      %add3A_372 = arith.constant 2 : i32
      %add3A_373 = arith.addi %mul3A_371, %add3A_372 : i32
      %dma_wait3A_374 = arith.constant 0 : i32
      %dma_wait3A_375 = arith.constant 0 : i32
      %dma_wait3A_376 = tpu.memref_slice %arg13[%dma_wait3A_374, %dma_wait3A_375] : memref<1x64xi32, #tpu.memory_space<vmem>> -> memref<1x64xi32, #tpu.memory_space<vmem>>
      %dma_wait3A_377 = tpu.memref_squeeze %dma_wait3A_376 : memref<1x64xi32, #tpu.memory_space<vmem>> -> memref<64xi32, #tpu.memory_space<vmem>>
      %dma_wait3A_378 = arith.constant 0 : i32
      %dma_wait3A_379 = arith.constant 0 : i32
      %dma_wait3A_380 = tpu.memref_slice %arg2[%dma_wait3A_378, %dma_wait3A_379] : memref<10000x128xf32, #tpu.memory_space<hbm>> -> memref<10000x128xf32, #tpu.memory_space<hbm>>
      tpu.wait_indirect_dma semaphore(%arg19 : memref<!tpu.dma_semaphore, #tpu.memory_space<semaphore_mem>>) src(%dma_wait3A_380 : memref<10000x128xf32, #tpu.memory_space<hbm>>) dst(%arg10 : memref<64x128xf32, #tpu.memory_space<vmem>>)
      %get3A_381 = arith.index_cast %add3A_373 : i32 to index
      %get3A_382 = arith.constant 0 : index
      %get3A_383 = tpu.vector_load %arg7[%get3A_381, %get3A_382] {strides = array<i32>} : memref<162x64xi32, #tpu.memory_space<vmem>>, vector<1x16xi32>,
      %get3A_384 = vector.shape_cast %get3A_383 : vector<1x16xi32> to vector<16xi32>
      %shift_right_arithmetic3A_385 = arith.constant 14 : i32
      %shift_right_arithmetic3A_386 = vector.broadcast %shift_right_arithmetic3A_385 : i32 to vector<16xi32>
      %shift_right_arithmetic3A_387 = arith.shrsi %get3A_384, %shift_right_arithmetic3A_386 : vector<16xi32>
      %and3A_388 = arith.constant 16383 : i32
      %and3A_389 = vector.broadcast %and3A_388 : i32 to vector<16xi32>
      %and3A_390 = arith.andi %shift_right_arithmetic3A_387, %and3A_389 : vector<16xi32>
      %swap3A_391 = arith.constant 0 : i32
      %swap3A_392 = arith.index_cast %swap3A_391 : i32 to index
      %swap3A_393 = arith.constant 0 : index
      %swap3A_394 = tpu.vector_load %arg16[%swap3A_392, %swap3A_393] {strides = array<i32>} : memref<1x64xi32, #tpu.memory_space<vmem>>, vector<1x16xi32>,
      %swap3A_395 = vector.shape_cast %swap3A_394 : vector<1x16xi32> to vector<16xi32>
      %swap3A_396 = vector.shape_cast %and3A_390 : vector<16xi32> to vector<1x16xi32>
      tpu.vector_store %arg16[%swap3A_392, %swap3A_393], %swap3A_396 {strides = array<i32>} : memref<1x64xi32, #tpu.memory_space<vmem>>, vector<1x16xi32>,
      %get3A_397 = arith.index_cast %add3A_373 : i32 to index
      %get3A_398 = arith.constant 16 : index
      %get3A_399 = tpu.vector_load %arg7[%get3A_397, %get3A_398] {strides = array<i32>} : memref<162x64xi32, #tpu.memory_space<vmem>>, vector<1x16xi32>,
      %get3A_400 = vector.shape_cast %get3A_399 : vector<1x16xi32> to vector<16xi32>
      %shift_right_arithmetic3A_401 = arith.constant 14 : i32
      %shift_right_arithmetic3A_402 = vector.broadcast %shift_right_arithmetic3A_401 : i32 to vector<16xi32>
      %shift_right_arithmetic3A_403 = arith.shrsi %get3A_400, %shift_right_arithmetic3A_402 : vector<16xi32>
      %and3A_404 = arith.constant 16383 : i32
      %and3A_405 = vector.broadcast %and3A_404 : i32 to vector<16xi32>
      %and3A_406 = arith.andi %shift_right_arithmetic3A_403, %and3A_405 : vector<16xi32>
      %swap3A_407 = arith.constant 0 : i32
      %swap3A_408 = arith.index_cast %swap3A_407 : i32 to index
      %swap3A_409 = arith.constant 16 : index
      %swap3A_410 = tpu.vector_load %arg16[%swap3A_408, %swap3A_409] {strides = array<i32>} : memref<1x64xi32, #tpu.memory_space<vmem>>, vector<1x16xi32>,
      %swap3A_411 = vector.shape_cast %swap3A_410 : vector<1x16xi32> to vector<16xi32>
      %swap3A_412 = vector.shape_cast %and3A_406 : vector<16xi32> to vector<1x16xi32>
      tpu.vector_store %arg16[%swap3A_408, %swap3A_409], %swap3A_412 {strides = array<i32>} : memref<1x64xi32, #tpu.memory_space<vmem>>, vector<1x16xi32>,
      %get3A_413 = arith.index_cast %add3A_373 : i32 to index
      %get3A_414 = arith.constant 32 : index
      %get3A_415 = tpu.vector_load %arg7[%get3A_413, %get3A_414] {strides = array<i32>} : memref<162x64xi32, #tpu.memory_space<vmem>>, vector<1x16xi32>,
      %get3A_416 = vector.shape_cast %get3A_415 : vector<1x16xi32> to vector<16xi32>
      %shift_right_arithmetic3A_417 = arith.constant 14 : i32
      %shift_right_arithmetic3A_418 = vector.broadcast %shift_right_arithmetic3A_417 : i32 to vector<16xi32>
      %shift_right_arithmetic3A_419 = arith.shrsi %get3A_416, %shift_right_arithmetic3A_418 : vector<16xi32>
      %and3A_420 = arith.constant 16383 : i32
      %and3A_421 = vector.broadcast %and3A_420 : i32 to vector<16xi32>
      %and3A_422 = arith.andi %shift_right_arithmetic3A_419, %and3A_421 : vector<16xi32>
      %swap3A_423 = arith.constant 0 : i32
      %swap3A_424 = arith.index_cast %swap3A_423 : i32 to index
      %swap3A_425 = arith.constant 32 : index
      %swap3A_426 = tpu.vector_load %arg16[%swap3A_424, %swap3A_425] {strides = array<i32>} : memref<1x64xi32, #tpu.memory_space<vmem>>, vector<1x16xi32>,
      %swap3A_427 = vector.shape_cast %swap3A_426 : vector<1x16xi32> to vector<16xi32>
      %swap3A_428 = vector.shape_cast %and3A_422 : vector<16xi32> to vector<1x16xi32>
      tpu.vector_store %arg16[%swap3A_424, %swap3A_425], %swap3A_428 {strides = array<i32>} : memref<1x64xi32, #tpu.memory_space<vmem>>, vector<1x16xi32>,
      %get3A_429 = arith.index_cast %add3A_373 : i32 to index
      %get3A_430 = arith.constant 48 : index
      %get3A_431 = tpu.vector_load %arg7[%get3A_429, %get3A_430] {strides = array<i32>} : memref<162x64xi32, #tpu.memory_space<vmem>>, vector<1x16xi32>,
      %get3A_432 = vector.shape_cast %get3A_431 : vector<1x16xi32> to vector<16xi32>
      %shift_right_arithmetic3A_433 = arith.constant 14 : i32
      %shift_right_arithmetic3A_434 = vector.broadcast %shift_right_arithmetic3A_433 : i32 to vector<16xi32>
      %shift_right_arithmetic3A_435 = arith.shrsi %get3A_432, %shift_right_arithmetic3A_434 : vector<16xi32>
      %and3A_436 = arith.constant 16383 : i32
      %and3A_437 = vector.broadcast %and3A_436 : i32 to vector<16xi32>
      %and3A_438 = arith.andi %shift_right_arithmetic3A_435, %and3A_437 : vector<16xi32>
      %swap3A_439 = arith.constant 0 : i32
      %swap3A_440 = arith.index_cast %swap3A_439 : i32 to index
      %swap3A_441 = arith.constant 48 : index
      %swap3A_442 = tpu.vector_load %arg16[%swap3A_440, %swap3A_441] {strides = array<i32>} : memref<1x64xi32, #tpu.memory_space<vmem>>, vector<1x16xi32>,
      %swap3A_443 = vector.shape_cast %swap3A_442 : vector<1x16xi32> to vector<16xi32>
      %swap3A_444 = vector.shape_cast %and3A_438 : vector<16xi32> to vector<1x16xi32>
      tpu.vector_store %arg16[%swap3A_440, %swap3A_441], %swap3A_444 {strides = array<i32>} : memref<1x64xi32, #tpu.memory_space<vmem>>, vector<1x16xi32>,
      %dma_start3A_445 = arith.constant 0 : i32
      %dma_start3A_446 = arith.constant 0 : i32
      %dma_start3A_447 = tpu.memref_slice %arg16[%dma_start3A_445, %dma_start3A_446] : memref<1x64xi32, #tpu.memory_space<vmem>> -> memref<1x64xi32, #tpu.memory_space<vmem>>
      %dma_start3A_448 = tpu.memref_squeeze %dma_start3A_447 : memref<1x64xi32, #tpu.memory_space<vmem>> -> memref<64xi32, #tpu.memory_space<vmem>>
      %dma_start3A_449 = arith.constant 0 : i32
      %dma_start3A_450 = arith.constant 0 : i32
      %dma_start3A_451 = tpu.memref_slice %arg6[%dma_start3A_449, %dma_start3A_450] : memref<10128x128xf32, #tpu.memory_space<vmem_shared>> -> memref<10128x128xf32, #tpu.memory_space<vmem_shared>>
      tpu.enqueue_indirect_dma source(%arg10 : memref<64x128xf32, #tpu.memory_space<vmem>>) target(%dma_start3A_451 : memref<10128x128xf32, #tpu.memory_space<vmem_shared>>) offsets(%dma_start3A_448 : memref<64xi32, #tpu.memory_space<vmem>>) semaphore(%arg22 : memref<!tpu.dma_semaphore, #tpu.memory_space<semaphore_mem>>) {add = true}
      %ge3A_452 = arith.constant 1 : i32
      %ge3A_453 = arith.cmpi sge, %add3A_373, %ge3A_452 : i32
      %convert_element_type3A_454 = arith.extui %ge3A_453 : i1 to i32
      %cond3A_455 = arith.constant 0 : i32
      %cond3A_456 = arith.cmpi ne, %convert_element_type3A_454, %cond3A_455 : i32
      scf.if %cond3A_456 {
        %dma_wait3A_466 = arith.constant 0 : i32
        %dma_wait3A_467 = arith.constant 0 : i32
        %dma_wait3A_468 = tpu.memref_slice %arg15[%dma_wait3A_466, %dma_wait3A_467] : memref<1x64xi32, #tpu.memory_space<vmem>> -> memref<1x64xi32, #tpu.memory_space<vmem>>
        %dma_wait3A_469 = tpu.memref_squeeze %dma_wait3A_468 : memref<1x64xi32, #tpu.memory_space<vmem>> -> memref<64xi32, #tpu.memory_space<vmem>>
        %dma_wait3A_470 = arith.constant 0 : i32
        %dma_wait3A_471 = arith.constant 0 : i32
        %dma_wait3A_472 = tpu.memref_slice %arg6[%dma_wait3A_470, %dma_wait3A_471] : memref<10128x128xf32, #tpu.memory_space<vmem_shared>> -> memref<10128x128xf32, #tpu.memory_space<vmem_shared>>
        tpu.wait_indirect_dma semaphore(%arg21 : memref<!tpu.dma_semaphore, #tpu.memory_space<semaphore_mem>>) src(%arg9 : memref<64x128xf32, #tpu.memory_space<vmem>>) dst(%dma_wait3A_472 : memref<10128x128xf32, #tpu.memory_space<vmem_shared>>)
      } else {
      }
      %add3A_457 = arith.constant 3 : i32
      %add3A_458 = arith.addi %add3A_373, %add3A_457 : i32
      %sub3A_459 = arith.constant 1 : i32
      %sub3A_460 = arith.subi %add3A_458, %sub3A_459 : i32
      %lt3A_461 = arith.constant 162 : i32
      %lt3A_462 = arith.cmpi slt, %sub3A_460, %lt3A_461 : i32
      %convert_element_type3A_463 = arith.extui %lt3A_462 : i1 to i32
      %cond3A_464 = arith.constant 0 : i32
      %cond3A_465 = arith.cmpi ne, %convert_element_type3A_463, %cond3A_464 : i32
      scf.if %cond3A_465 {
        %add3A_466 = arith.constant 3 : i32
        %add3A_467 = arith.addi %add3A_373, %add3A_466 : i32
        %sub3A_468 = arith.constant 1 : i32
        %sub3A_469 = arith.subi %add3A_467, %sub3A_468 : i32
        %get3A_470 = arith.index_cast %sub3A_469 : i32 to index
        %get3A_471 = arith.constant 0 : index
        %get3A_472 = tpu.vector_load %arg7[%get3A_470, %get3A_471] {strides = array<i32>} : memref<162x64xi32, #tpu.memory_space<vmem>>, vector<1x16xi32>,
        %get3A_473 = vector.shape_cast %get3A_472 : vector<1x16xi32> to vector<16xi32>
        %shift_right_arithmetic3A_474 = arith.constant 0 : i32
        %shift_right_arithmetic3A_475 = vector.broadcast %shift_right_arithmetic3A_474 : i32 to vector<16xi32>
        %shift_right_arithmetic3A_476 = arith.shrsi %get3A_473, %shift_right_arithmetic3A_475 : vector<16xi32>
        %and3A_477 = arith.constant 16383 : i32
        %and3A_478 = vector.broadcast %and3A_477 : i32 to vector<16xi32>
        %and3A_479 = arith.andi %shift_right_arithmetic3A_476, %and3A_478 : vector<16xi32>
        %swap3A_480 = arith.constant 0 : i32
        %swap3A_481 = arith.index_cast %swap3A_480 : i32 to index
        %swap3A_482 = arith.constant 0 : index
        %swap3A_483 = tpu.vector_load %arg12[%swap3A_481, %swap3A_482] {strides = array<i32>} : memref<1x64xi32, #tpu.memory_space<vmem>>, vector<1x16xi32>,
        %swap3A_484 = vector.shape_cast %swap3A_483 : vector<1x16xi32> to vector<16xi32>
        %swap3A_485 = vector.shape_cast %and3A_479 : vector<16xi32> to vector<1x16xi32>
        tpu.vector_store %arg12[%swap3A_481, %swap3A_482], %swap3A_485 {strides = array<i32>} : memref<1x64xi32, #tpu.memory_space<vmem>>, vector<1x16xi32>,
        %get3A_486 = arith.index_cast %sub3A_469 : i32 to index
        %get3A_487 = arith.constant 16 : index
        %get3A_488 = tpu.vector_load %arg7[%get3A_486, %get3A_487] {strides = array<i32>} : memref<162x64xi32, #tpu.memory_space<vmem>>, vector<1x16xi32>,
        %get3A_489 = vector.shape_cast %get3A_488 : vector<1x16xi32> to vector<16xi32>
        %shift_right_arithmetic3A_490 = arith.constant 0 : i32
        %shift_right_arithmetic3A_491 = vector.broadcast %shift_right_arithmetic3A_490 : i32 to vector<16xi32>
        %shift_right_arithmetic3A_492 = arith.shrsi %get3A_489, %shift_right_arithmetic3A_491 : vector<16xi32>
        %and3A_493 = arith.constant 16383 : i32
        %and3A_494 = vector.broadcast %and3A_493 : i32 to vector<16xi32>
        %and3A_495 = arith.andi %shift_right_arithmetic3A_492, %and3A_494 : vector<16xi32>
        %swap3A_496 = arith.constant 0 : i32
        %swap3A_497 = arith.index_cast %swap3A_496 : i32 to index
        %swap3A_498 = arith.constant 16 : index
        %swap3A_499 = tpu.vector_load %arg12[%swap3A_497, %swap3A_498] {strides = array<i32>} : memref<1x64xi32, #tpu.memory_space<vmem>>, vector<1x16xi32>,
        %swap3A_500 = vector.shape_cast %swap3A_499 : vector<1x16xi32> to vector<16xi32>
        %swap3A_501 = vector.shape_cast %and3A_495 : vector<16xi32> to vector<1x16xi32>
        tpu.vector_store %arg12[%swap3A_497, %swap3A_498], %swap3A_501 {strides = array<i32>} : memref<1x64xi32, #tpu.memory_space<vmem>>, vector<1x16xi32>,
        %get3A_502 = arith.index_cast %sub3A_469 : i32 to index
        %get3A_503 = arith.constant 32 : index
        %get3A_504 = tpu.vector_load %arg7[%get3A_502, %get3A_503] {strides = array<i32>} : memref<162x64xi32, #tpu.memory_space<vmem>>, vector<1x16xi32>,
        %get3A_505 = vector.shape_cast %get3A_504 : vector<1x16xi32> to vector<16xi32>
        %shift_right_arithmetic3A_506 = arith.constant 0 : i32
        %shift_right_arithmetic3A_507 = vector.broadcast %shift_right_arithmetic3A_506 : i32 to vector<16xi32>
        %shift_right_arithmetic3A_508 = arith.shrsi %get3A_505, %shift_right_arithmetic3A_507 : vector<16xi32>
        %and3A_509 = arith.constant 16383 : i32
        %and3A_510 = vector.broadcast %and3A_509 : i32 to vector<16xi32>
        %and3A_511 = arith.andi %shift_right_arithmetic3A_508, %and3A_510 : vector<16xi32>
        %swap3A_512 = arith.constant 0 : i32
        %swap3A_513 = arith.index_cast %swap3A_512 : i32 to index
        %swap3A_514 = arith.constant 32 : index
        %swap3A_515 = tpu.vector_load %arg12[%swap3A_513, %swap3A_514] {strides = array<i32>} : memref<1x64xi32, #tpu.memory_space<vmem>>, vector<1x16xi32>,
        %swap3A_516 = vector.shape_cast %swap3A_515 : vector<1x16xi32> to vector<16xi32>
        %swap3A_517 = vector.shape_cast %and3A_511 : vector<16xi32> to vector<1x16xi32>
        tpu.vector_store %arg12[%swap3A_513, %swap3A_514], %swap3A_517 {strides = array<i32>} : memref<1x64xi32, #tpu.memory_space<vmem>>, vector<1x16xi32>,
        %get3A_518 = arith.index_cast %sub3A_469 : i32 to index
        %get3A_519 = arith.constant 48 : index
        %get3A_520 = tpu.vector_load %arg7[%get3A_518, %get3A_519] {strides = array<i32>} : memref<162x64xi32, #tpu.memory_space<vmem>>, vector<1x16xi32>,
        %get3A_521 = vector.shape_cast %get3A_520 : vector<1x16xi32> to vector<16xi32>
        %shift_right_arithmetic3A_522 = arith.constant 0 : i32
        %shift_right_arithmetic3A_523 = vector.broadcast %shift_right_arithmetic3A_522 : i32 to vector<16xi32>
        %shift_right_arithmetic3A_524 = arith.shrsi %get3A_521, %shift_right_arithmetic3A_523 : vector<16xi32>
        %and3A_525 = arith.constant 16383 : i32
        %and3A_526 = vector.broadcast %and3A_525 : i32 to vector<16xi32>
        %and3A_527 = arith.andi %shift_right_arithmetic3A_524, %and3A_526 : vector<16xi32>
        %swap3A_528 = arith.constant 0 : i32
        %swap3A_529 = arith.index_cast %swap3A_528 : i32 to index
        %swap3A_530 = arith.constant 48 : index
        %swap3A_531 = tpu.vector_load %arg12[%swap3A_529, %swap3A_530] {strides = array<i32>} : memref<1x64xi32, #tpu.memory_space<vmem>>, vector<1x16xi32>,
        %swap3A_532 = vector.shape_cast %swap3A_531 : vector<1x16xi32> to vector<16xi32>
        %swap3A_533 = vector.shape_cast %and3A_527 : vector<16xi32> to vector<1x16xi32>
        tpu.vector_store %arg12[%swap3A_529, %swap3A_530], %swap3A_533 {strides = array<i32>} : memref<1x64xi32, #tpu.memory_space<vmem>>, vector<1x16xi32>,
        %dma_start3A_534 = arith.constant 0 : i32
        %dma_start3A_535 = arith.constant 0 : i32
        %dma_start3A_536 = tpu.memref_slice %arg12[%dma_start3A_534, %dma_start3A_535] : memref<1x64xi32, #tpu.memory_space<vmem>> -> memref<1x64xi32, #tpu.memory_space<vmem>>
        %dma_start3A_537 = tpu.memref_squeeze %dma_start3A_536 : memref<1x64xi32, #tpu.memory_space<vmem>> -> memref<64xi32, #tpu.memory_space<vmem>>
        %dma_start3A_538 = arith.constant 0 : i32
        %dma_start3A_539 = arith.constant 0 : i32
        %dma_start3A_540 = tpu.memref_slice %arg2[%dma_start3A_538, %dma_start3A_539] : memref<10000x128xf32, #tpu.memory_space<hbm>> -> memref<10000x128xf32, #tpu.memory_space<hbm>>
        tpu.enqueue_indirect_dma source(%dma_start3A_540 : memref<10000x128xf32, #tpu.memory_space<hbm>>) target(%arg9 : memref<64x128xf32, #tpu.memory_space<vmem>>) offsets(%dma_start3A_537 : memref<64xi32, #tpu.memory_space<vmem>>) semaphore(%arg18 : memref<!tpu.dma_semaphore, #tpu.memory_space<semaphore_mem>>)
      } else {
      }
    }
    %scan3A_158 = arith.constant 54 : i32
    %dma_wait3A = arith.constant 0 : i32
    %dma_wait3A_159 = arith.constant 0 : i32
    %dma_wait3A_160 = tpu.memref_slice %arg16[%dma_wait3A, %dma_wait3A_159] : memref<1x64xi32, #tpu.memory_space<vmem>> -> memref<1x64xi32, #tpu.memory_space<vmem>>
    %dma_wait3A_161 = tpu.memref_squeeze %dma_wait3A_160 : memref<1x64xi32, #tpu.memory_space<vmem>> -> memref<64xi32, #tpu.memory_space<vmem>>
    %dma_wait3A_162 = arith.constant 0 : i32
    %dma_wait3A_163 = arith.constant 0 : i32
    %dma_wait3A_164 = tpu.memref_slice %arg6[%dma_wait3A_162, %dma_wait3A_163] : memref<10128x128xf32, #tpu.memory_space<vmem_shared>> -> memref<10128x128xf32, #tpu.memory_space<vmem_shared>>
    tpu.wait_indirect_dma semaphore(%arg22 : memref<!tpu.dma_semaphore, #tpu.memory_space<semaphore_mem>>) src(%arg10 : memref<64x128xf32, #tpu.memory_space<vmem>>) dst(%dma_wait3A_164 : memref<10128x128xf32, #tpu.memory_space<vmem_shared>>)
    %barrier3A_165 = arith.constant 0 : index
    tpu.barrier barrier_id(%barrier3A_165)
    %mul3A_166 = arith.constant 632 : i32
    %mul3A_167 = arith.muli %arg1, %mul3A_166 : i32
    %multiple_of3A_168 = tpu.assume_multiple %mul3A_167, 8 : i32
    %lt3A_169 = arith.constant 15 : i32
    %lt3A_170 = arith.cmpi slt, %arg1, %lt3A_169 : i32
    %convert_element_type3A_171 = arith.extui %lt3A_170 : i1 to i32
    %cond3A_172 = arith.constant 0 : i32
    %cond3A_173 = arith.cmpi ne, %convert_element_type3A_171, %cond3A_172 : i32
    scf.if %cond3A_173 {
      "tpu.region"() ({
        %run_scoped3A = tpu.sem_alloc : memref<!tpu.dma_semaphore, #tpu.memory_space<semaphore_mem>>
        %dma_start3A_179 = arith.constant 0 : i32
        %dma_start3A_180 = tpu.memref_slice %arg5[%arg0, %multiple_of3A_168, %dma_start3A_179] : memref<2x10000x128xf32, #tpu.memory_space<hbm>> -> memref<1x632x128xf32, #tpu.memory_space<hbm>>
        %dma_start3A_181 = tpu.memref_squeeze %dma_start3A_180 : memref<1x632x128xf32, #tpu.memory_space<hbm>> -> memref<632x128xf32, #tpu.memory_space<hbm>>
        %dma_start3A_182 = arith.constant 0 : i32
        %dma_start3A_183 = tpu.memref_slice %arg6[%multiple_of3A_168, %dma_start3A_182] : memref<10128x128xf32, #tpu.memory_space<vmem_shared>> -> memref<632x128xf32, #tpu.memory_space<vmem_shared>>
        tpu.enqueue_dma source(%dma_start3A_183 : memref<632x128xf32, #tpu.memory_space<vmem_shared>>) target(%dma_start3A_181 : memref<632x128xf32, #tpu.memory_space<hbm>>) target_semaphore(%run_scoped3A : memref<!tpu.dma_semaphore, #tpu.memory_space<semaphore_mem>>)
        %dma_wait3A_184 = arith.constant 0 : i32
        %dma_wait3A_185 = tpu.memref_slice %arg5[%arg0, %multiple_of3A_168, %dma_wait3A_184] : memref<2x10000x128xf32, #tpu.memory_space<hbm>> -> memref<1x632x128xf32, #tpu.memory_space<hbm>>
        %dma_wait3A_186 = tpu.memref_squeeze %dma_wait3A_185 : memref<1x632x128xf32, #tpu.memory_space<hbm>> -> memref<632x128xf32, #tpu.memory_space<hbm>>
        %dma_wait3A_187 = arith.constant 0 : i32
        %dma_wait3A_188 = tpu.memref_slice %arg6[%multiple_of3A_168, %dma_wait3A_187] : memref<10128x128xf32, #tpu.memory_space<vmem_shared>> -> memref<632x128xf32, #tpu.memory_space<vmem_shared>>
        tpu.wait_dma2 semaphore(%run_scoped3A : memref<!tpu.dma_semaphore, #tpu.memory_space<semaphore_mem>>) src(%dma_wait3A_188 : memref<632x128xf32, #tpu.memory_space<vmem_shared>>) dst(%dma_wait3A_186 : memref<632x128xf32, #tpu.memory_space<hbm>>)
        tpu.yield
      }) : () -> ()
    } else {
    }
    %eq3A_174 = arith.constant 15 : i32
    %eq3A_175 = arith.cmpi eq, %arg1, %eq3A_174 : i32
    %convert_element_type3A_176 = arith.extui %eq3A_175 : i1 to i32
    %cond3A_177 = arith.constant 0 : i32
    %cond3A_178 = arith.cmpi ne, %convert_element_type3A_176, %cond3A_177 : i32
    scf.if %cond3A_178 {
      "tpu.region"() ({
        %run_scoped3A = tpu.sem_alloc : memref<!tpu.dma_semaphore, #tpu.memory_space<semaphore_mem>>
        %dma_start3A_179 = arith.constant 0 : i32
        %dma_start3A_180 = tpu.memref_slice %arg5[%arg0, %multiple_of3A_168, %dma_start3A_179] : memref<2x10000x128xf32, #tpu.memory_space<hbm>> -> memref<1x520x128xf32, #tpu.memory_space<hbm>>
        %dma_start3A_181 = tpu.memref_squeeze %dma_start3A_180 : memref<1x520x128xf32, #tpu.memory_space<hbm>> -> memref<520x128xf32, #tpu.memory_space<hbm>>
        %dma_start3A_182 = arith.constant 0 : i32
        %dma_start3A_183 = tpu.memref_slice %arg6[%multiple_of3A_168, %dma_start3A_182] : memref<10128x128xf32, #tpu.memory_space<vmem_shared>> -> memref<520x128xf32, #tpu.memory_space<vmem_shared>>
        tpu.enqueue_dma source(%dma_start3A_183 : memref<520x128xf32, #tpu.memory_space<vmem_shared>>) target(%dma_start3A_181 : memref<520x128xf32, #tpu.memory_space<hbm>>) target_semaphore(%run_scoped3A : memref<!tpu.dma_semaphore, #tpu.memory_space<semaphore_mem>>)
        %dma_wait3A_184 = arith.constant 0 : i32
        %dma_wait3A_185 = tpu.memref_slice %arg5[%arg0, %multiple_of3A_168, %dma_wait3A_184] : memref<2x10000x128xf32, #tpu.memory_space<hbm>> -> memref<1x520x128xf32, #tpu.memory_space<hbm>>
        %dma_wait3A_186 = tpu.memref_squeeze %dma_wait3A_185 : memref<1x520x128xf32, #tpu.memory_space<hbm>> -> memref<520x128xf32, #tpu.memory_space<hbm>>
        %dma_wait3A_187 = arith.constant 0 : i32
        %dma_wait3A_188 = tpu.memref_slice %arg6[%multiple_of3A_168, %dma_wait3A_187] : memref<10128x128xf32, #tpu.memory_space<vmem_shared>> -> memref<520x128xf32, #tpu.memory_space<vmem_shared>>
        tpu.wait_dma2 semaphore(%run_scoped3A : memref<!tpu.dma_semaphore, #tpu.memory_space<semaphore_mem>>) src(%dma_wait3A_188 : memref<520x128xf32, #tpu.memory_space<vmem_shared>>) dst(%dma_wait3A_186 : memref<520x128xf32, #tpu.memory_space<hbm>>)
        tpu.yield
      }) : () -> ()
    } else {
    }
    return
  }
}

module attributes {stable_mosaic.version = 14 : i64} {
  func.func @_tc0_body(%arg0: i32, %arg1: memref<1000x128xf32, #tpu.memory_space<vmem>>, %arg2: memref<128x128xf32, #tpu.memory_space<vmem>>, %arg3: memref<1000x128xf32, #tpu.memory_space<vmem>>) attributes {dimension_semantics = [#tpu.dimension_semantics<arbitrary>], iteration_bounds = array<i64: 10>, scalar_prefetch = 0 : i64, scratch_operands = 0 : i64, tpu.core_type = #tpu.core_type<tc>, window_params = [{transform_indices = @transform_0, window_bounds = array<i64: 1000, 128>}, {pipeline_mode = #tpu.pipeline_mode<synchronous>, transform_indices = @transform_1, window_bounds = array<i64: 128, 128>}, {transform_indices = @transform_2, window_bounds = array<i64: 1000, 128>}]} {
    %get3A = arith.constant 0 : index
    %get3A_0 = arith.constant 0 : index
    %get3A_1 = vector.load %arg1[%get3A, %get3A_0] : memref<1000x128xf32, #tpu.memory_space<vmem>>, vector<1000x128xf32>
    %get3A_2 = arith.constant 0 : index
    %get3A_3 = arith.constant 0 : index
    %get3A_4 = vector.load %arg2[%get3A_2, %get3A_3] : memref<128x128xf32, #tpu.memory_space<vmem>>, vector<128x128xf32>
    %dot_general3A = arith.constant dense<0.000000e+00> : vector<1000x128xf32>
    %dot_general3A_5 = tpu.matmul %get3A_1, %get3A_4, %dot_general3A {dimension_numbers = #tpu.dot_dimension_numbers<[1], [0], [0], [1], [0, 0, 1, 1], [], []>, transpose_lhs_hint = false} : vector<1000x128xf32>, vector<128x128xf32>, vector<1000x128xf32> -> vector<1000x128xf32>
    %swap3A = arith.constant 0 : index
    %swap3A_6 = arith.constant 0 : index
    %swap3A_7 = vector.load %arg3[%swap3A, %swap3A_6] : memref<1000x128xf32, #tpu.memory_space<vmem>>, vector<1000x128xf32>
    tpu.vector_store %arg3[%swap3A, %swap3A_6], %dot_general3A_5 {strides = array<i32>} : memref<1000x128xf32, #tpu.memory_space<vmem>>, vector<1000x128xf32>,
    return
  }
  func.func @transform_0(%arg0: i32) -> (i32, i32) {
    %c0_i32 = arith.constant 0 : i32
    %c0_i32_0 = arith.constant 0 : i32
    return %arg0, %c0_i32 : i32, i32
  }
  func.func @transform_1(%arg0: i32) -> (i32, i32) {
    %c0_i32 = arith.constant 0 : i32
    %c0_i32_0 = arith.constant 0 : i32
    %c0_i32_1 = arith.constant 0 : i32
    return %c0_i32, %c0_i32_0 : i32, i32
  }
  func.func @transform_2(%arg0: i32) -> (i32, i32) {
    %c0_i32 = arith.constant 0 : i32
    %c0_i32_0 = arith.constant 0 : i32
    return %arg0, %c0_i32 : i32, i32
  }
}

module attributes {stable_mosaic.version = 14 : i64} {
  func.func @_tc1_body(%arg0: i32, %arg1: memref<1000x128xf32, #tpu.memory_space<vmem>>, %arg2: memref<2x1000x128xf32, #tpu.memory_space<vmem>>, %arg3: memref<1000x128xf32, #tpu.memory_space<vmem>>) attributes {dimension_semantics = [#tpu.dimension_semantics<arbitrary>], iteration_bounds = array<i64: 10>, scalar_prefetch = 0 : i64, scratch_operands = 0 : i64, tpu.core_type = #tpu.core_type<tc>, window_params = [{transform_indices = @transform_0, window_bounds = array<i64: 1000, 128>}, {transform_indices = @transform_1, window_bounds = array<i64: 2, 1000, 128>}, {transform_indices = @transform_2, window_bounds = array<i64: 1000, 128>}]} {
    %get3A = arith.constant 0 : index
    %get3A_0 = arith.constant 0 : index
    %get3A_1 = vector.load %arg1[%get3A, %get3A_0] : memref<1000x128xf32, #tpu.memory_space<vmem>>, vector<1000x128xf32>
    %get3A_2 = arith.constant 0 : index
    %get3A_3 = arith.constant 0 : index
    %get3A_4 = arith.constant 0 : index
    %get3A_5 = vector.load %arg2[%get3A_2, %get3A_3, %get3A_4] : memref<2x1000x128xf32, #tpu.memory_space<vmem>>, vector<1x1000x128xf32>
    %get3A_6 = vector.shape_cast %get3A_5 : vector<1x1000x128xf32> to vector<1000x128xf32>
    %slice3A = vector.extract_strided_slice %get3A_6 {offsets = [0, 0], sizes = [1000, 1], strides = [1, 1]} : vector<1000x128xf32> to vector<1000x1xf32>
    %get3A_7 = arith.constant 1 : index
    %get3A_8 = arith.constant 0 : index
    %get3A_9 = arith.constant 0 : index
    %get3A_10 = vector.load %arg2[%get3A_7, %get3A_8, %get3A_9] : memref<2x1000x128xf32, #tpu.memory_space<vmem>>, vector<1x1000x128xf32>
    %get3A_11 = vector.shape_cast %get3A_10 : vector<1x1000x128xf32> to vector<1000x128xf32>
    %slice3A_12 = vector.extract_strided_slice %get3A_11 {offsets = [0, 0], sizes = [1000, 1], strides = [1, 1]} : vector<1000x128xf32> to vector<1000x1xf32>
    %add3A = arith.addf %slice3A, %slice3A_12 : vector<1000x1xf32>
    %add3A_13 = arith.constant 1.000000e+00 : f32
    %add3A_14 = vector.broadcast %add3A_13 : f32 to vector<1000x1xf32>
    %add3A_15 = arith.addf %add3A, %add3A_14 : vector<1000x1xf32>
    %rsqrt3A = math.rsqrt %add3A_15 : vector<1000x1xf32>
    %mul3A = vector.broadcast %rsqrt3A : vector<1000x1xf32> to vector<1000x128xf32>
    %mul3A_16 = arith.mulf %get3A_1, %mul3A : vector<1000x128xf32>
    %swap3A = arith.constant 0 : index
    %swap3A_17 = arith.constant 0 : index
    %swap3A_18 = vector.load %arg3[%swap3A, %swap3A_17] : memref<1000x128xf32, #tpu.memory_space<vmem>>, vector<1000x128xf32>
    tpu.vector_store %arg3[%swap3A, %swap3A_17], %mul3A_16 {strides = array<i32>} : memref<1000x128xf32, #tpu.memory_space<vmem>>, vector<1000x128xf32>,
    return
  }
  func.func @transform_0(%arg0: i32) -> (i32, i32) {
    %c0_i32 = arith.constant 0 : i32
    %c0_i32_0 = arith.constant 0 : i32
    return %arg0, %c0_i32 : i32, i32
  }
  func.func @transform_1(%arg0: i32) -> (i32, i32, i32) {
    %c0_i32 = arith.constant 0 : i32
    %c0_i32_0 = arith.constant 0 : i32
    %c0_i32_1 = arith.constant 0 : i32
    return %c0_i32, %arg0, %c0_i32_0 : i32, i32, i32
  }
  func.func @transform_2(%arg0: i32) -> (i32, i32) {
    %c0_i32 = arith.constant 0 : i32
    %c0_i32_0 = arith.constant 0 : i32
    return %arg0, %c0_i32 : i32, i32
  }
}

module attributes {stable_mosaic.version = 14 : i64} {
  func.func @_tc2_body(%arg0: i32, %arg1: memref<2x1000x128xf32, #tpu.memory_space<vmem>>, %arg2: memref<1000x128xf32, #tpu.memory_space<vmem>>, %arg3: memref<2x1000x128xf32, #tpu.memory_space<vmem>>, %arg4: memref<1x128xf32, #tpu.memory_space<vmem>>, %arg5: memref<128x128xf32, #tpu.memory_space<vmem>>, %arg6: memref<1000x128xf32, #tpu.memory_space<vmem>>) attributes {dimension_semantics = [#tpu.dimension_semantics<arbitrary>], iteration_bounds = array<i64: 10>, scalar_prefetch = 0 : i64, scratch_operands = 0 : i64, tpu.core_type = #tpu.core_type<tc>, window_params = [{transform_indices = @transform_0, window_bounds = array<i64: 2, 1000, 128>}, {transform_indices = @transform_1, window_bounds = array<i64: 1000, 128>}, {transform_indices = @transform_2, window_bounds = array<i64: 2, 1000, 128>}, {pipeline_mode = #tpu.pipeline_mode<synchronous>, transform_indices = @transform_3, window_bounds = array<i64: 1, 128>}, {pipeline_mode = #tpu.pipeline_mode<synchronous>, transform_indices = @transform_4, window_bounds = array<i64: 128, 128>}, {transform_indices = @transform_5, window_bounds = array<i64: 1000, 128>}]} {
    %get3A = arith.constant 0 : index
    %get3A_0 = arith.constant 0 : index
    %get3A_1 = arith.constant 0 : index
    %get3A_2 = vector.load %arg3[%get3A, %get3A_0, %get3A_1] : memref<2x1000x128xf32, #tpu.memory_space<vmem>>, vector<1x1000x128xf32>
    %get3A_3 = vector.shape_cast %get3A_2 : vector<1x1000x128xf32> to vector<1000x128xf32>
    %slice3A = vector.extract_strided_slice %get3A_3 {offsets = [0, 0], sizes = [1000, 1], strides = [1, 1]} : vector<1000x128xf32> to vector<1000x1xf32>
    %get3A_4 = arith.constant 1 : index
    %get3A_5 = arith.constant 0 : index
    %get3A_6 = arith.constant 0 : index
    %get3A_7 = vector.load %arg3[%get3A_4, %get3A_5, %get3A_6] : memref<2x1000x128xf32, #tpu.memory_space<vmem>>, vector<1x1000x128xf32>
    %get3A_8 = vector.shape_cast %get3A_7 : vector<1x1000x128xf32> to vector<1000x128xf32>
    %slice3A_9 = vector.extract_strided_slice %get3A_8 {offsets = [0, 0], sizes = [1000, 1], strides = [1, 1]} : vector<1000x128xf32> to vector<1000x1xf32>
    %add3A = arith.addf %slice3A, %slice3A_9 : vector<1000x1xf32>
    %add3A_10 = arith.constant 1.000000e+00 : f32
    %add3A_11 = vector.broadcast %add3A_10 : f32 to vector<1000x1xf32>
    %add3A_12 = arith.addf %add3A, %add3A_11 : vector<1000x1xf32>
    %rsqrt3A = math.rsqrt %add3A_12 : vector<1000x1xf32>
    %get3A_13 = arith.constant 0 : index
    %get3A_14 = arith.constant 0 : index
    %get3A_15 = arith.constant 0 : index
    %get3A_16 = vector.load %arg1[%get3A_13, %get3A_14, %get3A_15] : memref<2x1000x128xf32, #tpu.memory_space<vmem>>, vector<1x1000x128xf32>
    %get3A_17 = vector.shape_cast %get3A_16 : vector<1x1000x128xf32> to vector<1000x128xf32>
    %get3A_18 = arith.constant 1 : index
    %get3A_19 = arith.constant 0 : index
    %get3A_20 = arith.constant 0 : index
    %get3A_21 = vector.load %arg1[%get3A_18, %get3A_19, %get3A_20] : memref<2x1000x128xf32, #tpu.memory_space<vmem>>, vector<1x1000x128xf32>
    %get3A_22 = vector.shape_cast %get3A_21 : vector<1x1000x128xf32> to vector<1000x128xf32>
    %add3A_23 = arith.addf %get3A_17, %get3A_22 : vector<1000x128xf32>
    %get3A_24 = arith.constant 0 : index
    %get3A_25 = arith.constant 0 : index
    %get3A_26 = vector.load %arg2[%get3A_24, %get3A_25] : memref<1000x128xf32, #tpu.memory_space<vmem>>, vector<1000x128xf32>
    %add3A_27 = arith.addf %add3A_23, %get3A_26 : vector<1000x128xf32>
    %mul3A = vector.broadcast %rsqrt3A : vector<1000x1xf32> to vector<1000x128xf32>
    %mul3A_28 = arith.mulf %add3A_27, %mul3A : vector<1000x128xf32>
    %get3A_29 = arith.constant 0 : index
    %get3A_30 = arith.constant 0 : index
    %get3A_31 = vector.load %arg4[%get3A_29, %get3A_30] : memref<1x128xf32, #tpu.memory_space<vmem>>, vector<1x128xf32>
    %add3A_32 = vector.broadcast %get3A_31 : vector<1x128xf32> to vector<1000x128xf32>
    %add3A_33 = arith.addf %mul3A_28, %add3A_32 : vector<1000x128xf32>
    %max3A = arith.constant 0.000000e+00 : f32
    %max3A_34 = vector.broadcast %max3A : f32 to vector<1000x128xf32>
    %max3A_35 = arith.maximumf %add3A_33, %max3A_34 : vector<1000x128xf32>
    %get3A_36 = arith.constant 0 : index
    %get3A_37 = arith.constant 0 : index
    %get3A_38 = vector.load %arg5[%get3A_36, %get3A_37] : memref<128x128xf32, #tpu.memory_space<vmem>>, vector<128x128xf32>
    %dot_general3A = arith.constant dense<0.000000e+00> : vector<1000x128xf32>
    %dot_general3A_39 = tpu.matmul %max3A_35, %get3A_38, %dot_general3A {dimension_numbers = #tpu.dot_dimension_numbers<[1], [0], [0], [1], [0, 0, 1, 1], [], []>, transpose_lhs_hint = false} : vector<1000x128xf32>, vector<128x128xf32>, vector<1000x128xf32> -> vector<1000x128xf32>
    %mul3A_40 = vector.broadcast %rsqrt3A : vector<1000x1xf32> to vector<1000x128xf32>
    %mul3A_41 = arith.mulf %dot_general3A_39, %mul3A_40 : vector<1000x128xf32>
    %swap3A = arith.constant 0 : index
    %swap3A_42 = arith.constant 0 : index
    %swap3A_43 = vector.load %arg6[%swap3A, %swap3A_42] : memref<1000x128xf32, #tpu.memory_space<vmem>>, vector<1000x128xf32>
    tpu.vector_store %arg6[%swap3A, %swap3A_42], %mul3A_41 {strides = array<i32>} : memref<1000x128xf32, #tpu.memory_space<vmem>>, vector<1000x128xf32>,
    return
  }
  func.func @transform_0(%arg0: i32) -> (i32, i32, i32) {
    %c0_i32 = arith.constant 0 : i32
    %c0_i32_0 = arith.constant 0 : i32
    %c0_i32_1 = arith.constant 0 : i32
    return %c0_i32, %arg0, %c0_i32_0 : i32, i32, i32
  }
  func.func @transform_1(%arg0: i32) -> (i32, i32) {
    %c0_i32 = arith.constant 0 : i32
    %c0_i32_0 = arith.constant 0 : i32
    return %arg0, %c0_i32 : i32, i32
  }
  func.func @transform_2(%arg0: i32) -> (i32, i32, i32) {
    %c0_i32 = arith.constant 0 : i32
    %c0_i32_0 = arith.constant 0 : i32
    %c0_i32_1 = arith.constant 0 : i32
    return %c0_i32, %arg0, %c0_i32_0 : i32, i32, i32
  }
  func.func @transform_3(%arg0: i32) -> (i32, i32) {
    %c0_i32 = arith.constant 0 : i32
    %c0_i32_0 = arith.constant 0 : i32
    %c0_i32_1 = arith.constant 0 : i32
    return %c0_i32, %c0_i32_0 : i32, i32
  }
  func.func @transform_4(%arg0: i32) -> (i32, i32) {
    %c0_i32 = arith.constant 0 : i32
    %c0_i32_0 = arith.constant 0 : i32
    %c0_i32_1 = arith.constant 0 : i32
    return %c0_i32, %c0_i32_0 : i32, i32
  }
  func.func @transform_5(%arg0: i32) -> (i32, i32) {
    %c0_i32 = arith.constant 0 : i32
    %c0_i32_0 = arith.constant 0 : i32
    return %arg0, %c0_i32 : i32, i32
  }
}

module attributes {stable_mosaic.version = 14 : i64} {
  func.func @_tc3_body(%arg0: i32, %arg1: memref<2x1000x128xf32, #tpu.memory_space<vmem>>, %arg2: memref<1000x128xf32, #tpu.memory_space<vmem>>, %arg3: memref<2x1000x128xf32, #tpu.memory_space<vmem>>, %arg4: memref<1x128xf32, #tpu.memory_space<vmem>>, %arg5: memref<1000x128xf32, #tpu.memory_space<vmem>>) attributes {dimension_semantics = [#tpu.dimension_semantics<arbitrary>], iteration_bounds = array<i64: 10>, scalar_prefetch = 0 : i64, scratch_operands = 0 : i64, tpu.core_type = #tpu.core_type<tc>, window_params = [{transform_indices = @transform_0, window_bounds = array<i64: 2, 1000, 128>}, {transform_indices = @transform_1, window_bounds = array<i64: 1000, 128>}, {transform_indices = @transform_2, window_bounds = array<i64: 2, 1000, 128>}, {pipeline_mode = #tpu.pipeline_mode<synchronous>, transform_indices = @transform_3, window_bounds = array<i64: 1, 128>}, {transform_indices = @transform_4, window_bounds = array<i64: 1000, 128>}]} {
    %get3A = arith.constant 0 : index
    %get3A_0 = arith.constant 0 : index
    %get3A_1 = arith.constant 0 : index
    %get3A_2 = vector.load %arg3[%get3A, %get3A_0, %get3A_1] : memref<2x1000x128xf32, #tpu.memory_space<vmem>>, vector<1x1000x128xf32>
    %get3A_3 = vector.shape_cast %get3A_2 : vector<1x1000x128xf32> to vector<1000x128xf32>
    %slice3A = vector.extract_strided_slice %get3A_3 {offsets = [0, 0], sizes = [1000, 1], strides = [1, 1]} : vector<1000x128xf32> to vector<1000x1xf32>
    %get3A_4 = arith.constant 1 : index
    %get3A_5 = arith.constant 0 : index
    %get3A_6 = arith.constant 0 : index
    %get3A_7 = vector.load %arg3[%get3A_4, %get3A_5, %get3A_6] : memref<2x1000x128xf32, #tpu.memory_space<vmem>>, vector<1x1000x128xf32>
    %get3A_8 = vector.shape_cast %get3A_7 : vector<1x1000x128xf32> to vector<1000x128xf32>
    %slice3A_9 = vector.extract_strided_slice %get3A_8 {offsets = [0, 0], sizes = [1000, 1], strides = [1, 1]} : vector<1000x128xf32> to vector<1000x1xf32>
    %add3A = arith.addf %slice3A, %slice3A_9 : vector<1000x1xf32>
    %add3A_10 = arith.constant 1.000000e+00 : f32
    %add3A_11 = vector.broadcast %add3A_10 : f32 to vector<1000x1xf32>
    %add3A_12 = arith.addf %add3A, %add3A_11 : vector<1000x1xf32>
    %rsqrt3A = math.rsqrt %add3A_12 : vector<1000x1xf32>
    %get3A_13 = arith.constant 0 : index
    %get3A_14 = arith.constant 0 : index
    %get3A_15 = arith.constant 0 : index
    %get3A_16 = vector.load %arg1[%get3A_13, %get3A_14, %get3A_15] : memref<2x1000x128xf32, #tpu.memory_space<vmem>>, vector<1x1000x128xf32>
    %get3A_17 = vector.shape_cast %get3A_16 : vector<1x1000x128xf32> to vector<1000x128xf32>
    %get3A_18 = arith.constant 1 : index
    %get3A_19 = arith.constant 0 : index
    %get3A_20 = arith.constant 0 : index
    %get3A_21 = vector.load %arg1[%get3A_18, %get3A_19, %get3A_20] : memref<2x1000x128xf32, #tpu.memory_space<vmem>>, vector<1x1000x128xf32>
    %get3A_22 = vector.shape_cast %get3A_21 : vector<1x1000x128xf32> to vector<1000x128xf32>
    %add3A_23 = arith.addf %get3A_17, %get3A_22 : vector<1000x128xf32>
    %get3A_24 = arith.constant 0 : index
    %get3A_25 = arith.constant 0 : index
    %get3A_26 = vector.load %arg2[%get3A_24, %get3A_25] : memref<1000x128xf32, #tpu.memory_space<vmem>>, vector<1000x128xf32>
    %add3A_27 = arith.addf %add3A_23, %get3A_26 : vector<1000x128xf32>
    %mul3A = vector.broadcast %rsqrt3A : vector<1000x1xf32> to vector<1000x128xf32>
    %mul3A_28 = arith.mulf %add3A_27, %mul3A : vector<1000x128xf32>
    %get3A_29 = arith.constant 0 : index
    %get3A_30 = arith.constant 0 : index
    %get3A_31 = vector.load %arg4[%get3A_29, %get3A_30] : memref<1x128xf32, #tpu.memory_space<vmem>>, vector<1x128xf32>
    %add3A_32 = vector.broadcast %get3A_31 : vector<1x128xf32> to vector<1000x128xf32>
    %add3A_33 = arith.addf %mul3A_28, %add3A_32 : vector<1000x128xf32>
    %swap3A = arith.constant 0 : index
    %swap3A_34 = arith.constant 0 : index
    %swap3A_35 = vector.load %arg5[%swap3A, %swap3A_34] : memref<1000x128xf32, #tpu.memory_space<vmem>>, vector<1000x128xf32>
    tpu.vector_store %arg5[%swap3A, %swap3A_34], %add3A_33 {strides = array<i32>} : memref<1000x128xf32, #tpu.memory_space<vmem>>, vector<1000x128xf32>,
    return
  }
  func.func @transform_0(%arg0: i32) -> (i32, i32, i32) {
    %c0_i32 = arith.constant 0 : i32
    %c0_i32_0 = arith.constant 0 : i32
    %c0_i32_1 = arith.constant 0 : i32
    return %c0_i32, %arg0, %c0_i32_0 : i32, i32, i32
  }
  func.func @transform_1(%arg0: i32) -> (i32, i32) {
    %c0_i32 = arith.constant 0 : i32
    %c0_i32_0 = arith.constant 0 : i32
    return %arg0, %c0_i32 : i32, i32
  }
  func.func @transform_2(%arg0: i32) -> (i32, i32, i32) {
    %c0_i32 = arith.constant 0 : i32
    %c0_i32_0 = arith.constant 0 : i32
    %c0_i32_1 = arith.constant 0 : i32
    return %c0_i32, %arg0, %c0_i32_0 : i32, i32, i32
  }
  func.func @transform_3(%arg0: i32) -> (i32, i32) {
    %c0_i32 = arith.constant 0 : i32
    %c0_i32_0 = arith.constant 0 : i32
    %c0_i32_1 = arith.constant 0 : i32
    return %c0_i32, %c0_i32_0 : i32, i32
  }
  func.func @transform_4(%arg0: i32) -> (i32, i32) {
    %c0_i32 = arith.constant 0 : i32
    %c0_i32_0 = arith.constant 0 : i32
    return %arg0, %c0_i32 : i32, i32
  }
}

</mosaic_0001>

<sc_bundles>
// kernel: kernel.12.cloned.1.call-start
scs
__scs_entry_jumppad:
0x0: {  	(pc) =	sbr.rel $0x88, $3  }
0x1: {  	(tag) =	ssettag $0x0;
	lr =	simm.s32 $0x1  }
0x2: {  	[smem:$0x3F9B] =	sst lr;
	_ =	strace $0xD0000000  }
0x3: {  	_ = 	snop  }
0x4: {  	_ = 	snop  }
0x5: {  	_ = 	snop  }
0x6: {  	_ = 	snop  }
0x7: {  	_ = 	snop  }
__scs_overlays_trampoline_lowered:
0x8: {  	[smem:$0x3FAA] =	sst s0  }
0x9: {  	[smem:$0x3FAB] =	sst s1  }
0xa: {  	[smem:$0x3FAC] =	sst s2  }
0xb: {  	[smem:$0x3FAD] =	sst s3  }
0xc: {  	[smem:$0x3FAE] =	sst s4  }
0xd: {  	[smem:$0x3FAF] =	sst s5  }
0xe: {  	[smem:$0x3FB0] =	sst s6  }
0xf: {  	[smem:$0x3FB1] =	sst s7  }
0x10: {  	[smem:$0x3FB2] =	sst s8  }
0x11: {  	[smem:$0x3FB3] =	sst s9;
	s0 =	simm.s32 @!p0 $0x0  }
0x12: {  	s1 =	sld [smem:$0x3F99];
	s0 =	simm.s32 @p0 $0x1  }
0x13: {  	[smem:$0x3FB4] =	sst s0;
	s0 =	simm.s32 @!p1 $0x0  }
0x14: {  	s2 =	sld [smem:$0x3F98];
	s0 =	simm.s32 @p1 $0x1  }
0x15: {  	[smem:$0x3FB5] =	sst s0;
	s0 =	simm.s32 @!p2 $0x0  }
0x16: {  	s3 =	sld [smem:$0x3FDB];
	s0 =	simm.s32 @p2 $0x1  }
0x17: {  	s4 =	simm.s32 $0x1BF5;
	[smem:$0x3FB7] =	sst s0  }
0x18: {  	s0 =	sld [smem:$0x3F9A];
	_ =	swait.ge [sflag:s4], $0x0  }
0x19: {  	s7 =	sld [smem:$0x3F9B]  }
0x1a: {  	s8 =	sadd.s32 $0xFFFFE003, lr  }
0x1b: {  	s9 =	sadd.s32 $0xFFFFFEF7, lr;
	s5 =	simm.s32 $0xFFFFFFFF;
	p2 =	slt.u32 s8, $0xFFFFF086  }
0x1c: {  	p1 =	slt.u32 s9, $0xF7A;
	s5 =	simm.s32 @!p2 $0x0  }
0x1d: {  	s5 =	simm.s32 @p1 $0x1;
	p0 =	seq.s32 s7, s2  }
0x1e: {  	s7 =	smul.u32 @!p0 $0xF7A, s2;
	p2 =	seq.s32 @!p0 s5, $0x0  }
0x1f: {  	s9 =	smul.u32 $0xF7A, s1;
	s8 =	simm.s32 @!p0 $0x1BF5;
	p2 =	por !p2, p0  }
0x20: {  	[sflag:s8] =	ssyncset.s32 @!p0 $0xFFFFF086;
	s6 =	sadd.s32 @!p0 s3, s7;
	s7 =	simm.s32 @!p0 $0x108  }
0x21: {  	s3 =	sadd.s32 s3, s9;
	s6 =	sadd.s32 @!p0 $0x88, s6;
	s7 =	simm.s32 @p2 $0x1082  }
0x22: {  	[simem:s7], [sflag:s8] =	dma.local @!p0 [hbm:s6], $0xF7A  }
0x23: {  	s9 =	sor.u32 $0xD0000000, s2;
	s6 =	simm.s32 $0x108;
	_ =	swait.ge @!p0 [sflag:s8], $0x0  }
0x24: {  	s3 =	sadd.s32 $0x88, s3;
	s6 =	simm.s32 @!p1 $0x1082;
	[sflag:s4] =	ssyncset.s32 $0xFFFFF086  }
0x25: {  	[simem:s6], [sflag:s4] =	dma.local [hbm:s3], $0xF7A  }
0x26: {  	[smem:$0x3F9B] =	sst s1;
	(tag) =	ssettag s2;
	_ =	strace s9  }
0x27: {  	s1 =	sld [smem:$0x3FAB]  }
0x28: {  	s2 =	sld [smem:$0x3FAC]  }
0x29: {  	s4 =	sld [smem:$0x3FAE]  }
0x2a: {  	p0 =	seq.s32 s5, $0x0;
	s5 =	sld [smem:$0x3FAF]  }
0x2b: {  	s6 =	sld [smem:$0x3FB0]  }
0x2c: {  	s7 =	sld [smem:$0x3FB1]  }
0x2d: {  	s3 =	simm.s32 $0x108;
	s8 =	sld [smem:$0x3FB2]  }
0x2e: {  	s3 =	simm.s32 @!p0 $0x1082;
	s9 =	sld [smem:$0x3FB3]  }
0x2f: {  	lr =	sadd.s32 s0, s3;
	s0 =	sld [smem:$0x3FAA]  }
0x30: {  	s3 =	sld [smem:$0x3FAD]  }
0x31: {  	[smem:$0x3FB6] =	sst s10  }
0x32: {  	s10 =	sld [smem:$0x3FB4];
	_ =	sdelay $0x3  }
0x33: {  	p0 =	seq.s32 s10, $0x1;
	s10 =	sld [smem:$0x3FB6];
	_ =	sdelay $0x3  }
0x34: {  	[smem:$0x3FB6] =	sst s10  }
0x35: {  	s10 =	sld [smem:$0x3FB5];
	_ =	sdelay $0x3  }
0x36: {  	p1 =	seq.s32 s10, $0x1;
	s10 =	sld [smem:$0x3FB6];
	_ =	sdelay $0x3  }
0x37: {  	[smem:$0x3FB6] =	sst s10  }
0x38: {  	s10 =	sld [smem:$0x3FB7]  }
0x39: {  	_ = 	snop;
	(pc) =	sbr.ind lr, $3  }
0x3a: {  	_ = 	snop  }
0x3b: {  	_ = 	snop  }
0x3c: {  	p2 =	seq.s32 s10, $0x1;
	s10 =	sld [smem:$0x3FB6]  }
0x3d: {  	_ =	shalt  }
0x3e: {  	_ =	shalt  }
0x3f: {  	_ =	shalt  }
0x40: {  	_ =	shalt  }
0x41: {  	_ =	shalt  }
0x42: {  	_ =	shalt  }
0x43: {  	_ =	shalt  }
0x44: {  	_ =	shalt  }
0x45: {  	_ =	shalt  }
0x46: {  	_ =	shalt  }
0x47: {  	_ =	shalt  }
0x48: {  	_ =	shalt  }
0x49: {  	_ =	shalt  }
0x4a: {  	_ =	shalt  }
0x4b: {  	_ =	shalt  }
0x4c: {  	_ =	shalt  }
0x4d: {  	_ =	shalt  }
0x4e: {  	_ =	shalt  }
0x4f: {  	_ =	shalt  }
0x50: {  	_ =	shalt  }
0x51: {  	_ =	shalt  }
0x52: {  	_ =	shalt  }
0x53: {  	_ =	shalt  }
0x54: {  	_ =	shalt  }
0x55: {  	_ =	shalt  }
0x56: {  	_ =	shalt  }
0x57: {  	_ =	shalt  }
0x58: {  	_ =	shalt  }
0x59: {  	_ =	shalt  }
0x5a: {  	_ =	shalt  }
0x5b: {  	_ =	shalt  }
0x5c: {  	_ =	shalt  }
0x5d: {  	_ =	shalt  }
0x5e: {  	_ =	shalt  }
0x5f: {  	_ =	shalt  }
0x60: {  	_ =	shalt  }
0x61: {  	_ =	shalt  }
0x62: {  	_ =	shalt  }
0x63: {  	_ =	shalt  }
0x64: {  	_ =	shalt  }
0x65: {  	_ =	shalt  }
0x66: {  	_ =	shalt  }
0x67: {  	_ =	shalt  }
0x68: {  	_ =	shalt  }
0x69: {  	_ =	shalt  }
0x6a: {  	_ =	shalt  }
0x6b: {  	_ =	shalt  }
0x6c: {  	_ =	shalt  }
0x6d: {  	_ =	shalt  }
0x6e: {  	_ =	shalt  }
0x6f: {  	_ =	shalt  }
0x70: {  	_ =	shalt  }
0x71: {  	_ =	shalt  }
0x72: {  	_ =	shalt  }
0x73: {  	_ =	shalt  }
0x74: {  	_ =	shalt  }
0x75: {  	_ =	shalt  }
0x76: {  	_ =	shalt  }
0x77: {  	_ =	shalt  }
0x78: {  	_ =	shalt  }
0x79: {  	_ =	shalt  }
0x7a: {  	_ =	shalt  }
0x7b: {  	_ =	shalt  }
0x7c: {  	_ =	shalt  }
0x7d: {  	_ =	shalt  }
0x7e: {  	_ =	shalt  }
0x7f: {  	_ =	shalt  }
0x80: {  	_ =	shalt  }
0x81: {  	_ =	shalt  }
0x82: {  	_ =	shalt  }
0x83: {  	_ =	shalt  }
0x84: {  	_ =	shalt  }
0x85: {  	_ =	shalt  }
0x86: {  	_ =	shalt  }
0x87: {  	_ =	shalt  }
.Lfunc_end0:
.L_simem_size_0:
called_computation.1_lowered:
.L_overlay_start_0:
0x88: {  	s2 =	sld [smem:$0x3FD9]  }
0x89: {  	s3 =	sld [smem:$0x3FFE];
	_ =	sdelay $0x1  }
0x8a: {  	s1 =	srdreg.scid  }
0x8b: {  	s0 =	sand.u32 $0x1, s1  }
0x8c: {  	s17 =	sshll.u32 s0, $0xA;
	s2 =	sadd.s32 s3, s2  }
0x8d: {  	s2 =	sadd.s32 s2, s17  }
0x8e: {  	[smem:$0x3FC2] =	sst s2  }
0x8f: {  	_ = 	snop  }
0x90: {  	s2 =	sld [smem:$0x3FD0];
	(tm) =	ssettm $0x1  }
0x91: {  	s18 =	sld [smem:$0x3FFB];
	_ =	sdelay $0x3  }
0x92: {  	_ =	strace s18  }
0x93: {  	s3 =	sld [smem:$0x3FFC];
	_ =	sdelay $0x3  }
0x94: {  	_ =	strace s3  }
0x95: {  	s3 =	sld [smem:$0x3FFD];
	_ =	sdelay $0x3  }
0x96: {  	_ =	strace s3  }
0x97: {  	_ =	strace $0x8FFFFFFF  }
0x98: {  	s19 =	sld [smem:$0x3FDB];
	_ =	sdelay $0x1  }
0x99: {  	s4 =	simm.s32 $_scs_section_size  }
0x9a: {  	s5 =	simm.s32 $_size__tile_overlayer_lowered;
	s6 =	simm.s32 $_tile_overlayer_lowered  }
0x9b: {  	s22 =	simm.s32 $0x1BFF;
	s21 =	sshll.u32 s6, $0x1;
	s3 =	sadd.s32 s4, s19  }
0x9c: {  	s7 =	simm.s32 $0x0;
	s20 =	sshll.u32 s5, $0x1;
	s5 =	sadd.s32 s21, s3  }
0x9d: {  	[timem:s7], [sflag:s22] =	dma.local [hbm:s5], s20  }
0x9e: {  	_ =	swait.ge [sflag:s22], s20  }
0x9f: {  	s4 =	ssub.s32 $0x0, s20;
	[sflag:s22] =	ssyncset.done $0x0  }
0xa0: {  	[sflag:s22] =	ssyncadd.s32 s4;
	_ =	sdelay $0x1  }
0xa1: {  	s23 =	simm.s32 $0x1B8B  }
0xa2: {  	_ =	swait.ge [sflag:s23], $0x1  }
0xa3: {  	[sflag:s23] =	ssyncset.done $0x0  }
0xa4: {  	s25 =	simm.s32 $0x1B8E;
	s24 =	sld [smem:$0x3FFE];
	[sflag:s23] =	ssyncadd.s32 $0xFFFFFFFF  }
0xa5: {  	s26 =	simm.s32 $execute0_lowered;
	[smem:$0x3FD2] =	sst s25  }
0xa6: {  	s5 =	sshll.u32 s26, $0x1;
	_ =	strace $0x80000049;
	[dreg:$0x1] =	wrdreg $0xFFFFFFFF  }
0xa7: {  	s28 =	simm.s32 $_size_execute0_lowered;
	s3 =	sadd.s32 s3, s5;
	[dreg:$0x0] =	wrdreg $0x0  }
0xa8: {  	s5 =	sshll.u32 s28, $0x1;
	[dreg:$0x2] =	wrdreg s3  }
0xa9: {  	[dreg:$0x3] =	wrdreg s5  }
0xaa: {  	[dreg:$0x4] =	wrdreg $0xC0  }
0xab: {  	_ =	task [dreg:s7], $0x5FFFF  }
0xac: {  	[dreg:$0x1] =	wrdreg $0xFFFFFFFF  }
0xad: {  	[dreg:$0x0] =	wrdreg $0x60  }
0xae: {  	[dreg:$0x2] =	wrdreg s2  }
0xaf: {  	[dreg:$0x3] =	wrdreg s24  }
0xb0: {  	[dreg:$0x4] =	wrdreg $0x0  }
0xb1: {  	[dreg:$0x5] =	wrdreg $0x9  }
0xb2: {  	_ =	task.clear_ibuf [dreg:s7], $0x6FFFF;
	_ =	strace $0x90000049  }
0xb3: {  	s29 =	simm.s32 $0x9;
	_ =	strace $0x8000004B  }
0xb4: {  	_ =	swait.ge [sflag:s29], $0x1  }
0xb5: {  	[sflag:s29] =	ssyncadd.s32 $0xFFFFFFFF  }
0xb6: {  	_ =	strace $0x9000004B  }
0xb7: {  	_ =	sfence  }
0xb8: {  	s30 =	sld [smem:$0x0];
	_ =	sdelay $0x2  }
0xb9: {  	s31 =	sshll.u32 s1, $0xD;
	s1 =	sshrl.u32 s1, $0x2  }
0xba: {  	s3 =	sand.u32 $0x4000, s31;
	s1 =	sadd.s32 s1, s30  }
0xbb: {  	s0 =	sor.u32 s3, s0;
	s1 =	sshll.u32 s1, $0x11  }
0xbc: {  	s0 =	sor.u32 s1, s0  }
0xbd: {  	s0 =	sadd.s32 $0x8F2B, s0  }
0xbe: {  	[sflag:s0] =	ssyncadd.remote.s32 $0x1  }
0xbf: {  	_ =	sfence.sel $0xFFFF  }
0xc0: {  	[dreg:$0x0] =	wrdreg $0xFFFFFFFF;
	(pc) =	sbr.abs _section_cstart, $3  }
0xc1: {  	[dreg:$0x1] =	wrdreg $0xFFFFFFFF  }
0xc2: {  	_ =	task.clear_ibuf [dreg:s7], $0x2FFFF;
	_ =	strace $0x9FFFFFFF  }
0xc3: {  	(tm) =	ssettm $0x7FFFFFFF  }
tec
execute0_lowered:
.L_overlay_start_1:
0x0: {  	(tag) =	ssettag $0x1  }
0x1: {  	s1 =	rddreg [dreg:$0x0]  }
0x2: {  	s0 =	srdreg.scid;
	s2 =	rddreg [dreg:$0x1]  }
0x3: {  	s13 =	stileid.u32;
	s3 =	rddreg [dreg:$0x2]  }
0x4: {  	s5 =	simm.s32 $0x0;
	s14 =	simm.s32 $0x7;
	s15 =	simm.s32 $0x40  }
0x5: {  	s17 =	simm.s32 $0x19080;
	s18 =	simm.s32 $0x1F100;
	s19 =	simm.s32 $0x1B080  }
0x6: {  	s20 =	simm.s32 $0x1;
	s21 =	simm.s32 $0x1F200;
	s22 =	simm.s32 $0x1F180  }
0x7: {  	s23 =	simm.s32 $0x1D080;
	s24 =	simm.s32 $0x2;
	s28 =	simm.s32 $0x3  }
0x8: {  	s29 =	simm.s32 $0x1F300;
	s30 =	simm.s32 $0x5;
	s31 =	simm.s32 $0x6  }
0x9: {  	s0 =	sand.u32 $0x1, s0;
	[smem:$0x7FF] =	sst s5;
	s6 =	smul.u32 $0x4F000, s13  }
0xa: {  	s5 =	sadd.s32 $0x2A00, s2;
	s9 =	smul.u32 $0x13C00, s13;
	s11 =	sadd.s32 $0x128400, s3  }
0xb: {  	p0 =	seq.s32 s13, $0xF;
	s4 =	sshll.u32 s0, $0x4;
	_ =	strace $0x8000004A  }
0xc: {  	s7 =	ssub.s32 $0x2, s0;
	s0 =	smul.u32 $0x138800, s0;
	s4 =	sor.u32 s13, s4  }
0xd: {  	s8 =	sshrl.u32 s7, $0x1;
	s6 =	sshrl.u32 s6, $0x2;
	s4 =	smul.u32 $0xA80, s4  }
0xe: {  	s10 =	ssub.s32 s7, s8;
	s12 =	sadd.s32 s6, s3;
	s25 =	sadd.s32 s9, s0  }
0xf: {  	s0 =	sshrl.u32 s0, $0x3;
	s26 =	sshrl.u32 s25, $0x3;
	s9 =	smax.u32 s10, $0x1  }
.Ltmp0:
0x10: {  	s10 =	sshrl.u32 @p0 s11, $0x3;
	s12 =	sshrl.u32 @!p0 s12, $0x3;
	(pc) =	sbr.rel .LBB2_1-.Ltmp0, $4  }
0x11: {  	s25 =	simm.s32 $0x1F280;
	s4 =	sadd.s32 s4, s2;
	s2 =	sadd.s32 $0x68400, s2  }
0x12: {  	s4 =	sadd.s32 $0x53400, s4;
	s0 =	sadd.s32 s2, s0;
	s7 =	sadd.s32 s2, s26  }
0x13: {  	s26 =	simm.s32 $0x4;
	s8 =	sadd.s32 $0x25080, s0;
	s0 =	sshll.u32 @!p0 s13, $0x6  }
0x14: {  	s2 =	simm.s32 $0x0;
	[dreg:$0x4] =	wrdreg s4;
	s11 =	sor.u32 @!p0 $0x1C07, s0  }
.LBB2_4:
0x15: {  	_ =	swait.ge [sflag:s31], $0x2000  }
0x16: {  	[sflag:s31] =	ssyncset.done $0x0  }
0x17: {  	[sflag:s31] =	ssyncadd.s32 $0xFFFFE000  }
0x18: {  	s0 =	simm.s32 @p0 $0x1FC7;
	[bflag:$0x0] =	sbarrier.arrive $0xFFFF  }
0x19: {  	[hbm:s8], [sflag:s0] =	dma.local @p0 [spmem:s10], $0x2080  }
0x1a: {  	s0 =	simm.s32 @p0 $0x7  }
0x1b: {  	s2 =	sadd.s32 $0x1, s2;
	_ =	swait.ge @p0 [sflag:s0], $0x2080  }
0x1c: {  	p1 =	sne.s32 s2, s9;
	[sflag:s0] =	ssyncset.done @p0 $0x0  }
.Ltmp1:
0x1d: {  	[sflag:s0] =	ssyncadd.s32 @p0 $0xFFFFDF80;
	s0 =	simm.s32 @!p0 $0x7;
	(pc) =	sbr.rel @!p1 .LBB2_5-.Ltmp1, $4  }
0x1e: {  	[hbm:s7], [sflag:s11] =	dma.local @!p0 [spmem:s12], $0x2780  }
0x1f: {  	_ =	swait.ge @!p0 [sflag:s0], $0x2780  }
0x20: {  	[sflag:s0] =	ssyncset.done @!p0 $0x0  }
0x21: {  	[sflag:s0] =	ssyncadd.s32 @!p0 $0xFFFFD880  }
.LBB2_1:
0x22: {  	s0 =	simm.s32 @p0 $0x1FC7  }
0x23: {  	[spmem:s10], [sflag:s0] =	dma.local @p0 [hbm:s5], $0x2080  }
0x24: {  	s0 =	simm.s32 @p0 $0x7  }
0x25: {  	_ =	swait.ge @p0 [sflag:s0], $0x2080  }
0x26: {  	[sflag:s0] =	ssyncset.done @p0 $0x0  }
0x27: {  	[sflag:s0] =	ssyncadd.s32 @p0 $0xFFFFDF80;
	s0 =	simm.s32 @!p0 $0x7  }
0x28: {  	[spmem:s12], [sflag:s11] =	dma.local @!p0 [hbm:s5], $0x2780  }
0x29: {  	_ =	swait.ge @!p0 [sflag:s0], $0x2780  }
0x2a: {  	s13 =	simm.s32 $0x0;
	[sflag:s0] =	ssyncset.done @!p0 $0x0  }
0x2b: {  	s6 =	simm.s32 $0x13C80;
	s4 =	rddreg [dreg:$0x4];
	[sflag:s0] =	ssyncadd.s32 @!p0 $0xFFFFD880  }
0x2c: {  	[tilespmem:s6], [sflag:$0x7] =	stream.linear.gather [hbm4b:s4+s13], $0x5100, $0x38;
	[tilespmem:$0x1F380] =	vst v63  }
0x2d: {  	_ =	swait.ge [sflag:s14], $0x5100  }
0x2e: {  	[sflag:s14] =	ssyncset.done $0x0  }
0x2f: {  	[sflag:s14] =	ssyncadd.s32 $0xFFFFAF00  }
0x30: {  	[bflag:$0x0] =	sbarrier.arrive $0xFFFF  }
0x31: {  	v0 =	vld [tilespmem:$0x13C80]  }
0x32: {  	v1 =	vld [tilespmem:$0x13C90]  }
0x33: {  	v2 =	vld [tilespmem:$0x13CA0]  }
0x34: {  	v3 =	vld [tilespmem:$0x13CB0];
	_ =	sdelay $0x1  }
0x35: {  	v0 =	vand.u32 $0x3FFF, v0  }
0x36: {  	v54 =	vand.u32 $0x3FFF, v1;
	[tilespmem:$0x1F080] =	vst v0  }
0x37: {  	v55 =	vand.u32 $0x3FFF, v2;
	[tilespmem:$0x1F090] =	vst v54  }
0x38: {  	v56 =	vand.u32 $0x3FFF, v3;
	[tilespmem:$0x1F0A0] =	vst v55  }
0x39: {  	s16 =	simm.s32 $0x1F080;
	[tilespmem:$0x1F0B0] =	vst v56  }
0x3a: {  	[tilespmem:s17], [sflag:$0x1] =	stream.indirect.gather [hbm4b:s1+s15], $0x80, s16, s15, $0xb8;
	[tilespmem:$0x1F380] =	vst v63  }
0x3b: {  	v57 =	vld [tilespmem:$0x13D00]  }
0x3c: {  	v58 =	vld [tilespmem:$0x13D10]  }
0x3d: {  	v59 =	vld [tilespmem:$0x13D20]  }
0x3e: {  	v60 =	vld [tilespmem:$0x13D30];
	_ =	sdelay $0x1  }
0x3f: {  	v0 =	vand.u32 $0x3FFF, v57  }
0x40: {  	v61 =	vand.u32 $0x3FFF, v58;
	[tilespmem:$0x1F100] =	vst v0  }
0x41: {  	v62 =	vand.u32 $0x3FFF, v59;
	[tilespmem:$0x1F110] =	vst v61  }
0x42: {  	v63 =	vand.u32 $0x3FFF, v60;
	[tilespmem:$0x1F120] =	vst v62  }
0x43: {  	s0 =	simm.s32 $0x0;
	[tilespmem:$0x1F130] =	vst v63  }
0x44: {  	[tilespmem:s19], [sflag:$0x2] =	stream.indirect.gather [hbm4b:s1+s15], $0x80, s18, s15, $0xb8;
	[tilespmem:$0x1F380] =	vst v63  }
.LBB2_2:
0x45: {  	_ =	swait.ge [sflag:s20], $0x2000  }
0x46: {  	[sflag:s20] =	ssyncset.done $0x0  }
0x47: {  	s4 =	sshra.s32 s0, $0x2;
	[sflag:s20] =	ssyncadd.s32 $0xFFFFE000  }
0x48: {  	v0 =	vld [tilespmem:s4+$0x13C80];
	_ =	sdelay $0x4  }
0x49: {  	v0 =	vshrl.u32 v0, $0xE  }
0x4a: {  	v0 =	vand.u32 $0x3FFF, v0  }
0x4b: {  	[tilespmem:$0x1F200] =	vst v0  }
0x4c: {  	v0 =	vld [tilespmem:s4+$0x13C90];
	_ =	sdelay $0x4  }
0x4d: {  	v0 =	vshrl.u32 v0, $0xE  }
0x4e: {  	v0 =	vand.u32 $0x3FFF, v0  }
0x4f: {  	[tilespmem:$0x1F210] =	vst v0  }
0x50: {  	v0 =	vld [tilespmem:s4+$0x13CA0];
	_ =	sdelay $0x4  }
0x51: {  	v0 =	vshrl.u32 v0, $0xE  }
0x52: {  	v0 =	vand.u32 $0x3FFF, v0  }
0x53: {  	[tilespmem:$0x1F220] =	vst v0  }
0x54: {  	v0 =	vld [tilespmem:s4+$0x13CB0];
	_ =	sdelay $0x4  }
0x55: {  	v0 =	vshrl.u32 v0, $0xE  }
0x56: {  	p1 =	seq.s32 s0, $0x0;
	v0 =	vand.u32 $0x3FFF, v0  }
0x57: {  	s13 =	simm.s32 @!p1 $0x6;
	[tilespmem:$0x1F230] =	vst v0  }
0x58: {  	[spmem:s3] =	stream.indirect.scatter.add.f32 [tilespmem:s17], [sflag:$0x4], $0x80, s21, s15, $0xb8;
	[tilespmem:$0x1F380] =	vst v63  }
0x59: {  	_ =	swait.ge @!p1 [sflag:s13], $0x2000  }
0x5a: {  	[sflag:s13] =	ssyncset.done @!p1 $0x0  }
0x5b: {  	[sflag:s13] =	ssyncadd.s32 @!p1 $0xFFFFE000  }
0x5c: {  	v61 =	vld [tilespmem:s4+$0x13D80];
	_ =	sdelay $0x4  }
0x5d: {  	v0 =	vand.u32 $0x3FFF, v61  }
0x5e: {  	[tilespmem:$0x1F180] =	vst v0  }
0x5f: {  	v0 =	vld [tilespmem:s4+$0x13D90];
	_ =	sdelay $0x4  }
0x60: {  	v0 =	vand.u32 $0x3FFF, v0  }
0x61: {  	[tilespmem:$0x1F190] =	vst v0  }
0x62: {  	v0 =	vld [tilespmem:s4+$0x13DA0];
	_ =	sdelay $0x4  }
0x63: {  	v0 =	vand.u32 $0x3FFF, v0  }
0x64: {  	[tilespmem:$0x1F1A0] =	vst v0  }
0x65: {  	v0 =	vld [tilespmem:s4+$0x13DB0];
	_ =	sdelay $0x4  }
0x66: {  	v0 =	vand.u32 $0x3FFF, v0  }
0x67: {  	[tilespmem:$0x1F1B0] =	vst v0  }
0x68: {  	[tilespmem:s23], [sflag:$0x3] =	stream.indirect.gather [hbm4b:s1+s15], $0x80, s22, s15, $0xb8;
	[tilespmem:$0x1F380] =	vst v63  }
0x69: {  	_ =	swait.ge [sflag:s24], $0x2000  }
0x6a: {  	[sflag:s24] =	ssyncset.done $0x0  }
0x6b: {  	[sflag:s24] =	ssyncadd.s32 $0xFFFFE000  }
0x6c: {  	v62 =	vld [tilespmem:s4+$0x13D00];
	_ =	sdelay $0x4  }
0x6d: {  	v0 =	vshrl.u32 v62, $0xE  }
0x6e: {  	v0 =	vand.u32 $0x3FFF, v0  }
0x6f: {  	[tilespmem:$0x1F280] =	vst v0  }
0x70: {  	v0 =	vld [tilespmem:s4+$0x13D10];
	_ =	sdelay $0x4  }
0x71: {  	v0 =	vshrl.u32 v0, $0xE  }
0x72: {  	v0 =	vand.u32 $0x3FFF, v0  }
0x73: {  	[tilespmem:$0x1F290] =	vst v0  }
0x74: {  	v0 =	vld [tilespmem:s4+$0x13D20];
	_ =	sdelay $0x4  }
0x75: {  	v0 =	vshrl.u32 v0, $0xE  }
0x76: {  	v0 =	vand.u32 $0x3FFF, v0  }
0x77: {  	[tilespmem:$0x1F2A0] =	vst v0  }
0x78: {  	v0 =	vld [tilespmem:s4+$0x13D30];
	_ =	sdelay $0x4  }
0x79: {  	v0 =	vshrl.u32 v0, $0xE  }
0x7a: {  	v0 =	vand.u32 $0x3FFF, v0  }
0x7b: {  	[tilespmem:$0x1F2B0] =	vst v0  }
0x7c: {  	[spmem:s3] =	stream.indirect.scatter.add.f32 [tilespmem:s19], [sflag:$0x5], $0x80, s25, s15, $0xb8;
	[tilespmem:$0x1F380] =	vst v63  }
0x7d: {  	_ =	swait.ge [sflag:s26], $0x2000  }
0x7e: {  	p1 =	seq.s32 s0, $0x13E00;
	[sflag:s26] =	ssyncset.done $0x0  }
0x7f: {  	s13 =	sshra.s32 @!p1 s0, $0x2;
	[sflag:s26] =	ssyncadd.s32 $0xFFFFE000  }
0x80: {  	v0 =	vld @!p1 [tilespmem:s13+$0x13E00];
	_ =	sdelay $0x4  }
0x81: {  	v0 =	vand.u32 @!p1 $0x3FFF, v0  }
0x82: {  	[tilespmem:$0x1F080] =	vst @!p1 v0  }
0x83: {  	v0 =	vld @!p1 [tilespmem:s13+$0x13E10];
	_ =	sdelay $0x4  }
0x84: {  	v0 =	vand.u32 @!p1 $0x3FFF, v0  }
0x85: {  	[tilespmem:$0x1F090] =	vst @!p1 v0  }
0x86: {  	v0 =	vld @!p1 [tilespmem:s13+$0x13E20];
	_ =	sdelay $0x4  }
0x87: {  	v0 =	vand.u32 @!p1 $0x3FFF, v0  }
0x88: {  	[tilespmem:$0x1F0A0] =	vst @!p1 v0  }
0x89: {  	v0 =	vld @!p1 [tilespmem:s13+$0x13E30];
	_ =	sdelay $0x4  }
0x8a: {  	v0 =	vand.u32 @!p1 $0x3FFF, v0  }
0x8b: {  	s16 =	simm.s32 @!p1 $0x1F080;
	s6 =	simm.s32 @!p1 $0x19080;
	s13 =	simm.s32 @!p1 $0x40;
	[tilespmem:$0x1F0B0] =	vst @!p1 v0  }
0x8c: {  	[tilespmem:s6], [sflag:$0x1] =	stream.indirect.gather @!p1 [hbm4b:s1+s13], $0x80, s16, s13, $0xb8;
	[tilespmem:$0x1F380] =	vst v63  }
0x8d: {  	_ =	swait.ge [sflag:s28], $0x2000  }
0x8e: {  	[sflag:s28] =	ssyncset.done $0x0  }
0x8f: {  	[sflag:s28] =	ssyncadd.s32 $0xFFFFE000  }
0x90: {  	v63 =	vld [tilespmem:s4+$0x13D80];
	_ =	sdelay $0x4  }
0x91: {  	v0 =	vshrl.u32 v63, $0xE  }
0x92: {  	v0 =	vand.u32 $0x3FFF, v0  }
0x93: {  	[tilespmem:$0x1F300] =	vst v0  }
0x94: {  	v0 =	vld [tilespmem:s4+$0x13D90];
	_ =	sdelay $0x4  }
0x95: {  	v0 =	vshrl.u32 v0, $0xE  }
0x96: {  	v0 =	vand.u32 $0x3FFF, v0  }
0x97: {  	[tilespmem:$0x1F310] =	vst v0  }
0x98: {  	v0 =	vld [tilespmem:s4+$0x13DA0];
	_ =	sdelay $0x4  }
0x99: {  	v0 =	vshrl.u32 v0, $0xE  }
0x9a: {  	v0 =	vand.u32 $0x3FFF, v0  }
0x9b: {  	[tilespmem:$0x1F320] =	vst v0  }
0x9c: {  	v0 =	vld [tilespmem:s4+$0x13DB0];
	_ =	sdelay $0x4  }
0x9d: {  	v0 =	vshrl.u32 v0, $0xE  }
0x9e: {  	v0 =	vand.u32 $0x3FFF, v0  }
.Ltmp2:
0x9f: {  	[tilespmem:$0x1F330] =	vst v0;
	(pc) =	sbr.rel @p1 .LBB2_4-.Ltmp2, $4  }
0xa0: {  	[spmem:s3] =	stream.indirect.scatter.add.f32 [tilespmem:s23], [sflag:$0x6], $0x80, s29, s15, $0xb8;
	[tilespmem:$0x1F380] =	vst v63  }
0xa1: {  	_ =	swait.ge [sflag:s30], $0x2000  }
0xa2: {  	[sflag:s30] =	ssyncset.done $0x0  }
0xa3: {  	[sflag:s30] =	ssyncadd.s32 $0xFFFFE000  }
0xa4: {  	v0 =	vld [tilespmem:s4+$0x13E80];
	_ =	sdelay $0x4  }
0xa5: {  	v0 =	vand.u32 $0x3FFF, v0  }
0xa6: {  	[tilespmem:$0x1F100] =	vst v0  }
0xa7: {  	v0 =	vld [tilespmem:s4+$0x13E90];
	_ =	sdelay $0x4  }
0xa8: {  	v0 =	vand.u32 $0x3FFF, v0  }
0xa9: {  	[tilespmem:$0x1F110] =	vst v0  }
0xaa: {  	v0 =	vld [tilespmem:s4+$0x13EA0];
	_ =	sdelay $0x4  }
0xab: {  	v0 =	vand.u32 $0x3FFF, v0  }
0xac: {  	[tilespmem:$0x1F120] =	vst v0  }
0xad: {  	v0 =	vld [tilespmem:s4+$0x13EB0];
	_ =	sdelay $0x2  }
.Ltmp3:
0xae: {  	_ = 	snop;
	(pc) =	sbr.rel .LBB2_2-.Ltmp3, $4  }
0xaf: {  	_ = 	snop  }
0xb0: {  	v0 =	vand.u32 $0x3FFF, v0  }
0xb1: {  	s0 =	sadd.s32 $0x600, s0;
	[tilespmem:$0x1F130] =	vst v0  }
0xb2: {  	[tilespmem:s19], [sflag:$0x2] =	stream.indirect.gather [hbm4b:s1+s15], $0x80, s18, s15, $0xb8;
	[tilespmem:$0x1F380] =	vst v63  }
.LBB2_5:
0xb3: {  	_ =	sfence.sel $0x180000  }
0xb4: {  	[bflag:$0x0] =	sbarrier.arrive $0xFFFF  }
0xb5: {  	_ =	strace $0x9000004A  }
0xb6: {  	s0 =	stileid.u32;
	[bflag:$0x2] =	sbarrier.arrive $0xFFFF  }
0xb7: {  	p0 =	sne.s32 s0, $0x0;
	s0 =	rddreg [dreg:$0x3]  }
0xb8: {  	s0 =	sadd.s32 @!p0 $0x100000, s0  }
0xb9: {  	[sflag:s0] =	ssyncadd.tile.s32 @!p0 $0x1;
	_ =	shalt  }
.Lfunc_end2:
_tile_overlayer_lowered:
.L_overlay_start_2:
0xba: {  	(tag) =	ssettag $0x2  }
0xbb: {  	s0 =	rddreg [dreg:$0x0];
	s2 =	stileid.u32  }
0xbc: {  	s1 =	rddreg [dreg:$0x1];
	p0 =	sne.s32 s2, $0x0  }
0xbd: {  	s3 =	rddreg [dreg:$0x2];
	[bflag:$0x3] =	sbarrier.arrive $0xFFFF;
	s2 =	simm.s32 @!p0 $0x1C07  }
0xbe: {  	[timem:s3], [sflag:s2] =	dma.local @!p0 [hbm:s0], s1  }
0xbf: {  	s0 =	simm.s32 @!p0 $0x7  }
0xc0: {  	_ =	swait.ge @!p0 [sflag:s0], s1  }
0xc1: {  	s1 =	ssub.s32 @!p0 $0x0, s1;
	[sflag:s0] =	ssyncset.done @!p0 $0x0  }
0xc2: {  	[sflag:s0] =	ssyncadd.s32 @!p0 s1  }
0xc3: {  	[bflag:$0x3] =	sbarrier.arrive $0xFFFF  }
0xc4: {  	_ =	shalt  }

// kernel: kernel.15.cloned.1.call-start
scs
__scs_entry_jumppad:
0x0: {  	(pc) =	sbr.rel $0x88, $3  }
0x1: {  	(tag) =	ssettag $0x0;
	lr =	simm.s32 $0x1  }
0x2: {  	[smem:$0x3F9B] =	sst lr;
	_ =	strace $0xD0000000  }
0x3: {  	_ = 	snop  }
0x4: {  	_ = 	snop  }
0x5: {  	_ = 	snop  }
0x6: {  	_ = 	snop  }
0x7: {  	_ = 	snop  }
__scs_overlays_trampoline_lowered:
0x8: {  	[smem:$0x3FAA] =	sst s0  }
0x9: {  	[smem:$0x3FAB] =	sst s1  }
0xa: {  	[smem:$0x3FAC] =	sst s2  }
0xb: {  	[smem:$0x3FAD] =	sst s3  }
0xc: {  	[smem:$0x3FAE] =	sst s4  }
0xd: {  	[smem:$0x3FAF] =	sst s5  }
0xe: {  	[smem:$0x3FB0] =	sst s6  }
0xf: {  	[smem:$0x3FB1] =	sst s7  }
0x10: {  	[smem:$0x3FB2] =	sst s8  }
0x11: {  	[smem:$0x3FB3] =	sst s9;
	s0 =	simm.s32 @!p0 $0x0  }
0x12: {  	s1 =	sld [smem:$0x3F99];
	s0 =	simm.s32 @p0 $0x1  }
0x13: {  	[smem:$0x3FB4] =	sst s0;
	s0 =	simm.s32 @!p1 $0x0  }
0x14: {  	s2 =	sld [smem:$0x3F98];
	s0 =	simm.s32 @p1 $0x1  }
0x15: {  	[smem:$0x3FB5] =	sst s0;
	s0 =	simm.s32 @!p2 $0x0  }
0x16: {  	s3 =	sld [smem:$0x3FDB];
	s0 =	simm.s32 @p2 $0x1  }
0x17: {  	s4 =	simm.s32 $0x1BF5;
	[smem:$0x3FB7] =	sst s0  }
0x18: {  	s0 =	sld [smem:$0x3F9A];
	_ =	swait.ge [sflag:s4], $0x0  }
0x19: {  	s7 =	sld [smem:$0x3F9B]  }
0x1a: {  	s8 =	sadd.s32 $0xFFFFE003, lr  }
0x1b: {  	s9 =	sadd.s32 $0xFFFFFEF7, lr;
	s5 =	simm.s32 $0xFFFFFFFF;
	p2 =	slt.u32 s8, $0xFFFFF086  }
0x1c: {  	p1 =	slt.u32 s9, $0xF7A;
	s5 =	simm.s32 @!p2 $0x0  }
0x1d: {  	s5 =	simm.s32 @p1 $0x1;
	p0 =	seq.s32 s7, s2  }
0x1e: {  	s7 =	smul.u32 @!p0 $0xF7A, s2;
	p2 =	seq.s32 @!p0 s5, $0x0  }
0x1f: {  	s9 =	smul.u32 $0xF7A, s1;
	s8 =	simm.s32 @!p0 $0x1BF5;
	p2 =	por !p2, p0  }
0x20: {  	[sflag:s8] =	ssyncset.s32 @!p0 $0xFFFFF086;
	s6 =	sadd.s32 @!p0 s3, s7;
	s7 =	simm.s32 @!p0 $0x108  }
0x21: {  	s3 =	sadd.s32 s3, s9;
	s6 =	sadd.s32 @!p0 $0x88, s6;
	s7 =	simm.s32 @p2 $0x1082  }
0x22: {  	[simem:s7], [sflag:s8] =	dma.local @!p0 [hbm:s6], $0xF7A  }
0x23: {  	s9 =	sor.u32 $0xD0000000, s2;
	s6 =	simm.s32 $0x108;
	_ =	swait.ge @!p0 [sflag:s8], $0x0  }
0x24: {  	s3 =	sadd.s32 $0x88, s3;
	s6 =	simm.s32 @!p1 $0x1082;
	[sflag:s4] =	ssyncset.s32 $0xFFFFF086  }
0x25: {  	[simem:s6], [sflag:s4] =	dma.local [hbm:s3], $0xF7A  }
0x26: {  	[smem:$0x3F9B] =	sst s1;
	(tag) =	ssettag s2;
	_ =	strace s9  }
0x27: {  	s1 =	sld [smem:$0x3FAB]  }
0x28: {  	s2 =	sld [smem:$0x3FAC]  }
0x29: {  	s4 =	sld [smem:$0x3FAE]  }
0x2a: {  	p0 =	seq.s32 s5, $0x0;
	s5 =	sld [smem:$0x3FAF]  }
0x2b: {  	s6 =	sld [smem:$0x3FB0]  }
0x2c: {  	s7 =	sld [smem:$0x3FB1]  }
0x2d: {  	s3 =	simm.s32 $0x108;
	s8 =	sld [smem:$0x3FB2]  }
0x2e: {  	s3 =	simm.s32 @!p0 $0x1082;
	s9 =	sld [smem:$0x3FB3]  }
0x2f: {  	lr =	sadd.s32 s0, s3;
	s0 =	sld [smem:$0x3FAA]  }
0x30: {  	s3 =	sld [smem:$0x3FAD]  }
0x31: {  	[smem:$0x3FB6] =	sst s10  }
0x32: {  	s10 =	sld [smem:$0x3FB4];
	_ =	sdelay $0x3  }
0x33: {  	p0 =	seq.s32 s10, $0x1;
	s10 =	sld [smem:$0x3FB6];
	_ =	sdelay $0x3  }
0x34: {  	[smem:$0x3FB6] =	sst s10  }
0x35: {  	s10 =	sld [smem:$0x3FB5];
	_ =	sdelay $0x3  }
0x36: {  	p1 =	seq.s32 s10, $0x1;
	s10 =	sld [smem:$0x3FB6];
	_ =	sdelay $0x3  }
0x37: {  	[smem:$0x3FB6] =	sst s10  }
0x38: {  	s10 =	sld [smem:$0x3FB7]  }
0x39: {  	_ = 	snop;
	(pc) =	sbr.ind lr, $3  }
0x3a: {  	_ = 	snop  }
0x3b: {  	_ = 	snop  }
0x3c: {  	p2 =	seq.s32 s10, $0x1;
	s10 =	sld [smem:$0x3FB6]  }
0x3d: {  	_ =	shalt  }
0x3e: {  	_ =	shalt  }
0x3f: {  	_ =	shalt  }
0x40: {  	_ =	shalt  }
0x41: {  	_ =	shalt  }
0x42: {  	_ =	shalt  }
0x43: {  	_ =	shalt  }
0x44: {  	_ =	shalt  }
0x45: {  	_ =	shalt  }
0x46: {  	_ =	shalt  }
0x47: {  	_ =	shalt  }
0x48: {  	_ =	shalt  }
0x49: {  	_ =	shalt  }
0x4a: {  	_ =	shalt  }
0x4b: {  	_ =	shalt  }
0x4c: {  	_ =	shalt  }
0x4d: {  	_ =	shalt  }
0x4e: {  	_ =	shalt  }
0x4f: {  	_ =	shalt  }
0x50: {  	_ =	shalt  }
0x51: {  	_ =	shalt  }
0x52: {  	_ =	shalt  }
0x53: {  	_ =	shalt  }
0x54: {  	_ =	shalt  }
0x55: {  	_ =	shalt  }
0x56: {  	_ =	shalt  }
0x57: {  	_ =	shalt  }
0x58: {  	_ =	shalt  }
0x59: {  	_ =	shalt  }
0x5a: {  	_ =	shalt  }
0x5b: {  	_ =	shalt  }
0x5c: {  	_ =	shalt  }
0x5d: {  	_ =	shalt  }
0x5e: {  	_ =	shalt  }
0x5f: {  	_ =	shalt  }
0x60: {  	_ =	shalt  }
0x61: {  	_ =	shalt  }
0x62: {  	_ =	shalt  }
0x63: {  	_ =	shalt  }
0x64: {  	_ =	shalt  }
0x65: {  	_ =	shalt  }
0x66: {  	_ =	shalt  }
0x67: {  	_ =	shalt  }
0x68: {  	_ =	shalt  }
0x69: {  	_ =	shalt  }
0x6a: {  	_ =	shalt  }
0x6b: {  	_ =	shalt  }
0x6c: {  	_ =	shalt  }
0x6d: {  	_ =	shalt  }
0x6e: {  	_ =	shalt  }
0x6f: {  	_ =	shalt  }
0x70: {  	_ =	shalt  }
0x71: {  	_ =	shalt  }
0x72: {  	_ =	shalt  }
0x73: {  	_ =	shalt  }
0x74: {  	_ =	shalt  }
0x75: {  	_ =	shalt  }
0x76: {  	_ =	shalt  }
0x77: {  	_ =	shalt  }
0x78: {  	_ =	shalt  }
0x79: {  	_ =	shalt  }
0x7a: {  	_ =	shalt  }
0x7b: {  	_ =	shalt  }
0x7c: {  	_ =	shalt  }
0x7d: {  	_ =	shalt  }
0x7e: {  	_ =	shalt  }
0x7f: {  	_ =	shalt  }
0x80: {  	_ =	shalt  }
0x81: {  	_ =	shalt  }
0x82: {  	_ =	shalt  }
0x83: {  	_ =	shalt  }
0x84: {  	_ =	shalt  }
0x85: {  	_ =	shalt  }
0x86: {  	_ =	shalt  }
0x87: {  	_ =	shalt  }
.Lfunc_end0:
.L_simem_size_0:
called_computation.2_lowered:
.L_overlay_start_0:
0x88: {  	s2 =	sld [smem:$0x3FD9]  }
0x89: {  	s3 =	sld [smem:$0x3FFE];
	_ =	sdelay $0x1  }
0x8a: {  	s1 =	srdreg.scid  }
0x8b: {  	s0 =	sand.u32 $0x1, s1  }
0x8c: {  	s17 =	sshll.u32 s0, $0xA;
	s2 =	sadd.s32 s3, s2  }
0x8d: {  	s2 =	sadd.s32 s2, s17  }
0x8e: {  	[smem:$0x3FC2] =	sst s2  }
0x8f: {  	_ = 	snop  }
0x90: {  	s2 =	sld [smem:$0x3FD0];
	(tm) =	ssettm $0x1  }
0x91: {  	s18 =	sld [smem:$0x3FFB];
	_ =	sdelay $0x3  }
0x92: {  	_ =	strace s18  }
0x93: {  	s3 =	sld [smem:$0x3FFC];
	_ =	sdelay $0x3  }
0x94: {  	_ =	strace s3  }
0x95: {  	s3 =	sld [smem:$0x3FFD];
	_ =	sdelay $0x3  }
0x96: {  	_ =	strace s3  }
0x97: {  	_ =	strace $0x8FFFFFFF  }
0x98: {  	s19 =	sld [smem:$0x3FDB];
	_ =	sdelay $0x1  }
0x99: {  	s4 =	simm.s32 $_scs_section_size  }
0x9a: {  	s5 =	simm.s32 $_size__tile_overlayer_lowered;
	s6 =	simm.s32 $_tile_overlayer_lowered  }
0x9b: {  	s22 =	simm.s32 $0x1BFF;
	s21 =	sshll.u32 s6, $0x1;
	s3 =	sadd.s32 s4, s19  }
0x9c: {  	s7 =	simm.s32 $0x0;
	s20 =	sshll.u32 s5, $0x1;
	s5 =	sadd.s32 s21, s3  }
0x9d: {  	[timem:s7], [sflag:s22] =	dma.local [hbm:s5], s20  }
0x9e: {  	_ =	swait.ge [sflag:s22], s20  }
0x9f: {  	s4 =	ssub.s32 $0x0, s20;
	[sflag:s22] =	ssyncset.done $0x0  }
0xa0: {  	[sflag:s22] =	ssyncadd.s32 s4;
	_ =	sdelay $0x1  }
0xa1: {  	s23 =	simm.s32 $0x1B8B  }
0xa2: {  	_ =	swait.ge [sflag:s23], $0x1  }
0xa3: {  	[sflag:s23] =	ssyncset.done $0x0  }
0xa4: {  	s25 =	simm.s32 $0x1B8E;
	s24 =	sld [smem:$0x3FFE];
	[sflag:s23] =	ssyncadd.s32 $0xFFFFFFFF  }
0xa5: {  	s26 =	simm.s32 $execute0_lowered;
	[smem:$0x3FD2] =	sst s25  }
0xa6: {  	s5 =	sshll.u32 s26, $0x1;
	_ =	strace $0x8000004C;
	[dreg:$0x1] =	wrdreg $0xFFFFFFFF  }
0xa7: {  	s28 =	simm.s32 $_size_execute0_lowered;
	s3 =	sadd.s32 s3, s5;
	[dreg:$0x0] =	wrdreg $0x0  }
0xa8: {  	s5 =	sshll.u32 s28, $0x1;
	[dreg:$0x2] =	wrdreg s3  }
0xa9: {  	[dreg:$0x3] =	wrdreg s5  }
0xaa: {  	[dreg:$0x4] =	wrdreg $0xC0  }
0xab: {  	_ =	task [dreg:s7], $0x5FFFF  }
0xac: {  	[dreg:$0x1] =	wrdreg $0xFFFFFFFF  }
0xad: {  	[dreg:$0x0] =	wrdreg $0x60  }
0xae: {  	[dreg:$0x2] =	wrdreg s2  }
0xaf: {  	[dreg:$0x3] =	wrdreg s24  }
0xb0: {  	[dreg:$0x4] =	wrdreg $0x0  }
0xb1: {  	[dreg:$0x5] =	wrdreg $0x9  }
0xb2: {  	_ =	task.clear_ibuf [dreg:s7], $0x6FFFF;
	_ =	strace $0x9000004C  }
0xb3: {  	s29 =	simm.s32 $0x9;
	_ =	strace $0x8000004E  }
0xb4: {  	_ =	swait.ge [sflag:s29], $0x1  }
0xb5: {  	[sflag:s29] =	ssyncadd.s32 $0xFFFFFFFF  }
0xb6: {  	_ =	strace $0x9000004E  }
0xb7: {  	_ =	sfence  }
0xb8: {  	s30 =	sld [smem:$0x0];
	_ =	sdelay $0x2  }
0xb9: {  	s31 =	sshll.u32 s1, $0xD;
	s1 =	sshrl.u32 s1, $0x2  }
0xba: {  	s3 =	sand.u32 $0x4000, s31;
	s1 =	sadd.s32 s1, s30  }
0xbb: {  	s0 =	sor.u32 s3, s0;
	s1 =	sshll.u32 s1, $0x11  }
0xbc: {  	s0 =	sor.u32 s1, s0  }
0xbd: {  	s0 =	sadd.s32 $0x8F2B, s0  }
0xbe: {  	[sflag:s0] =	ssyncadd.remote.s32 $0x1  }
0xbf: {  	_ =	sfence.sel $0xFFFF  }
0xc0: {  	[dreg:$0x0] =	wrdreg $0xFFFFFFFF;
	(pc) =	sbr.abs _section_cstart, $3  }
0xc1: {  	[dreg:$0x1] =	wrdreg $0xFFFFFFFF  }
0xc2: {  	_ =	task.clear_ibuf [dreg:s7], $0x2FFFF;
	_ =	strace $0x9FFFFFFF  }
0xc3: {  	(tm) =	ssettm $0x7FFFFFFF  }
tec
execute0_lowered:
.L_overlay_start_1:
0x0: {  	(tag) =	ssettag $0x1  }
0x1: {  	s1 =	rddreg [dreg:$0x0]  }
0x2: {  	s0 =	srdreg.scid;
	s2 =	rddreg [dreg:$0x1]  }
0x3: {  	s13 =	stileid.u32;
	s3 =	rddreg [dreg:$0x2]  }
0x4: {  	s5 =	simm.s32 $0x0;
	s14 =	simm.s32 $0x7;
	s15 =	simm.s32 $0x40  }
0x5: {  	s17 =	simm.s32 $0x19080;
	s18 =	simm.s32 $0x1F100;
	s19 =	simm.s32 $0x1B080  }
0x6: {  	s20 =	simm.s32 $0x1;
	s21 =	simm.s32 $0x1F200;
	s22 =	simm.s32 $0x1F180  }
0x7: {  	s23 =	simm.s32 $0x1D080;
	s24 =	simm.s32 $0x2;
	s28 =	simm.s32 $0x3  }
0x8: {  	s29 =	simm.s32 $0x1F300;
	s30 =	simm.s32 $0x5;
	s31 =	simm.s32 $0x6  }
0x9: {  	s0 =	sand.u32 $0x1, s0;
	[smem:$0x7FF] =	sst s5;
	s6 =	smul.u32 $0x4F000, s13  }
0xa: {  	s5 =	sadd.s32 $0x2A00, s2;
	s9 =	smul.u32 $0x13C00, s13;
	s11 =	sadd.s32 $0x128400, s3  }
0xb: {  	p0 =	seq.s32 s13, $0xF;
	s4 =	sshll.u32 s0, $0x4;
	_ =	strace $0x8000004D  }
0xc: {  	s7 =	ssub.s32 $0x2, s0;
	s0 =	smul.u32 $0x138800, s0;
	s4 =	sor.u32 s13, s4  }
0xd: {  	s8 =	sshrl.u32 s7, $0x1;
	s6 =	sshrl.u32 s6, $0x2;
	s4 =	smul.u32 $0xA80, s4  }
0xe: {  	s10 =	ssub.s32 s7, s8;
	s12 =	sadd.s32 s6, s3;
	s25 =	sadd.s32 s9, s0  }
0xf: {  	s0 =	sshrl.u32 s0, $0x3;
	s26 =	sshrl.u32 s25, $0x3;
	s9 =	smax.u32 s10, $0x1  }
.Ltmp0:
0x10: {  	s10 =	sshrl.u32 @p0 s11, $0x3;
	s12 =	sshrl.u32 @!p0 s12, $0x3;
	(pc) =	sbr.rel .LBB2_1-.Ltmp0, $4  }
0x11: {  	s25 =	simm.s32 $0x1F280;
	s4 =	sadd.s32 s4, s2;
	s2 =	sadd.s32 $0x68400, s2  }
0x12: {  	s4 =	sadd.s32 $0x53400, s4;
	s0 =	sadd.s32 s2, s0;
	s7 =	sadd.s32 s2, s26  }
0x13: {  	s26 =	simm.s32 $0x4;
	s8 =	sadd.s32 $0x25080, s0;
	s0 =	sshll.u32 @!p0 s13, $0x6  }
0x14: {  	s2 =	simm.s32 $0x0;
	[dreg:$0x4] =	wrdreg s4;
	s11 =	sor.u32 @!p0 $0x1C07, s0  }
.LBB2_4:
0x15: {  	_ =	swait.ge [sflag:s31], $0x2000  }
0x16: {  	[sflag:s31] =	ssyncset.done $0x0  }
0x17: {  	[sflag:s31] =	ssyncadd.s32 $0xFFFFE000  }
0x18: {  	s0 =	simm.s32 @p0 $0x1FC7;
	[bflag:$0x0] =	sbarrier.arrive $0xFFFF  }
0x19: {  	[hbm:s8], [sflag:s0] =	dma.local @p0 [spmem:s10], $0x2080  }
0x1a: {  	s0 =	simm.s32 @p0 $0x7  }
0x1b: {  	s2 =	sadd.s32 $0x1, s2;
	_ =	swait.ge @p0 [sflag:s0], $0x2080  }
0x1c: {  	p1 =	sne.s32 s2, s9;
	[sflag:s0] =	ssyncset.done @p0 $0x0  }
.Ltmp1:
0x1d: {  	[sflag:s0] =	ssyncadd.s32 @p0 $0xFFFFDF80;
	s0 =	simm.s32 @!p0 $0x7;
	(pc) =	sbr.rel @!p1 .LBB2_5-.Ltmp1, $4  }
0x1e: {  	[hbm:s7], [sflag:s11] =	dma.local @!p0 [spmem:s12], $0x2780  }
0x1f: {  	_ =	swait.ge @!p0 [sflag:s0], $0x2780  }
0x20: {  	[sflag:s0] =	ssyncset.done @!p0 $0x0  }
0x21: {  	[sflag:s0] =	ssyncadd.s32 @!p0 $0xFFFFD880  }
.LBB2_1:
0x22: {  	s0 =	simm.s32 @p0 $0x1FC7  }
0x23: {  	[spmem:s10], [sflag:s0] =	dma.local @p0 [hbm:s5], $0x2080  }
0x24: {  	s0 =	simm.s32 @p0 $0x7  }
0x25: {  	_ =	swait.ge @p0 [sflag:s0], $0x2080  }
0x26: {  	[sflag:s0] =	ssyncset.done @p0 $0x0  }
0x27: {  	[sflag:s0] =	ssyncadd.s32 @p0 $0xFFFFDF80;
	s0 =	simm.s32 @!p0 $0x7  }
0x28: {  	[spmem:s12], [sflag:s11] =	dma.local @!p0 [hbm:s5], $0x2780  }
0x29: {  	_ =	swait.ge @!p0 [sflag:s0], $0x2780  }
0x2a: {  	s13 =	simm.s32 $0x0;
	[sflag:s0] =	ssyncset.done @!p0 $0x0  }
0x2b: {  	s6 =	simm.s32 $0x13C80;
	s4 =	rddreg [dreg:$0x4];
	[sflag:s0] =	ssyncadd.s32 @!p0 $0xFFFFD880  }
0x2c: {  	[tilespmem:s6], [sflag:$0x7] =	stream.linear.gather [hbm4b:s4+s13], $0x5100, $0x38;
	[tilespmem:$0x1F380] =	vst v63  }
0x2d: {  	_ =	swait.ge [sflag:s14], $0x5100  }
0x2e: {  	[sflag:s14] =	ssyncset.done $0x0  }
0x2f: {  	[sflag:s14] =	ssyncadd.s32 $0xFFFFAF00  }
0x30: {  	[bflag:$0x0] =	sbarrier.arrive $0xFFFF  }
0x31: {  	v0 =	vld [tilespmem:$0x13C80]  }
0x32: {  	v1 =	vld [tilespmem:$0x13C90]  }
0x33: {  	v2 =	vld [tilespmem:$0x13CA0]  }
0x34: {  	v3 =	vld [tilespmem:$0x13CB0];
	_ =	sdelay $0x1  }
0x35: {  	v0 =	vand.u32 $0x3FFF, v0  }
0x36: {  	v54 =	vand.u32 $0x3FFF, v1;
	[tilespmem:$0x1F080] =	vst v0  }
0x37: {  	v55 =	vand.u32 $0x3FFF, v2;
	[tilespmem:$0x1F090] =	vst v54  }
0x38: {  	v56 =	vand.u32 $0x3FFF, v3;
	[tilespmem:$0x1F0A0] =	vst v55  }
0x39: {  	s16 =	simm.s32 $0x1F080;
	[tilespmem:$0x1F0B0] =	vst v56  }
0x3a: {  	[tilespmem:s17], [sflag:$0x1] =	stream.indirect.gather [hbm4b:s1+s15], $0x80, s16, s15, $0xb8;
	[tilespmem:$0x1F380] =	vst v63  }
0x3b: {  	v57 =	vld [tilespmem:$0x13D00]  }
0x3c: {  	v58 =	vld [tilespmem:$0x13D10]  }
0x3d: {  	v59 =	vld [tilespmem:$0x13D20]  }
0x3e: {  	v60 =	vld [tilespmem:$0x13D30];
	_ =	sdelay $0x1  }
0x3f: {  	v0 =	vand.u32 $0x3FFF, v57  }
0x40: {  	v61 =	vand.u32 $0x3FFF, v58;
	[tilespmem:$0x1F100] =	vst v0  }
0x41: {  	v62 =	vand.u32 $0x3FFF, v59;
	[tilespmem:$0x1F110] =	vst v61  }
0x42: {  	v63 =	vand.u32 $0x3FFF, v60;
	[tilespmem:$0x1F120] =	vst v62  }
0x43: {  	s0 =	simm.s32 $0x0;
	[tilespmem:$0x1F130] =	vst v63  }
0x44: {  	[tilespmem:s19], [sflag:$0x2] =	stream.indirect.gather [hbm4b:s1+s15], $0x80, s18, s15, $0xb8;
	[tilespmem:$0x1F380] =	vst v63  }
.LBB2_2:
0x45: {  	_ =	swait.ge [sflag:s20], $0x2000  }
0x46: {  	[sflag:s20] =	ssyncset.done $0x0  }
0x47: {  	s4 =	sshra.s32 s0, $0x2;
	[sflag:s20] =	ssyncadd.s32 $0xFFFFE000  }
0x48: {  	v0 =	vld [tilespmem:s4+$0x13C80];
	_ =	sdelay $0x4  }
0x49: {  	v0 =	vshrl.u32 v0, $0xE  }
0x4a: {  	v0 =	vand.u32 $0x3FFF, v0  }
0x4b: {  	[tilespmem:$0x1F200] =	vst v0  }
0x4c: {  	v0 =	vld [tilespmem:s4+$0x13C90];
	_ =	sdelay $0x4  }
0x4d: {  	v0 =	vshrl.u32 v0, $0xE  }
0x4e: {  	v0 =	vand.u32 $0x3FFF, v0  }
0x4f: {  	[tilespmem:$0x1F210] =	vst v0  }
0x50: {  	v0 =	vld [tilespmem:s4+$0x13CA0];
	_ =	sdelay $0x4  }
0x51: {  	v0 =	vshrl.u32 v0, $0xE  }
0x52: {  	v0 =	vand.u32 $0x3FFF, v0  }
0x53: {  	[tilespmem:$0x1F220] =	vst v0  }
0x54: {  	v0 =	vld [tilespmem:s4+$0x13CB0];
	_ =	sdelay $0x4  }
0x55: {  	v0 =	vshrl.u32 v0, $0xE  }
0x56: {  	p1 =	seq.s32 s0, $0x0;
	v0 =	vand.u32 $0x3FFF, v0  }
0x57: {  	s13 =	simm.s32 @!p1 $0x6;
	[tilespmem:$0x1F230] =	vst v0  }
0x58: {  	[spmem:s3] =	stream.indirect.scatter.add.f32 [tilespmem:s17], [sflag:$0x4], $0x80, s21, s15, $0xb8;
	[tilespmem:$0x1F380] =	vst v63  }
0x59: {  	_ =	swait.ge @!p1 [sflag:s13], $0x2000  }
0x5a: {  	[sflag:s13] =	ssyncset.done @!p1 $0x0  }
0x5b: {  	[sflag:s13] =	ssyncadd.s32 @!p1 $0xFFFFE000  }
0x5c: {  	v61 =	vld [tilespmem:s4+$0x13D80];
	_ =	sdelay $0x4  }
0x5d: {  	v0 =	vand.u32 $0x3FFF, v61  }
0x5e: {  	[tilespmem:$0x1F180] =	vst v0  }
0x5f: {  	v0 =	vld [tilespmem:s4+$0x13D90];
	_ =	sdelay $0x4  }
0x60: {  	v0 =	vand.u32 $0x3FFF, v0  }
0x61: {  	[tilespmem:$0x1F190] =	vst v0  }
0x62: {  	v0 =	vld [tilespmem:s4+$0x13DA0];
	_ =	sdelay $0x4  }
0x63: {  	v0 =	vand.u32 $0x3FFF, v0  }
0x64: {  	[tilespmem:$0x1F1A0] =	vst v0  }
0x65: {  	v0 =	vld [tilespmem:s4+$0x13DB0];
	_ =	sdelay $0x4  }
0x66: {  	v0 =	vand.u32 $0x3FFF, v0  }
0x67: {  	[tilespmem:$0x1F1B0] =	vst v0  }
0x68: {  	[tilespmem:s23], [sflag:$0x3] =	stream.indirect.gather [hbm4b:s1+s15], $0x80, s22, s15, $0xb8;
	[tilespmem:$0x1F380] =	vst v63  }
0x69: {  	_ =	swait.ge [sflag:s24], $0x2000  }
0x6a: {  	[sflag:s24] =	ssyncset.done $0x0  }
0x6b: {  	[sflag:s24] =	ssyncadd.s32 $0xFFFFE000  }
0x6c: {  	v62 =	vld [tilespmem:s4+$0x13D00];
	_ =	sdelay $0x4  }
0x6d: {  	v0 =	vshrl.u32 v62, $0xE  }
0x6e: {  	v0 =	vand.u32 $0x3FFF, v0  }
0x6f: {  	[tilespmem:$0x1F280] =	vst v0  }
0x70: {  	v0 =	vld [tilespmem:s4+$0x13D10];
	_ =	sdelay $0x4  }
0x71: {  	v0 =	vshrl.u32 v0, $0xE  }
0x72: {  	v0 =	vand.u32 $0x3FFF, v0  }
0x73: {  	[tilespmem:$0x1F290] =	vst v0  }
0x74: {  	v0 =	vld [tilespmem:s4+$0x13D20];
	_ =	sdelay $0x4  }
0x75: {  	v0 =	vshrl.u32 v0, $0xE  }
0x76: {  	v0 =	vand.u32 $0x3FFF, v0  }
0x77: {  	[tilespmem:$0x1F2A0] =	vst v0  }
0x78: {  	v0 =	vld [tilespmem:s4+$0x13D30];
	_ =	sdelay $0x4  }
0x79: {  	v0 =	vshrl.u32 v0, $0xE  }
0x7a: {  	v0 =	vand.u32 $0x3FFF, v0  }
0x7b: {  	[tilespmem:$0x1F2B0] =	vst v0  }
0x7c: {  	[spmem:s3] =	stream.indirect.scatter.add.f32 [tilespmem:s19], [sflag:$0x5], $0x80, s25, s15, $0xb8;
	[tilespmem:$0x1F380] =	vst v63  }
0x7d: {  	_ =	swait.ge [sflag:s26], $0x2000  }
0x7e: {  	p1 =	seq.s32 s0, $0x13E00;
	[sflag:s26] =	ssyncset.done $0x0  }
0x7f: {  	s13 =	sshra.s32 @!p1 s0, $0x2;
	[sflag:s26] =	ssyncadd.s32 $0xFFFFE000  }
0x80: {  	v0 =	vld @!p1 [tilespmem:s13+$0x13E00];
	_ =	sdelay $0x4  }
0x81: {  	v0 =	vand.u32 @!p1 $0x3FFF, v0  }
0x82: {  	[tilespmem:$0x1F080] =	vst @!p1 v0  }
0x83: {  	v0 =	vld @!p1 [tilespmem:s13+$0x13E10];
	_ =	sdelay $0x4  }
0x84: {  	v0 =	vand.u32 @!p1 $0x3FFF, v0  }
0x85: {  	[tilespmem:$0x1F090] =	vst @!p1 v0  }
0x86: {  	v0 =	vld @!p1 [tilespmem:s13+$0x13E20];
	_ =	sdelay $0x4  }
0x87: {  	v0 =	vand.u32 @!p1 $0x3FFF, v0  }
0x88: {  	[tilespmem:$0x1F0A0] =	vst @!p1 v0  }
0x89: {  	v0 =	vld @!p1 [tilespmem:s13+$0x13E30];
	_ =	sdelay $0x4  }
0x8a: {  	v0 =	vand.u32 @!p1 $0x3FFF, v0  }
0x8b: {  	s16 =	simm.s32 @!p1 $0x1F080;
	s6 =	simm.s32 @!p1 $0x19080;
	s13 =	simm.s32 @!p1 $0x40;
	[tilespmem:$0x1F0B0] =	vst @!p1 v0  }
0x8c: {  	[tilespmem:s6], [sflag:$0x1] =	stream.indirect.gather @!p1 [hbm4b:s1+s13], $0x80, s16, s13, $0xb8;
	[tilespmem:$0x1F380] =	vst v63  }
0x8d: {  	_ =	swait.ge [sflag:s28], $0x2000  }
0x8e: {  	[sflag:s28] =	ssyncset.done $0x0  }
0x8f: {  	[sflag:s28] =	ssyncadd.s32 $0xFFFFE000  }
0x90: {  	v63 =	vld [tilespmem:s4+$0x13D80];
	_ =	sdelay $0x4  }
0x91: {  	v0 =	vshrl.u32 v63, $0xE  }
0x92: {  	v0 =	vand.u32 $0x3FFF, v0  }
0x93: {  	[tilespmem:$0x1F300] =	vst v0  }
0x94: {  	v0 =	vld [tilespmem:s4+$0x13D90];
	_ =	sdelay $0x4  }
0x95: {  	v0 =	vshrl.u32 v0, $0xE  }
0x96: {  	v0 =	vand.u32 $0x3FFF, v0  }
0x97: {  	[tilespmem:$0x1F310] =	vst v0  }
0x98: {  	v0 =	vld [tilespmem:s4+$0x13DA0];
	_ =	sdelay $0x4  }
0x99: {  	v0 =	vshrl.u32 v0, $0xE  }
0x9a: {  	v0 =	vand.u32 $0x3FFF, v0  }
0x9b: {  	[tilespmem:$0x1F320] =	vst v0  }
0x9c: {  	v0 =	vld [tilespmem:s4+$0x13DB0];
	_ =	sdelay $0x4  }
0x9d: {  	v0 =	vshrl.u32 v0, $0xE  }
0x9e: {  	v0 =	vand.u32 $0x3FFF, v0  }
.Ltmp2:
0x9f: {  	[tilespmem:$0x1F330] =	vst v0;
	(pc) =	sbr.rel @p1 .LBB2_4-.Ltmp2, $4  }
0xa0: {  	[spmem:s3] =	stream.indirect.scatter.add.f32 [tilespmem:s23], [sflag:$0x6], $0x80, s29, s15, $0xb8;
	[tilespmem:$0x1F380] =	vst v63  }
0xa1: {  	_ =	swait.ge [sflag:s30], $0x2000  }
0xa2: {  	[sflag:s30] =	ssyncset.done $0x0  }
0xa3: {  	[sflag:s30] =	ssyncadd.s32 $0xFFFFE000  }
0xa4: {  	v0 =	vld [tilespmem:s4+$0x13E80];
	_ =	sdelay $0x4  }
0xa5: {  	v0 =	vand.u32 $0x3FFF, v0  }
0xa6: {  	[tilespmem:$0x1F100] =	vst v0  }
0xa7: {  	v0 =	vld [tilespmem:s4+$0x13E90];
	_ =	sdelay $0x4  }
0xa8: {  	v0 =	vand.u32 $0x3FFF, v0  }
0xa9: {  	[tilespmem:$0x1F110] =	vst v0  }
0xaa: {  	v0 =	vld [tilespmem:s4+$0x13EA0];
	_ =	sdelay $0x4  }
0xab: {  	v0 =	vand.u32 $0x3FFF, v0  }
0xac: {  	[tilespmem:$0x1F120] =	vst v0  }
0xad: {  	v0 =	vld [tilespmem:s4+$0x13EB0];
	_ =	sdelay $0x2  }
.Ltmp3:
0xae: {  	_ = 	snop;
	(pc) =	sbr.rel .LBB2_2-.Ltmp3, $4  }
0xaf: {  	_ = 	snop  }
0xb0: {  	v0 =	vand.u32 $0x3FFF, v0  }
0xb1: {  	s0 =	sadd.s32 $0x600, s0;
	[tilespmem:$0x1F130] =	vst v0  }
0xb2: {  	[tilespmem:s19], [sflag:$0x2] =	stream.indirect.gather [hbm4b:s1+s15], $0x80, s18, s15, $0xb8;
	[tilespmem:$0x1F380] =	vst v63  }
.LBB2_5:
0xb3: {  	_ =	sfence.sel $0x180000  }
0xb4: {  	[bflag:$0x0] =	sbarrier.arrive $0xFFFF  }
0xb5: {  	_ =	strace $0x9000004D  }
0xb6: {  	s0 =	stileid.u32;
	[bflag:$0x2] =	sbarrier.arrive $0xFFFF  }
0xb7: {  	p0 =	sne.s32 s0, $0x0;
	s0 =	rddreg [dreg:$0x3]  }
0xb8: {  	s0 =	sadd.s32 @!p0 $0x100000, s0  }
0xb9: {  	[sflag:s0] =	ssyncadd.tile.s32 @!p0 $0x1;
	_ =	shalt  }
.Lfunc_end2:
_tile_overlayer_lowered:
.L_overlay_start_2:
0xba: {  	(tag) =	ssettag $0x2  }
0xbb: {  	s0 =	rddreg [dreg:$0x0];
	s2 =	stileid.u32  }
0xbc: {  	s1 =	rddreg [dreg:$0x1];
	p0 =	sne.s32 s2, $0x0  }
0xbd: {  	s3 =	rddreg [dreg:$0x2];
	[bflag:$0x3] =	sbarrier.arrive $0xFFFF;
	s2 =	simm.s32 @!p0 $0x1C07  }
0xbe: {  	[timem:s3], [sflag:s2] =	dma.local @!p0 [hbm:s0], s1  }
0xbf: {  	s0 =	simm.s32 @!p0 $0x7  }
0xc0: {  	_ =	swait.ge @!p0 [sflag:s0], s1  }
0xc1: {  	s1 =	ssub.s32 @!p0 $0x0, s1;
	[sflag:s0] =	ssyncset.done @!p0 $0x0  }
0xc2: {  	[sflag:s0] =	ssyncadd.s32 @!p0 s1  }
0xc3: {  	[bflag:$0x3] =	sbarrier.arrive $0xFFFF  }
0xc4: {  	_ =	shalt  }

// kernel: kernel.9.cloned.1.call-start
scs
__scs_entry_jumppad:
0x0: {  	(pc) =	sbr.rel $0x88, $3  }
0x1: {  	(tag) =	ssettag $0x0;
	lr =	simm.s32 $0x1  }
0x2: {  	[smem:$0x3F9B] =	sst lr;
	_ =	strace $0xD0000000  }
0x3: {  	_ = 	snop  }
0x4: {  	_ = 	snop  }
0x5: {  	_ = 	snop  }
0x6: {  	_ = 	snop  }
0x7: {  	_ = 	snop  }
__scs_overlays_trampoline_lowered:
0x8: {  	[smem:$0x3FAA] =	sst s0  }
0x9: {  	[smem:$0x3FAB] =	sst s1  }
0xa: {  	[smem:$0x3FAC] =	sst s2  }
0xb: {  	[smem:$0x3FAD] =	sst s3  }
0xc: {  	[smem:$0x3FAE] =	sst s4  }
0xd: {  	[smem:$0x3FAF] =	sst s5  }
0xe: {  	[smem:$0x3FB0] =	sst s6  }
0xf: {  	[smem:$0x3FB1] =	sst s7  }
0x10: {  	[smem:$0x3FB2] =	sst s8  }
0x11: {  	[smem:$0x3FB3] =	sst s9;
	s0 =	simm.s32 @!p0 $0x0  }
0x12: {  	s1 =	sld [smem:$0x3F99];
	s0 =	simm.s32 @p0 $0x1  }
0x13: {  	[smem:$0x3FB4] =	sst s0;
	s0 =	simm.s32 @!p1 $0x0  }
0x14: {  	s2 =	sld [smem:$0x3F98];
	s0 =	simm.s32 @p1 $0x1  }
0x15: {  	[smem:$0x3FB5] =	sst s0;
	s0 =	simm.s32 @!p2 $0x0  }
0x16: {  	s3 =	sld [smem:$0x3FDB];
	s0 =	simm.s32 @p2 $0x1  }
0x17: {  	s4 =	simm.s32 $0x1BF5;
	[smem:$0x3FB7] =	sst s0  }
0x18: {  	s0 =	sld [smem:$0x3F9A];
	_ =	swait.ge [sflag:s4], $0x0  }
0x19: {  	s7 =	sld [smem:$0x3F9B]  }
0x1a: {  	s8 =	sadd.s32 $0xFFFFE003, lr  }
0x1b: {  	s9 =	sadd.s32 $0xFFFFFEF7, lr;
	s5 =	simm.s32 $0xFFFFFFFF;
	p2 =	slt.u32 s8, $0xFFFFF086  }
0x1c: {  	p1 =	slt.u32 s9, $0xF7A;
	s5 =	simm.s32 @!p2 $0x0  }
0x1d: {  	s5 =	simm.s32 @p1 $0x1;
	p0 =	seq.s32 s7, s2  }
0x1e: {  	s7 =	smul.u32 @!p0 $0xF7A, s2;
	p2 =	seq.s32 @!p0 s5, $0x0  }
0x1f: {  	s9 =	smul.u32 $0xF7A, s1;
	s8 =	simm.s32 @!p0 $0x1BF5;
	p2 =	por !p2, p0  }
0x20: {  	[sflag:s8] =	ssyncset.s32 @!p0 $0xFFFFF086;
	s6 =	sadd.s32 @!p0 s3, s7;
	s7 =	simm.s32 @!p0 $0x108  }
0x21: {  	s3 =	sadd.s32 s3, s9;
	s6 =	sadd.s32 @!p0 $0x88, s6;
	s7 =	simm.s32 @p2 $0x1082  }
0x22: {  	[simem:s7], [sflag:s8] =	dma.local @!p0 [hbm:s6], $0xF7A  }
0x23: {  	s9 =	sor.u32 $0xD0000000, s2;
	s6 =	simm.s32 $0x108;
	_ =	swait.ge @!p0 [sflag:s8], $0x0  }
0x24: {  	s3 =	sadd.s32 $0x88, s3;
	s6 =	simm.s32 @!p1 $0x1082;
	[sflag:s4] =	ssyncset.s32 $0xFFFFF086  }
0x25: {  	[simem:s6], [sflag:s4] =	dma.local [hbm:s3], $0xF7A  }
0x26: {  	[smem:$0x3F9B] =	sst s1;
	(tag) =	ssettag s2;
	_ =	strace s9  }
0x27: {  	s1 =	sld [smem:$0x3FAB]  }
0x28: {  	s2 =	sld [smem:$0x3FAC]  }
0x29: {  	s4 =	sld [smem:$0x3FAE]  }
0x2a: {  	p0 =	seq.s32 s5, $0x0;
	s5 =	sld [smem:$0x3FAF]  }
0x2b: {  	s6 =	sld [smem:$0x3FB0]  }
0x2c: {  	s7 =	sld [smem:$0x3FB1]  }
0x2d: {  	s3 =	simm.s32 $0x108;
	s8 =	sld [smem:$0x3FB2]  }
0x2e: {  	s3 =	simm.s32 @!p0 $0x1082;
	s9 =	sld [smem:$0x3FB3]  }
0x2f: {  	lr =	sadd.s32 s0, s3;
	s0 =	sld [smem:$0x3FAA]  }
0x30: {  	s3 =	sld [smem:$0x3FAD]  }
0x31: {  	[smem:$0x3FB6] =	sst s10  }
0x32: {  	s10 =	sld [smem:$0x3FB4];
	_ =	sdelay $0x3  }
0x33: {  	p0 =	seq.s32 s10, $0x1;
	s10 =	sld [smem:$0x3FB6];
	_ =	sdelay $0x3  }
0x34: {  	[smem:$0x3FB6] =	sst s10  }
0x35: {  	s10 =	sld [smem:$0x3FB5];
	_ =	sdelay $0x3  }
0x36: {  	p1 =	seq.s32 s10, $0x1;
	s10 =	sld [smem:$0x3FB6];
	_ =	sdelay $0x3  }
0x37: {  	[smem:$0x3FB6] =	sst s10  }
0x38: {  	s10 =	sld [smem:$0x3FB7]  }
0x39: {  	_ = 	snop;
	(pc) =	sbr.ind lr, $3  }
0x3a: {  	_ = 	snop  }
0x3b: {  	_ = 	snop  }
0x3c: {  	p2 =	seq.s32 s10, $0x1;
	s10 =	sld [smem:$0x3FB6]  }
0x3d: {  	_ =	shalt  }
0x3e: {  	_ =	shalt  }
0x3f: {  	_ =	shalt  }
0x40: {  	_ =	shalt  }
0x41: {  	_ =	shalt  }
0x42: {  	_ =	shalt  }
0x43: {  	_ =	shalt  }
0x44: {  	_ =	shalt  }
0x45: {  	_ =	shalt  }
0x46: {  	_ =	shalt  }
0x47: {  	_ =	shalt  }
0x48: {  	_ =	shalt  }
0x49: {  	_ =	shalt  }
0x4a: {  	_ =	shalt  }
0x4b: {  	_ =	shalt  }
0x4c: {  	_ =	shalt  }
0x4d: {  	_ =	shalt  }
0x4e: {  	_ =	shalt  }
0x4f: {  	_ =	shalt  }
0x50: {  	_ =	shalt  }
0x51: {  	_ =	shalt  }
0x52: {  	_ =	shalt  }
0x53: {  	_ =	shalt  }
0x54: {  	_ =	shalt  }
0x55: {  	_ =	shalt  }
0x56: {  	_ =	shalt  }
0x57: {  	_ =	shalt  }
0x58: {  	_ =	shalt  }
0x59: {  	_ =	shalt  }
0x5a: {  	_ =	shalt  }
0x5b: {  	_ =	shalt  }
0x5c: {  	_ =	shalt  }
0x5d: {  	_ =	shalt  }
0x5e: {  	_ =	shalt  }
0x5f: {  	_ =	shalt  }
0x60: {  	_ =	shalt  }
0x61: {  	_ =	shalt  }
0x62: {  	_ =	shalt  }
0x63: {  	_ =	shalt  }
0x64: {  	_ =	shalt  }
0x65: {  	_ =	shalt  }
0x66: {  	_ =	shalt  }
0x67: {  	_ =	shalt  }
0x68: {  	_ =	shalt  }
0x69: {  	_ =	shalt  }
0x6a: {  	_ =	shalt  }
0x6b: {  	_ =	shalt  }
0x6c: {  	_ =	shalt  }
0x6d: {  	_ =	shalt  }
0x6e: {  	_ =	shalt  }
0x6f: {  	_ =	shalt  }
0x70: {  	_ =	shalt  }
0x71: {  	_ =	shalt  }
0x72: {  	_ =	shalt  }
0x73: {  	_ =	shalt  }
0x74: {  	_ =	shalt  }
0x75: {  	_ =	shalt  }
0x76: {  	_ =	shalt  }
0x77: {  	_ =	shalt  }
0x78: {  	_ =	shalt  }
0x79: {  	_ =	shalt  }
0x7a: {  	_ =	shalt  }
0x7b: {  	_ =	shalt  }
0x7c: {  	_ =	shalt  }
0x7d: {  	_ =	shalt  }
0x7e: {  	_ =	shalt  }
0x7f: {  	_ =	shalt  }
0x80: {  	_ =	shalt  }
0x81: {  	_ =	shalt  }
0x82: {  	_ =	shalt  }
0x83: {  	_ =	shalt  }
0x84: {  	_ =	shalt  }
0x85: {  	_ =	shalt  }
0x86: {  	_ =	shalt  }
0x87: {  	_ =	shalt  }
.Lfunc_end0:
.L_simem_size_0:
called_computation_lowered:
.L_overlay_start_0:
0x88: {  	s2 =	sld [smem:$0x3FD9]  }
0x89: {  	s3 =	sld [smem:$0x3FFE];
	_ =	sdelay $0x1  }
0x8a: {  	s1 =	srdreg.scid  }
0x8b: {  	s0 =	sand.u32 $0x1, s1  }
0x8c: {  	s17 =	sshll.u32 s0, $0xA;
	s2 =	sadd.s32 s3, s2  }
0x8d: {  	s2 =	sadd.s32 s2, s17  }
0x8e: {  	[smem:$0x3FC2] =	sst s2  }
0x8f: {  	_ = 	snop  }
0x90: {  	s2 =	sld [smem:$0x3FD0];
	(tm) =	ssettm $0x1  }
0x91: {  	s18 =	sld [smem:$0x3FFB];
	_ =	sdelay $0x3  }
0x92: {  	_ =	strace s18  }
0x93: {  	s3 =	sld [smem:$0x3FFC];
	_ =	sdelay $0x3  }
0x94: {  	_ =	strace s3  }
0x95: {  	s3 =	sld [smem:$0x3FFD];
	_ =	sdelay $0x3  }
0x96: {  	_ =	strace s3  }
0x97: {  	_ =	strace $0x8FFFFFFF  }
0x98: {  	s19 =	sld [smem:$0x3FDB];
	_ =	sdelay $0x1  }
0x99: {  	s4 =	simm.s32 $_scs_section_size  }
0x9a: {  	s5 =	simm.s32 $_size__tile_overlayer_lowered;
	s6 =	simm.s32 $_tile_overlayer_lowered  }
0x9b: {  	s22 =	simm.s32 $0x1BFF;
	s21 =	sshll.u32 s6, $0x1;
	s3 =	sadd.s32 s4, s19  }
0x9c: {  	s7 =	simm.s32 $0x0;
	s20 =	sshll.u32 s5, $0x1;
	s5 =	sadd.s32 s21, s3  }
0x9d: {  	[timem:s7], [sflag:s22] =	dma.local [hbm:s5], s20  }
0x9e: {  	_ =	swait.ge [sflag:s22], s20  }
0x9f: {  	s4 =	ssub.s32 $0x0, s20;
	[sflag:s22] =	ssyncset.done $0x0  }
0xa0: {  	[sflag:s22] =	ssyncadd.s32 s4;
	_ =	sdelay $0x1  }
0xa1: {  	s23 =	simm.s32 $0x1B8B  }
0xa2: {  	_ =	swait.ge [sflag:s23], $0x1  }
0xa3: {  	[sflag:s23] =	ssyncset.done $0x0  }
0xa4: {  	s25 =	simm.s32 $0x1B8E;
	s24 =	sld [smem:$0x3FFE];
	[sflag:s23] =	ssyncadd.s32 $0xFFFFFFFF  }
0xa5: {  	s26 =	simm.s32 $execute0_lowered;
	[smem:$0x3FD2] =	sst s25  }
0xa6: {  	s5 =	sshll.u32 s26, $0x1;
	_ =	strace $0x80000046;
	[dreg:$0x1] =	wrdreg $0xFFFFFFFF  }
0xa7: {  	s28 =	simm.s32 $_size_execute0_lowered;
	s3 =	sadd.s32 s3, s5;
	[dreg:$0x0] =	wrdreg $0x0  }
0xa8: {  	s5 =	sshll.u32 s28, $0x1;
	[dreg:$0x2] =	wrdreg s3  }
0xa9: {  	[dreg:$0x3] =	wrdreg s5  }
0xaa: {  	[dreg:$0x4] =	wrdreg $0xC0  }
0xab: {  	_ =	task [dreg:s7], $0x5FFFF  }
0xac: {  	[dreg:$0x1] =	wrdreg $0xFFFFFFFF  }
0xad: {  	[dreg:$0x0] =	wrdreg $0x60  }
0xae: {  	[dreg:$0x2] =	wrdreg s2  }
0xaf: {  	[dreg:$0x3] =	wrdreg s24  }
0xb0: {  	[dreg:$0x4] =	wrdreg $0x0  }
0xb1: {  	[dreg:$0x5] =	wrdreg $0x9  }
0xb2: {  	_ =	task.clear_ibuf [dreg:s7], $0x6FFFF;
	_ =	strace $0x90000046  }
0xb3: {  	s29 =	simm.s32 $0x9;
	_ =	strace $0x80000048  }
0xb4: {  	_ =	swait.ge [sflag:s29], $0x1  }
0xb5: {  	[sflag:s29] =	ssyncadd.s32 $0xFFFFFFFF  }
0xb6: {  	_ =	strace $0x90000048  }
0xb7: {  	_ =	sfence  }
0xb8: {  	s30 =	sld [smem:$0x0];
	_ =	sdelay $0x2  }
0xb9: {  	s31 =	sshll.u32 s1, $0xD;
	s1 =	sshrl.u32 s1, $0x2  }
0xba: {  	s3 =	sand.u32 $0x4000, s31;
	s1 =	sadd.s32 s1, s30  }
0xbb: {  	s0 =	sor.u32 s3, s0;
	s1 =	sshll.u32 s1, $0x11  }
0xbc: {  	s0 =	sor.u32 s1, s0  }
0xbd: {  	s0 =	sadd.s32 $0x8F2B, s0  }
0xbe: {  	[sflag:s0] =	ssyncadd.remote.s32 $0x1  }
0xbf: {  	_ =	sfence.sel $0xFFFF  }
0xc0: {  	[dreg:$0x0] =	wrdreg $0xFFFFFFFF;
	(pc) =	sbr.abs _section_cstart, $3  }
0xc1: {  	[dreg:$0x1] =	wrdreg $0xFFFFFFFF  }
0xc2: {  	_ =	task.clear_ibuf [dreg:s7], $0x2FFFF;
	_ =	strace $0x9FFFFFFF  }
0xc3: {  	(tm) =	ssettm $0x7FFFFFFF  }
tec
execute0_lowered:
.L_overlay_start_1:
0x0: {  	(tag) =	ssettag $0x1  }
0x1: {  	s6 =	rddreg [dreg:$0x0]  }
0x2: {  	s7 =	rddreg [dreg:$0x1]  }
0x3: {  	s1 =	rddreg [dreg:$0x2]  }
0x4: {  	s0 =	rddreg [dreg:$0x3];
	s2 =	simm.s32 $0x0  }
0x5: {  	s8 =	srdreg.scid;
	s3 =	stileid.u32;
	s15 =	simm.s32 $0x15C80  }
0x6: {  	s16 =	simm.s32 $0x40;
	s17 =	simm.s32 $0x1;
	s18 =	simm.s32 $0x0  }
0x7: {  	[smem:$0x7FF] =	sst s2;
	s4 =	sadd.s32 $0x2600, s7;
	s5 =	sadd.s32 $0x2A00, s7  }
0x8: {  	s9 =	sadd.s32 $0x5200, s7;
	s26 =	sand.u32 $0x1, s8;
	s28 =	smul.u32 $0x4F000, s3  }
0x9: {  	s13 =	smul.u32 $0x13C00, s3;
	s14 =	sadd.s32 $0x128400, s1;
	p0 =	seq.s32 s3, $0xF  }
0xa: {  	_ =	strace $0x80000047;
	s10 =	ssub.s32 $0x2, s26;
	s11 =	sshll.u32 s26, $0x4  }
0xb: {  	s7 =	smul.u32 $0x138800, s26;
	s12 =	sshrl.u32 s10, $0x1;
	s11 =	sor.u32 s3, s11  }
0xc: {  	s8 =	sshrl.u32 s28, $0x2;
	s10 =	ssub.s32 s10, s12;
	s11 =	smul.u32 $0xA80, s11  }
0xd: {  	s12 =	sadd.s32 s8, s1;
	s29 =	sadd.s32 s13, s7;
	s30 =	sshrl.u32 s7, $0x3  }
0xe: {  	s13 =	simm.s32 $0x13C80;
	s8 =	sshrl.u32 s29, $0x3;
	s31 =	sadd.s32 s9, s30  }
0xf: {  	s12 =	sshrl.u32 @!p0 s12, $0x3;
	s6 =	sadd.s32 s6, s11;
	s7 =	sadd.s32 s9, s8  }
0x10: {  	s8 =	sadd.s32 $0x25080, s31;
	s9 =	smax.u32 s10, $0x1;
	s11 =	sshll.u32 @!p0 s3, $0x6  }
0x11: {  	s10 =	sshrl.u32 @p0 s14, $0x3;
	s14 =	simm.s32 $0x2;
	s11 =	sor.u32 @!p0 $0x1C02, s11  }
.LBB2_1:
0x12: {  	s19 =	simm.s32 @p0 $0x1FC2  }
0x13: {  	[spmem:s10], [sflag:s19] =	dma.local @p0 [hbm:s5], $0x2080  }
0x14: {  	s19 =	simm.s32 @p0 $0x2  }
0x15: {  	_ =	swait.ge @p0 [sflag:s19], $0x2080  }
0x16: {  	[sflag:s19] =	ssyncset.done @p0 $0x0  }
0x17: {  	[sflag:s19] =	ssyncadd.s32 @p0 $0xFFFFDF80;
	s19 =	simm.s32 @!p0 $0x2  }
0x18: {  	[spmem:s12], [sflag:s11] =	dma.local @!p0 [hbm:s5], $0x2780  }
0x19: {  	_ =	swait.ge @!p0 [sflag:s19], $0x2780  }
0x1a: {  	[sflag:s19] =	ssyncset.done @!p0 $0x0  }
0x1b: {  	[sflag:s19] =	ssyncadd.s32 @!p0 $0xFFFFD880  }
0x1c: {  	[tilespmem:s13], [sflag:$0x2] =	stream.linear.gather [hbm4b:s4+s2], $0x2000, $0x38;
	[tilespmem:$0x1B080] =	vst v63  }
0x1d: {  	_ =	swait.ge [sflag:s14], $0x2000  }
0x1e: {  	[sflag:s14] =	ssyncset.done $0x0  }
0x1f: {  	[sflag:s14] =	ssyncadd.s32 $0xFFFFE000  }
0x20: {  	[tilespmem:s15], [sflag:$0x2] =	stream.linear.gather [hbm4b:s6+s2], $0x5100, $0x38;
	[tilespmem:$0x1B080] =	vst v63  }
0x21: {  	_ =	swait.ge [sflag:s14], $0x5100  }
0x22: {  	[sflag:s14] =	ssyncset.done $0x0  }
0x23: {  	[sflag:s14] =	ssyncadd.s32 $0xFFFFAF00  }
0x24: {  	s19 =	simm.s32 $0x0;
	[bflag:$0x0] =	sbarrier.arrive $0xFFFF  }
.LBB2_2:
0x25: {  	p1 =	sne.s32 s19, $0x14200  }
.Ltmp0:
0x26: {  	_ = 	snop;
	(pc) =	sbr.rel @p1 .LBB2_2-.Ltmp0, $4  }
0x27: {  	_ = 	snop  }
0x28: {  	s20 =	sshra.s32 s19, $0x2  }
0x29: {  	s19 =	sadd.s32 $0x200, s19;
	s20 =	sadd.s32 $0x15C80, s20  }
0x2a: {  	[spmem:s1] =	stream.indirect.scatter.add.f32 [tilespmem:s13], [sflag:$0x1], $0x80, s20, s16, $0xb8;
	[tilespmem:$0x1B080] =	vst v63  }
0x2b: {  	_ =	swait.ge [sflag:s17], $0x2000  }
0x2c: {  	s19 =	simm.s32 $0xA1;
	[sflag:s17] =	ssyncset.done $0x0  }
.LBB2_4:
0x2d: {  	p1 =	sne.s32 s19, $0x1;
	s19 =	sadd.s32 $0xFFFFFFFF, s19;
	[sflag:s17] =	ssyncadd.s32 $0xFFFFE000  }
.Ltmp1:
0x2e: {  	(pc) =	sbr.rel @p1 .LBB2_4-.Ltmp1, $3  }
0x2f: {  	_ =	sdelay $0x1  }
0x30: {  	_ =	swait.ge [sflag:s17], $0x2000  }
0x31: {  	[sflag:s17] =	ssyncset.done $0x0  }
0x32: {  	[sflag:s17] =	ssyncadd.s32 $0xFFFFE000  }
0x33: {  	s19 =	simm.s32 @p0 $0x1FC2;
	[bflag:$0x0] =	sbarrier.arrive $0xFFFF  }
0x34: {  	[hbm:s8], [sflag:s19] =	dma.local @p0 [spmem:s10], $0x2080  }
0x35: {  	s19 =	simm.s32 @p0 $0x2  }
0x36: {  	s18 =	sadd.s32 $0x1, s18;
	_ =	swait.ge @p0 [sflag:s19], $0x2080  }
0x37: {  	p1 =	sne.s32 s18, s9;
	[sflag:s19] =	ssyncset.done @p0 $0x0  }
.Ltmp2:
0x38: {  	[sflag:s19] =	ssyncadd.s32 @p0 $0xFFFFDF80;
	s19 =	simm.s32 @!p0 $0x2;
	(pc) =	sbr.rel @p1 .LBB2_1-.Ltmp2, $4  }
0x39: {  	[hbm:s7], [sflag:s11] =	dma.local @!p0 [spmem:s12], $0x2780  }
0x3a: {  	_ =	swait.ge @!p0 [sflag:s19], $0x2780  }
0x3b: {  	[sflag:s19] =	ssyncset.done @!p0 $0x0  }
0x3c: {  	[sflag:s19] =	ssyncadd.s32 @!p0 $0xFFFFD880  }
0x3d: {  	_ =	sfence.sel $0x180000  }
0x3e: {  	[bflag:$0x0] =	sbarrier.arrive $0xFFFF  }
0x3f: {  	p0 =	sne.s32 s3, $0x0;
	_ =	strace $0x90000047  }
0x40: {  	s0 =	sadd.s32 @!p0 $0x100000, s0;
	[bflag:$0x2] =	sbarrier.arrive $0xFFFF  }
0x41: {  	[sflag:s0] =	ssyncadd.tile.s32 @!p0 $0x1;
	_ =	shalt  }
.Lfunc_end2:
_tile_overlayer_lowered:
.L_overlay_start_2:
0x42: {  	(tag) =	ssettag $0x2  }
0x43: {  	s0 =	rddreg [dreg:$0x0];
	s2 =	stileid.u32  }
0x44: {  	s1 =	rddreg [dreg:$0x1];
	p0 =	sne.s32 s2, $0x0  }
0x45: {  	s3 =	rddreg [dreg:$0x2];
	[bflag:$0x3] =	sbarrier.arrive $0xFFFF;
	s2 =	simm.s32 @!p0 $0x1C02  }
0x46: {  	[timem:s3], [sflag:s2] =	dma.local @!p0 [hbm:s0], s1  }
0x47: {  	s0 =	simm.s32 @!p0 $0x2  }
0x48: {  	_ =	swait.ge @!p0 [sflag:s0], s1  }
0x49: {  	s1 =	ssub.s32 @!p0 $0x0, s1;
	[sflag:s0] =	ssyncset.done @!p0 $0x0  }
0x4a: {  	[sflag:s0] =	ssyncadd.s32 @!p0 s1  }
0x4b: {  	[bflag:$0x3] =	sbarrier.arrive $0xFFFF  }
0x4c: {  	_ =	shalt  }

</sc_bundles>
